<compile_context>
chip_gen: v7x
topology: tpu7x:2x2x1
jax: 0.10.2.dev20260603
libtpu: 0.0.44.dev20260713+nightly
codegen_flags: <defaults>
</compile_context>

<pallas_src>
import functools

import jax
import jax.numpy as jnp
from jax import lax
from jax.experimental import pallas as pl
from jax.experimental.pallas import tpu as pltpu
from jax.experimental.pallas import tpu_sc as plsc

TOPK_K = 32
BPS = 2


def _topk_body(emb_ref, feat_ref, idx_ref, gidx_ref):
    step = pl.program_id(0)
    emb = emb_ref[...]
    n = feat_ref.shape[1]
    m_dim = emb.shape[0]
    parts = [
        lax.dot_general(
            emb, feat_ref[i], (((1,), (1,)), ((), ())),
            preferred_element_type=jnp.float32,
            precision=lax.Precision.DEFAULT,
        )
        for i in range(BPS)
    ]
    s = jnp.concatenate(parts, axis=0)
    rows = BPS * m_dim
    lane_iota_f = lax.broadcasted_iota(jnp.int32, (rows, n), 1).astype(jnp.float32)
    neg_inf = jnp.float32(jnp.finfo(jnp.float32).min)
    big_f = jnp.float32(n)
    cols = []
    for _ in range(TOPK_K):
        m = jnp.max(s, axis=1, keepdims=True)
        eqm = s == m
        cand = jnp.where(eqm, lane_iota_f, big_f)
        a = jnp.min(cand, axis=1, keepdims=True)
        cols.append(a)
        s = jnp.where(cand == a, neg_inf, s)
    idx = jnp.concatenate(cols, axis=1).astype(jnp.int32)
    idx3 = idx.reshape(BPS, m_dim, TOPK_K)
    idx_ref[...] = idx3
    base = (step * BPS + lax.broadcasted_iota(jnp.int32, (BPS, 1, 1), 0)) * n
    gidx_ref[...] = idx3 + base


def _topk_call(node_feature, node_embeddings):
    B, N, D = node_feature.shape
    M = node_embeddings.shape[0]
    out_shapes = (
        jax.ShapeDtypeStruct((B, M, TOPK_K), jnp.int32),
        jax.ShapeDtypeStruct((B, M, TOPK_K), jnp.int32),
    )
    return pl.pallas_call(
        _topk_body,
        grid=(B // BPS,),
        in_specs=[
            pl.BlockSpec((M, D), lambda b: (0, 0)),
            pl.BlockSpec((BPS, N, D), lambda b: (b, 0, 0)),
        ],
        out_specs=(
            pl.BlockSpec((BPS, M, TOPK_K), lambda b: (b, 0, 0)),
            pl.BlockSpec((BPS, M, TOPK_K), lambda b: (b, 0, 0)),
        ),
        out_shape=out_shapes,
        compiler_params=pltpu.CompilerParams(
            dimension_semantics=("arbitrary",),
        ),
    )(node_embeddings, node_feature)


def _make_sc_gather(R, V, D):
    info = plsc.get_sparse_core_info()
    NC, NS = info.num_cores, info.num_subcores
    NW = NC * NS
    rows_per_w = R // NW
    CH = 128
    n_ch = rows_per_w // CH
    mesh = plsc.VectorSubcoreMesh(core_axis_name="c", subcore_axis_name="s")

    @functools.partial(
        pl.kernel,
        mesh=mesh,
        out_type=jax.ShapeDtypeStruct((R, D), jnp.float32),
        scratch_types=[
            pltpu.VMEM((CH,), jnp.int32),
            pltpu.VMEM((CH,), jnp.int32),
            pltpu.VMEM((CH, D), jnp.float32),
            pltpu.VMEM((CH, D), jnp.float32),
            pltpu.SemaphoreType.DMA,
            pltpu.SemaphoreType.DMA,
            pltpu.SemaphoreType.DMA,
            pltpu.SemaphoreType.DMA,
            pltpu.SemaphoreType.DMA,
            pltpu.SemaphoreType.DMA,
        ],
    )
    def gather_kernel(table_hbm, gidx_hbm, out_hbm,
                      idx_v0, idx_v1, rows_v0, rows_v1,
                      isem0, isem1, gsem0, gsem1, ssem0, ssem1):
        wid = lax.axis_index("s") * NC + lax.axis_index("c")
        base = wid * rows_per_w
        idx_v = (idx_v0, idx_v1)
        rows_v = (rows_v0, rows_v1)
        isem = (isem0, isem1)
        gsem = (gsem0, gsem1)
        ssem = (ssem0, ssem1)

        def start_idx(c):
            b = c % 2
            pltpu.async_copy(gidx_hbm.at[pl.ds(base + c * CH, CH)], idx_v[b], isem[b])

        def start_gather(c):
            b = c % 2
            pltpu.make_async_copy(gidx_hbm.at[pl.ds(base, CH)], idx_v[b], isem[b]).wait()
            pltpu.async_copy(table_hbm.at[idx_v[b]], rows_v[b], gsem[b])

        def start_scatter(c):
            b = c % 2
            pltpu.make_async_copy(table_hbm.at[idx_v[b]], rows_v[b], gsem[b]).wait()
            pltpu.async_copy(rows_v[b], out_hbm.at[pl.ds(base + c * CH, CH)], ssem[b])

        def wait_scatter(c):
            b = c % 2
            pltpu.make_async_copy(rows_v[b], out_hbm.at[pl.ds(base, CH)], ssem[b]).wait()

        start_idx(0)
        start_gather(0)
        for c in range(1, n_ch):
            start_idx(c)
            start_scatter(c - 1)
            if c >= 2:
                wait_scatter(c - 2)
            start_gather(c)
        start_scatter(n_ch - 1)
        wait_scatter(n_ch - 2)
        wait_scatter(n_ch - 1)

    return gather_kernel


def kernel(node_feature, node_embeddings):
    B, N, D = node_feature.shape
    M = node_embeddings.shape[0]
    K = TOPK_K
    idx, gidx = _topk_call(node_feature, node_embeddings)
    table = node_feature.reshape(B * N, D)
    sel = _make_sc_gather(B * M * K, B * N, D)(table, gidx.reshape(-1))
    sel = sel.reshape(B, M, K, D)
    batch_indices = jnp.broadcast_to(
        jnp.arange(B, dtype=idx.dtype)[:, None, None], (B, M, K)
    )
    return sel, batch_indices, idx

# --- scband reference (transcript-rebuilt; emitter-appended) ---
"""Pipeline reference for scband-nodeselection-10161892622585 (READ-ONLY COPY).

The authoritative reference and input builder live on the scoring server;
editing this copy changes nothing except your own understanding.
"""

import jax, jax.numpy as jnp
import numpy as np

TOPK = 32

def setup_inputs(seed: int = 0) -> dict:
    key = jax.random.key(seed)
    k1, k2 = jax.random.split(key)
    node_feature = jax.random.normal(k1, (32, 4096, 256), dtype=jnp.float32)
    # learned parameter: self.node_embeddings of shape [memory_node, time_dim]
    node_embeddings = jax.random.normal(k2, (64, 256), dtype=jnp.float32)
    return {"node_feature": node_feature, "node_embeddings": node_embeddings}

def reference(node_feature, node_embeddings):
    # supports2 = softmax(node_embeddings @ node_feature^T) over last dim -> [B, M, N]
    scores = jnp.einsum('md,bnd->bmn', node_embeddings, node_feature)
    supports2 = jax.nn.softmax(scores, axis=-1)
    values, indices = jax.lax.top_k(supports2, TOPK)  # sorted descending, matches torch.topk(sorted=True)
    B, M, K = indices.shape
    batch_indices = jnp.broadcast_to(jnp.arange(B)[:, None, None], (B, M, K))
    selected_nodes_features = node_feature[batch_indices, indices]  # [B, M, K, D]
    return (selected_nodes_features, batch_indices, indices)

if __name__ == "__main__":
    import jax
    _d = setup_inputs()
    print(jax.jit(kernel)(*tuple(_d.values())))

</pallas_src>

<mosaic_0001>
#map = affine_map<(d0, d1) -> (0, 0)>
#map1 = affine_map<(d0, d1) -> (0)>
module attributes {stable_mosaic.version = 14 : i64} {
  func.func @gather_kernel(%arg0: i32, %arg1: i32, %arg2: memref<131072x256xf32, #tpu.memory_space<hbm>>, %arg3: memref<65536xi32, #tpu.memory_space<hbm>>, %arg4: memref<65536x256xf32, #tpu.memory_space<hbm>>, %arg5: memref<128xi32, #tpu.memory_space<vmem>>, %arg6: memref<128xi32, #tpu.memory_space<vmem>>, %arg7: memref<128x256xf32, #tpu.memory_space<vmem>>, %arg8: memref<128x256xf32, #tpu.memory_space<vmem>>, %arg9: memref<!tpu.dma_semaphore, #tpu.memory_space<semaphore_mem>>, %arg10: memref<!tpu.dma_semaphore, #tpu.memory_space<semaphore_mem>>, %arg11: memref<!tpu.dma_semaphore, #tpu.memory_space<semaphore_mem>>, %arg12: memref<!tpu.dma_semaphore, #tpu.memory_space<semaphore_mem>>, %arg13: memref<!tpu.dma_semaphore, #tpu.memory_space<semaphore_mem>>, %arg14: memref<!tpu.dma_semaphore, #tpu.memory_space<semaphore_mem>>) attributes {dimension_semantics = [#tpu.dimension_semantics<core_parallel>, #tpu.dimension_semantics<subcore_parallel>], iteration_bounds = array<i64: 2, 16>, scalar_prefetch = 0 : i64, scratch_operands = 10 : i64, tpu.core_type = #tpu.core_type<sc_vector_subcore>, window_params = [{transform_indices = #map}, {transform_indices = #map1}, {transform_indices = #map}]} {
    %mul3A = arith.constant 2 : i32
    %mul3A_0 = arith.muli %arg1, %mul3A : i32
    %add3A = arith.addi %mul3A_0, %arg0 : i32
    %mul3A_1 = arith.constant 2048 : i32
    %mul3A_2 = arith.muli %add3A, %mul3A_1 : i32
    %add3A_3 = arith.constant 0 : i32
    %add3A_4 = arith.addi %mul3A_2, %add3A_3 : i32
    %dma_start3A = tpu.memref_slice %arg3[%add3A_4] : memref<65536xi32, #tpu.memory_space<hbm>> -> memref<128xi32, #tpu.memory_space<hbm>>
    %dma_start3A_5 = tpu.memref_slice %arg3[%add3A_4] : memref<65536xi32, #tpu.memory_space<hbm>> -> memref<128xi32, #tpu.memory_space<hbm>>
    tpu.enqueue_dma source(%dma_start3A_5 : memref<128xi32, #tpu.memory_space<hbm>>) target(%arg5 : memref<128xi32, #tpu.memory_space<vmem>>) target_semaphore(%arg9 : memref<!tpu.dma_semaphore, #tpu.memory_space<semaphore_mem>>)
    %dma_wait3A = tpu.memref_slice %arg3[%mul3A_2] : memref<65536xi32, #tpu.memory_space<hbm>> -> memref<128xi32, #tpu.memory_space<hbm>>
    %dma_wait3A_6 = tpu.memref_slice %arg3[%mul3A_2] : memref<65536xi32, #tpu.memory_space<hbm>> -> memref<128xi32, #tpu.memory_space<hbm>>
    tpu.wait_dma2 semaphore(%arg9 : memref<!tpu.dma_semaphore, #tpu.memory_space<semaphore_mem>>) src(%dma_wait3A_6 : memref<128xi32, #tpu.memory_space<hbm>>) dst(%arg5 : memref<128xi32, #tpu.memory_space<vmem>>)
    %dma_start3A_7 = arith.constant 0 : i32
    %dma_start3A_8 = arith.constant 0 : i32
    %dma_start3A_9 = tpu.memref_slice %arg2[%dma_start3A_7, %dma_start3A_8] : memref<131072x256xf32, #tpu.memory_space<hbm>> -> memref<131072x256xf32, #tpu.memory_space<hbm>>
    tpu.enqueue_indirect_dma source(%dma_start3A_9 : memref<131072x256xf32, #tpu.memory_space<hbm>>) target(%arg7 : memref<128x256xf32, #tpu.memory_space<vmem>>) offsets(%arg5 : memref<128xi32, #tpu.memory_space<vmem>>) semaphore(%arg11 : memref<!tpu.dma_semaphore, #tpu.memory_space<semaphore_mem>>)
    %add3A_10 = arith.constant 128 : i32
    %add3A_11 = arith.addi %mul3A_2, %add3A_10 : i32
    %dma_start3A_12 = tpu.memref_slice %arg3[%add3A_11] : memref<65536xi32, #tpu.memory_space<hbm>> -> memref<128xi32, #tpu.memory_space<hbm>>
    %dma_start3A_13 = tpu.memref_slice %arg3[%add3A_11] : memref<65536xi32, #tpu.memory_space<hbm>> -> memref<128xi32, #tpu.memory_space<hbm>>
    tpu.enqueue_dma source(%dma_start3A_13 : memref<128xi32, #tpu.memory_space<hbm>>) target(%arg6 : memref<128xi32, #tpu.memory_space<vmem>>) target_semaphore(%arg10 : memref<!tpu.dma_semaphore, #tpu.memory_space<semaphore_mem>>)
    %dma_wait3A_14 = arith.constant 0 : i32
    %dma_wait3A_15 = arith.constant 0 : i32
    %dma_wait3A_16 = tpu.memref_slice %arg2[%dma_wait3A_14, %dma_wait3A_15] : memref<131072x256xf32, #tpu.memory_space<hbm>> -> memref<131072x256xf32, #tpu.memory_space<hbm>>
    tpu.wait_indirect_dma semaphore(%arg11 : memref<!tpu.dma_semaphore, #tpu.memory_space<semaphore_mem>>) src(%dma_wait3A_16 : memref<131072x256xf32, #tpu.memory_space<hbm>>) dst(%arg7 : memref<128x256xf32, #tpu.memory_space<vmem>>)
    %add3A_17 = arith.constant 0 : i32
    %add3A_18 = arith.addi %mul3A_2, %add3A_17 : i32
    %dma_start3A_19 = arith.constant 0 : i32
    %dma_start3A_20 = tpu.memref_slice %arg4[%add3A_18, %dma_start3A_19] : memref<65536x256xf32, #tpu.memory_space<hbm>> -> memref<128x256xf32, #tpu.memory_space<hbm>>
    %dma_start3A_21 = arith.constant 0 : i32
    %dma_start3A_22 = tpu.memref_slice %arg4[%add3A_18, %dma_start3A_21] : memref<65536x256xf32, #tpu.memory_space<hbm>> -> memref<128x256xf32, #tpu.memory_space<hbm>>
    tpu.enqueue_dma source(%arg7 : memref<128x256xf32, #tpu.memory_space<vmem>>) target(%dma_start3A_22 : memref<128x256xf32, #tpu.memory_space<hbm>>) target_semaphore(%arg13 : memref<!tpu.dma_semaphore, #tpu.memory_space<semaphore_mem>>)
    %dma_wait3A_23 = tpu.memref_slice %arg3[%mul3A_2] : memref<65536xi32, #tpu.memory_space<hbm>> -> memref<128xi32, #tpu.memory_space<hbm>>
    %dma_wait3A_24 = tpu.memref_slice %arg3[%mul3A_2] : memref<65536xi32, #tpu.memory_space<hbm>> -> memref<128xi32, #tpu.memory_space<hbm>>
    tpu.wait_dma2 semaphore(%arg10 : memref<!tpu.dma_semaphore, #tpu.memory_space<semaphore_mem>>) src(%dma_wait3A_24 : memref<128xi32, #tpu.memory_space<hbm>>) dst(%arg6 : memref<128xi32, #tpu.memory_space<vmem>>)
    %dma_start3A_25 = arith.constant 0 : i32
    %dma_start3A_26 = arith.constant 0 : i32
    %dma_start3A_27 = tpu.memref_slice %arg2[%dma_start3A_25, %dma_start3A_26] : memref<131072x256xf32, #tpu.memory_space<hbm>> -> memref<131072x256xf32, #tpu.memory_space<hbm>>
    tpu.enqueue_indirect_dma source(%dma_start3A_27 : memref<131072x256xf32, #tpu.memory_space<hbm>>) target(%arg8 : memref<128x256xf32, #tpu.memory_space<vmem>>) offsets(%arg6 : memref<128xi32, #tpu.memory_space<vmem>>) semaphore(%arg12 : memref<!tpu.dma_semaphore, #tpu.memory_space<semaphore_mem>>)
    %add3A_28 = arith.constant 256 : i32
    %add3A_29 = arith.addi %mul3A_2, %add3A_28 : i32
    %dma_start3A_30 = tpu.memref_slice %arg3[%add3A_29] : memref<65536xi32, #tpu.memory_space<hbm>> -> memref<128xi32, #tpu.memory_space<hbm>>
    %dma_start3A_31 = tpu.memref_slice %arg3[%add3A_29] : memref<65536xi32, #tpu.memory_space<hbm>> -> memref<128xi32, #tpu.memory_space<hbm>>
    tpu.enqueue_dma source(%dma_start3A_31 : memref<128xi32, #tpu.memory_space<hbm>>) target(%arg5 : memref<128xi32, #tpu.memory_space<vmem>>) target_semaphore(%arg9 : memref<!tpu.dma_semaphore, #tpu.memory_space<semaphore_mem>>)
    %dma_wait3A_32 = arith.constant 0 : i32
    %dma_wait3A_33 = arith.constant 0 : i32
    %dma_wait3A_34 = tpu.memref_slice %arg2[%dma_wait3A_32, %dma_wait3A_33] : memref<131072x256xf32, #tpu.memory_space<hbm>> -> memref<131072x256xf32, #tpu.memory_space<hbm>>
    tpu.wait_indirect_dma semaphore(%arg12 : memref<!tpu.dma_semaphore, #tpu.memory_space<semaphore_mem>>) src(%dma_wait3A_34 : memref<131072x256xf32, #tpu.memory_space<hbm>>) dst(%arg8 : memref<128x256xf32, #tpu.memory_space<vmem>>)
    %add3A_35 = arith.constant 128 : i32
    %add3A_36 = arith.addi %mul3A_2, %add3A_35 : i32
    %dma_start3A_37 = arith.constant 0 : i32
    %dma_start3A_38 = tpu.memref_slice %arg4[%add3A_36, %dma_start3A_37] : memref<65536x256xf32, #tpu.memory_space<hbm>> -> memref<128x256xf32, #tpu.memory_space<hbm>>
    %dma_start3A_39 = arith.constant 0 : i32
    %dma_start3A_40 = tpu.memref_slice %arg4[%add3A_36, %dma_start3A_39] : memref<65536x256xf32, #tpu.memory_space<hbm>> -> memref<128x256xf32, #tpu.memory_space<hbm>>
    tpu.enqueue_dma source(%arg8 : memref<128x256xf32, #tpu.memory_space<vmem>>) target(%dma_start3A_40 : memref<128x256xf32, #tpu.memory_space<hbm>>) target_semaphore(%arg14 : memref<!tpu.dma_semaphore, #tpu.memory_space<semaphore_mem>>)
    %dma_wait3A_41 = arith.constant 0 : i32
    %dma_wait3A_42 = tpu.memref_slice %arg4[%mul3A_2, %dma_wait3A_41] : memref<65536x256xf32, #tpu.memory_space<hbm>> -> memref<128x256xf32, #tpu.memory_space<hbm>>
    %dma_wait3A_43 = arith.constant 0 : i32
    %dma_wait3A_44 = tpu.memref_slice %arg4[%mul3A_2, %dma_wait3A_43] : memref<65536x256xf32, #tpu.memory_space<hbm>> -> memref<128x256xf32, #tpu.memory_space<hbm>>
    tpu.wait_dma2 semaphore(%arg13 : memref<!tpu.dma_semaphore, #tpu.memory_space<semaphore_mem>>) src(%arg7 : memref<128x256xf32, #tpu.memory_space<vmem>>) dst(%dma_wait3A_44 : memref<128x256xf32, #tpu.memory_space<hbm>>)
    %dma_wait3A_45 = tpu.memref_slice %arg3[%mul3A_2] : memref<65536xi32, #tpu.memory_space<hbm>> -> memref<128xi32, #tpu.memory_space<hbm>>
    %dma_wait3A_46 = tpu.memref_slice %arg3[%mul3A_2] : memref<65536xi32, #tpu.memory_space<hbm>> -> memref<128xi32, #tpu.memory_space<hbm>>
    tpu.wait_dma2 semaphore(%arg9 : memref<!tpu.dma_semaphore, #tpu.memory_space<semaphore_mem>>) src(%dma_wait3A_46 : memref<128xi32, #tpu.memory_space<hbm>>) dst(%arg5 : memref<128xi32, #tpu.memory_space<vmem>>)
    %dma_start3A_47 = arith.constant 0 : i32
    %dma_start3A_48 = arith.constant 0 : i32
    %dma_start3A_49 = tpu.memref_slice %arg2[%dma_start3A_47, %dma_start3A_48] : memref<131072x256xf32, #tpu.memory_space<hbm>> -> memref<131072x256xf32, #tpu.memory_space<hbm>>
    tpu.enqueue_indirect_dma source(%dma_start3A_49 : memref<131072x256xf32, #tpu.memory_space<hbm>>) target(%arg7 : memref<128x256xf32, #tpu.memory_space<vmem>>) offsets(%arg5 : memref<128xi32, #tpu.memory_space<vmem>>) semaphore(%arg11 : memref<!tpu.dma_semaphore, #tpu.memory_space<semaphore_mem>>)
    %add3A_50 = arith.constant 384 : i32
    %add3A_51 = arith.addi %mul3A_2, %add3A_50 : i32
    %dma_start3A_52 = tpu.memref_slice %arg3[%add3A_51] : memref<65536xi32, #tpu.memory_space<hbm>> -> memref<128xi32, #tpu.memory_space<hbm>>
    %dma_start3A_53 = tpu.memref_slice %arg3[%add3A_51] : memref<65536xi32, #tpu.memory_space<hbm>> -> memref<128xi32, #tpu.memory_space<hbm>>
    tpu.enqueue_dma source(%dma_start3A_53 : memref<128xi32, #tpu.memory_space<hbm>>) target(%arg6 : memref<128xi32, #tpu.memory_space<vmem>>) target_semaphore(%arg10 : memref<!tpu.dma_semaphore, #tpu.memory_space<semaphore_mem>>)
    %dma_wait3A_54 = arith.constant 0 : i32
    %dma_wait3A_55 = arith.constant 0 : i32
    %dma_wait3A_56 = tpu.memref_slice %arg2[%dma_wait3A_54, %dma_wait3A_55] : memref<131072x256xf32, #tpu.memory_space<hbm>> -> memref<131072x256xf32, #tpu.memory_space<hbm>>
    tpu.wait_indirect_dma semaphore(%arg11 : memref<!tpu.dma_semaphore, #tpu.memory_space<semaphore_mem>>) src(%dma_wait3A_56 : memref<131072x256xf32, #tpu.memory_space<hbm>>) dst(%arg7 : memref<128x256xf32, #tpu.memory_space<vmem>>)
    %add3A_57 = arith.constant 256 : i32
    %add3A_58 = arith.addi %mul3A_2, %add3A_57 : i32
    %dma_start3A_59 = arith.constant 0 : i32
    %dma_start3A_60 = tpu.memref_slice %arg4[%add3A_58, %dma_start3A_59] : memref<65536x256xf32, #tpu.memory_space<hbm>> -> memref<128x256xf32, #tpu.memory_space<hbm>>
    %dma_start3A_61 = arith.constant 0 : i32
    %dma_start3A_62 = tpu.memref_slice %arg4[%add3A_58, %dma_start3A_61] : memref<65536x256xf32, #tpu.memory_space<hbm>> -> memref<128x256xf32, #tpu.memory_space<hbm>>
    tpu.enqueue_dma source(%arg7 : memref<128x256xf32, #tpu.memory_space<vmem>>) target(%dma_start3A_62 : memref<128x256xf32, #tpu.memory_space<hbm>>) target_semaphore(%arg13 : memref<!tpu.dma_semaphore, #tpu.memory_space<semaphore_mem>>)
    %dma_wait3A_63 = arith.constant 0 : i32
    %dma_wait3A_64 = tpu.memref_slice %arg4[%mul3A_2, %dma_wait3A_63] : memref<65536x256xf32, #tpu.memory_space<hbm>> -> memref<128x256xf32, #tpu.memory_space<hbm>>
    %dma_wait3A_65 = arith.constant 0 : i32
    %dma_wait3A_66 = tpu.memref_slice %arg4[%mul3A_2, %dma_wait3A_65] : memref<65536x256xf32, #tpu.memory_space<hbm>> -> memref<128x256xf32, #tpu.memory_space<hbm>>
    tpu.wait_dma2 semaphore(%arg14 : memref<!tpu.dma_semaphore, #tpu.memory_space<semaphore_mem>>) src(%arg8 : memref<128x256xf32, #tpu.memory_space<vmem>>) dst(%dma_wait3A_66 : memref<128x256xf32, #tpu.memory_space<hbm>>)
    %dma_wait3A_67 = tpu.memref_slice %arg3[%mul3A_2] : memref<65536xi32, #tpu.memory_space<hbm>> -> memref<128xi32, #tpu.memory_space<hbm>>
    %dma_wait3A_68 = tpu.memref_slice %arg3[%mul3A_2] : memref<65536xi32, #tpu.memory_space<hbm>> -> memref<128xi32, #tpu.memory_space<hbm>>
    tpu.wait_dma2 semaphore(%arg10 : memref<!tpu.dma_semaphore, #tpu.memory_space<semaphore_mem>>) src(%dma_wait3A_68 : memref<128xi32, #tpu.memory_space<hbm>>) dst(%arg6 : memref<128xi32, #tpu.memory_space<vmem>>)
    %dma_start3A_69 = arith.constant 0 : i32
    %dma_start3A_70 = arith.constant 0 : i32
    %dma_start3A_71 = tpu.memref_slice %arg2[%dma_start3A_69, %dma_start3A_70] : memref<131072x256xf32, #tpu.memory_space<hbm>> -> memref<131072x256xf32, #tpu.memory_space<hbm>>
    tpu.enqueue_indirect_dma source(%dma_start3A_71 : memref<131072x256xf32, #tpu.memory_space<hbm>>) target(%arg8 : memref<128x256xf32, #tpu.memory_space<vmem>>) offsets(%arg6 : memref<128xi32, #tpu.memory_space<vmem>>) semaphore(%arg12 : memref<!tpu.dma_semaphore, #tpu.memory_space<semaphore_mem>>)
    %add3A_72 = arith.constant 512 : i32
    %add3A_73 = arith.addi %mul3A_2, %add3A_72 : i32
    %dma_start3A_74 = tpu.memref_slice %arg3[%add3A_73] : memref<65536xi32, #tpu.memory_space<hbm>> -> memref<128xi32, #tpu.memory_space<hbm>>
    %dma_start3A_75 = tpu.memref_slice %arg3[%add3A_73] : memref<65536xi32, #tpu.memory_space<hbm>> -> memref<128xi32, #tpu.memory_space<hbm>>
    tpu.enqueue_dma source(%dma_start3A_75 : memref<128xi32, #tpu.memory_space<hbm>>) target(%arg5 : memref<128xi32, #tpu.memory_space<vmem>>) target_semaphore(%arg9 : memref<!tpu.dma_semaphore, #tpu.memory_space<semaphore_mem>>)
    %dma_wait3A_76 = arith.constant 0 : i32
    %dma_wait3A_77 = arith.constant 0 : i32
    %dma_wait3A_78 = tpu.memref_slice %arg2[%dma_wait3A_76, %dma_wait3A_77] : memref<131072x256xf32, #tpu.memory_space<hbm>> -> memref<131072x256xf32, #tpu.memory_space<hbm>>
    tpu.wait_indirect_dma semaphore(%arg12 : memref<!tpu.dma_semaphore, #tpu.memory_space<semaphore_mem>>) src(%dma_wait3A_78 : memref<131072x256xf32, #tpu.memory_space<hbm>>) dst(%arg8 : memref<128x256xf32, #tpu.memory_space<vmem>>)
    %add3A_79 = arith.constant 384 : i32
    %add3A_80 = arith.addi %mul3A_2, %add3A_79 : i32
    %dma_start3A_81 = arith.constant 0 : i32
    %dma_start3A_82 = tpu.memref_slice %arg4[%add3A_80, %dma_start3A_81] : memref<65536x256xf32, #tpu.memory_space<hbm>> -> memref<128x256xf32, #tpu.memory_space<hbm>>
    %dma_start3A_83 = arith.constant 0 : i32
    %dma_start3A_84 = tpu.memref_slice %arg4[%add3A_80, %dma_start3A_83] : memref<65536x256xf32, #tpu.memory_space<hbm>> -> memref<128x256xf32, #tpu.memory_space<hbm>>
    tpu.enqueue_dma source(%arg8 : memref<128x256xf32, #tpu.memory_space<vmem>>) target(%dma_start3A_84 : memref<128x256xf32, #tpu.memory_space<hbm>>) target_semaphore(%arg14 : memref<!tpu.dma_semaphore, #tpu.memory_space<semaphore_mem>>)
    %dma_wait3A_85 = arith.constant 0 : i32
    %dma_wait3A_86 = tpu.memref_slice %arg4[%mul3A_2, %dma_wait3A_85] : memref<65536x256xf32, #tpu.memory_space<hbm>> -> memref<128x256xf32, #tpu.memory_space<hbm>>
    %dma_wait3A_87 = arith.constant 0 : i32
    %dma_wait3A_88 = tpu.memref_slice %arg4[%mul3A_2, %dma_wait3A_87] : memref<65536x256xf32, #tpu.memory_space<hbm>> -> memref<128x256xf32, #tpu.memory_space<hbm>>
    tpu.wait_dma2 semaphore(%arg13 : memref<!tpu.dma_semaphore, #tpu.memory_space<semaphore_mem>>) src(%arg7 : memref<128x256xf32, #tpu.memory_space<vmem>>) dst(%dma_wait3A_88 : memref<128x256xf32, #tpu.memory_space<hbm>>)
    %dma_wait3A_89 = tpu.memref_slice %arg3[%mul3A_2] : memref<65536xi32, #tpu.memory_space<hbm>> -> memref<128xi32, #tpu.memory_space<hbm>>
    %dma_wait3A_90 = tpu.memref_slice %arg3[%mul3A_2] : memref<65536xi32, #tpu.memory_space<hbm>> -> memref<128xi32, #tpu.memory_space<hbm>>
    tpu.wait_dma2 semaphore(%arg9 : memref<!tpu.dma_semaphore, #tpu.memory_space<semaphore_mem>>) src(%dma_wait3A_90 : memref<128xi32, #tpu.memory_space<hbm>>) dst(%arg5 : memref<128xi32, #tpu.memory_space<vmem>>)
    %dma_start3A_91 = arith.constant 0 : i32
    %dma_start3A_92 = arith.constant 0 : i32
    %dma_start3A_93 = tpu.memref_slice %arg2[%dma_start3A_91, %dma_start3A_92] : memref<131072x256xf32, #tpu.memory_space<hbm>> -> memref<131072x256xf32, #tpu.memory_space<hbm>>
    tpu.enqueue_indirect_dma source(%dma_start3A_93 : memref<131072x256xf32, #tpu.memory_space<hbm>>) target(%arg7 : memref<128x256xf32, #tpu.memory_space<vmem>>) offsets(%arg5 : memref<128xi32, #tpu.memory_space<vmem>>) semaphore(%arg11 : memref<!tpu.dma_semaphore, #tpu.memory_space<semaphore_mem>>)
    %add3A_94 = arith.constant 640 : i32
    %add3A_95 = arith.addi %mul3A_2, %add3A_94 : i32
    %dma_start3A_96 = tpu.memref_slice %arg3[%add3A_95] : memref<65536xi32, #tpu.memory_space<hbm>> -> memref<128xi32, #tpu.memory_space<hbm>>
    %dma_start3A_97 = tpu.memref_slice %arg3[%add3A_95] : memref<65536xi32, #tpu.memory_space<hbm>> -> memref<128xi32, #tpu.memory_space<hbm>>
    tpu.enqueue_dma source(%dma_start3A_97 : memref<128xi32, #tpu.memory_space<hbm>>) target(%arg6 : memref<128xi32, #tpu.memory_space<vmem>>) target_semaphore(%arg10 : memref<!tpu.dma_semaphore, #tpu.memory_space<semaphore_mem>>)
    %dma_wait3A_98 = arith.constant 0 : i32
    %dma_wait3A_99 = arith.constant 0 : i32
    %dma_wait3A_100 = tpu.memref_slice %arg2[%dma_wait3A_98, %dma_wait3A_99] : memref<131072x256xf32, #tpu.memory_space<hbm>> -> memref<131072x256xf32, #tpu.memory_space<hbm>>
    tpu.wait_indirect_dma semaphore(%arg11 : memref<!tpu.dma_semaphore, #tpu.memory_space<semaphore_mem>>) src(%dma_wait3A_100 : memref<131072x256xf32, #tpu.memory_space<hbm>>) dst(%arg7 : memref<128x256xf32, #tpu.memory_space<vmem>>)
    %add3A_101 = arith.constant 512 : i32
    %add3A_102 = arith.addi %mul3A_2, %add3A_101 : i32
    %dma_start3A_103 = arith.constant 0 : i32
    %dma_start3A_104 = tpu.memref_slice %arg4[%add3A_102, %dma_start3A_103] : memref<65536x256xf32, #tpu.memory_space<hbm>> -> memref<128x256xf32, #tpu.memory_space<hbm>>
    %dma_start3A_105 = arith.constant 0 : i32
    %dma_start3A_106 = tpu.memref_slice %arg4[%add3A_102, %dma_start3A_105] : memref<65536x256xf32, #tpu.memory_space<hbm>> -> memref<128x256xf32, #tpu.memory_space<hbm>>
    tpu.enqueue_dma source(%arg7 : memref<128x256xf32, #tpu.memory_space<vmem>>) target(%dma_start3A_106 : memref<128x256xf32, #tpu.memory_space<hbm>>) target_semaphore(%arg13 : memref<!tpu.dma_semaphore, #tpu.memory_space<semaphore_mem>>)
    %dma_wait3A_107 = arith.constant 0 : i32
    %dma_wait3A_108 = tpu.memref_slice %arg4[%mul3A_2, %dma_wait3A_107] : memref<65536x256xf32, #tpu.memory_space<hbm>> -> memref<128x256xf32, #tpu.memory_space<hbm>>
    %dma_wait3A_109 = arith.constant 0 : i32
    %dma_wait3A_110 = tpu.memref_slice %arg4[%mul3A_2, %dma_wait3A_109] : memref<65536x256xf32, #tpu.memory_space<hbm>> -> memref<128x256xf32, #tpu.memory_space<hbm>>
    tpu.wait_dma2 semaphore(%arg14 : memref<!tpu.dma_semaphore, #tpu.memory_space<semaphore_mem>>) src(%arg8 : memref<128x256xf32, #tpu.memory_space<vmem>>) dst(%dma_wait3A_110 : memref<128x256xf32, #tpu.memory_space<hbm>>)
    %dma_wait3A_111 = tpu.memref_slice %arg3[%mul3A_2] : memref<65536xi32, #tpu.memory_space<hbm>> -> memref<128xi32, #tpu.memory_space<hbm>>
    %dma_wait3A_112 = tpu.memref_slice %arg3[%mul3A_2] : memref<65536xi32, #tpu.memory_space<hbm>> -> memref<128xi32, #tpu.memory_space<hbm>>
    tpu.wait_dma2 semaphore(%arg10 : memref<!tpu.dma_semaphore, #tpu.memory_space<semaphore_mem>>) src(%dma_wait3A_112 : memref<128xi32, #tpu.memory_space<hbm>>) dst(%arg6 : memref<128xi32, #tpu.memory_space<vmem>>)
    %dma_start3A_113 = arith.constant 0 : i32
    %dma_start3A_114 = arith.constant 0 : i32
    %dma_start3A_115 = tpu.memref_slice %arg2[%dma_start3A_113, %dma_start3A_114] : memref<131072x256xf32, #tpu.memory_space<hbm>> -> memref<131072x256xf32, #tpu.memory_space<hbm>>
    tpu.enqueue_indirect_dma source(%dma_start3A_115 : memref<131072x256xf32, #tpu.memory_space<hbm>>) target(%arg8 : memref<128x256xf32, #tpu.memory_space<vmem>>) offsets(%arg6 : memref<128xi32, #tpu.memory_space<vmem>>) semaphore(%arg12 : memref<!tpu.dma_semaphore, #tpu.memory_space<semaphore_mem>>)
    %add3A_116 = arith.constant 768 : i32
    %add3A_117 = arith.addi %mul3A_2, %add3A_116 : i32
    %dma_start3A_118 = tpu.memref_slice %arg3[%add3A_117] : memref<65536xi32, #tpu.memory_space<hbm>> -> memref<128xi32, #tpu.memory_space<hbm>>
    %dma_start3A_119 = tpu.memref_slice %arg3[%add3A_117] : memref<65536xi32, #tpu.memory_space<hbm>> -> memref<128xi32, #tpu.memory_space<hbm>>
    tpu.enqueue_dma source(%dma_start3A_119 : memref<128xi32, #tpu.memory_space<hbm>>) target(%arg5 : memref<128xi32, #tpu.memory_space<vmem>>) target_semaphore(%arg9 : memref<!tpu.dma_semaphore, #tpu.memory_space<semaphore_mem>>)
    %dma_wait3A_120 = arith.constant 0 : i32
    %dma_wait3A_121 = arith.constant 0 : i32
    %dma_wait3A_122 = tpu.memref_slice %arg2[%dma_wait3A_120, %dma_wait3A_121] : memref<131072x256xf32, #tpu.memory_space<hbm>> -> memref<131072x256xf32, #tpu.memory_space<hbm>>
    tpu.wait_indirect_dma semaphore(%arg12 : memref<!tpu.dma_semaphore, #tpu.memory_space<semaphore_mem>>) src(%dma_wait3A_122 : memref<131072x256xf32, #tpu.memory_space<hbm>>) dst(%arg8 : memref<128x256xf32, #tpu.memory_space<vmem>>)
    %add3A_123 = arith.constant 640 : i32
    %add3A_124 = arith.addi %mul3A_2, %add3A_123 : i32
    %dma_start3A_125 = arith.constant 0 : i32
    %dma_start3A_126 = tpu.memref_slice %arg4[%add3A_124, %dma_start3A_125] : memref<65536x256xf32, #tpu.memory_space<hbm>> -> memref<128x256xf32, #tpu.memory_space<hbm>>
    %dma_start3A_127 = arith.constant 0 : i32
    %dma_start3A_128 = tpu.memref_slice %arg4[%add3A_124, %dma_start3A_127] : memref<65536x256xf32, #tpu.memory_space<hbm>> -> memref<128x256xf32, #tpu.memory_space<hbm>>
    tpu.enqueue_dma source(%arg8 : memref<128x256xf32, #tpu.memory_space<vmem>>) target(%dma_start3A_128 : memref<128x256xf32, #tpu.memory_space<hbm>>) target_semaphore(%arg14 : memref<!tpu.dma_semaphore, #tpu.memory_space<semaphore_mem>>)
    %dma_wait3A_129 = arith.constant 0 : i32
    %dma_wait3A_130 = tpu.memref_slice %arg4[%mul3A_2, %dma_wait3A_129] : memref<65536x256xf32, #tpu.memory_space<hbm>> -> memref<128x256xf32, #tpu.memory_space<hbm>>
    %dma_wait3A_131 = arith.constant 0 : i32
    %dma_wait3A_132 = tpu.memref_slice %arg4[%mul3A_2, %dma_wait3A_131] : memref<65536x256xf32, #tpu.memory_space<hbm>> -> memref<128x256xf32, #tpu.memory_space<hbm>>
    tpu.wait_dma2 semaphore(%arg13 : memref<!tpu.dma_semaphore, #tpu.memory_space<semaphore_mem>>) src(%arg7 : memref<128x256xf32, #tpu.memory_space<vmem>>) dst(%dma_wait3A_132 : memref<128x256xf32, #tpu.memory_space<hbm>>)
    %dma_wait3A_133 = tpu.memref_slice %arg3[%mul3A_2] : memref<65536xi32, #tpu.memory_space<hbm>> -> memref<128xi32, #tpu.memory_space<hbm>>
    %dma_wait3A_134 = tpu.memref_slice %arg3[%mul3A_2] : memref<65536xi32, #tpu.memory_space<hbm>> -> memref<128xi32, #tpu.memory_space<hbm>>
    tpu.wait_dma2 semaphore(%arg9 : memref<!tpu.dma_semaphore, #tpu.memory_space<semaphore_mem>>) src(%dma_wait3A_134 : memref<128xi32, #tpu.memory_space<hbm>>) dst(%arg5 : memref<128xi32, #tpu.memory_space<vmem>>)
    %dma_start3A_135 = arith.constant 0 : i32
    %dma_start3A_136 = arith.constant 0 : i32
    %dma_start3A_137 = tpu.memref_slice %arg2[%dma_start3A_135, %dma_start3A_136] : memref<131072x256xf32, #tpu.memory_space<hbm>> -> memref<131072x256xf32, #tpu.memory_space<hbm>>
    tpu.enqueue_indirect_dma source(%dma_start3A_137 : memref<131072x256xf32, #tpu.memory_space<hbm>>) target(%arg7 : memref<128x256xf32, #tpu.memory_space<vmem>>) offsets(%arg5 : memref<128xi32, #tpu.memory_space<vmem>>) semaphore(%arg11 : memref<!tpu.dma_semaphore, #tpu.memory_space<semaphore_mem>>)
    %add3A_138 = arith.constant 896 : i32
    %add3A_139 = arith.addi %mul3A_2, %add3A_138 : i32
    %dma_start3A_140 = tpu.memref_slice %arg3[%add3A_139] : memref<65536xi32, #tpu.memory_space<hbm>> -> memref<128xi32, #tpu.memory_space<hbm>>
    %dma_start3A_141 = tpu.memref_slice %arg3[%add3A_139] : memref<65536xi32, #tpu.memory_space<hbm>> -> memref<128xi32, #tpu.memory_space<hbm>>
    tpu.enqueue_dma source(%dma_start3A_141 : memref<128xi32, #tpu.memory_space<hbm>>) target(%arg6 : memref<128xi32, #tpu.memory_space<vmem>>) target_semaphore(%arg10 : memref<!tpu.dma_semaphore, #tpu.memory_space<semaphore_mem>>)
    %dma_wait3A_142 = arith.constant 0 : i32
    %dma_wait3A_143 = arith.constant 0 : i32
    %dma_wait3A_144 = tpu.memref_slice %arg2[%dma_wait3A_142, %dma_wait3A_143] : memref<131072x256xf32, #tpu.memory_space<hbm>> -> memref<131072x256xf32, #tpu.memory_space<hbm>>
    tpu.wait_indirect_dma semaphore(%arg11 : memref<!tpu.dma_semaphore, #tpu.memory_space<semaphore_mem>>) src(%dma_wait3A_144 : memref<131072x256xf32, #tpu.memory_space<hbm>>) dst(%arg7 : memref<128x256xf32, #tpu.memory_space<vmem>>)
    %add3A_145 = arith.constant 768 : i32
    %add3A_146 = arith.addi %mul3A_2, %add3A_145 : i32
    %dma_start3A_147 = arith.constant 0 : i32
    %dma_start3A_148 = tpu.memref_slice %arg4[%add3A_146, %dma_start3A_147] : memref<65536x256xf32, #tpu.memory_space<hbm>> -> memref<128x256xf32, #tpu.memory_space<hbm>>
    %dma_start3A_149 = arith.constant 0 : i32
    %dma_start3A_150 = tpu.memref_slice %arg4[%add3A_146, %dma_start3A_149] : memref<65536x256xf32, #tpu.memory_space<hbm>> -> memref<128x256xf32, #tpu.memory_space<hbm>>
    tpu.enqueue_dma source(%arg7 : memref<128x256xf32, #tpu.memory_space<vmem>>) target(%dma_start3A_150 : memref<128x256xf32, #tpu.memory_space<hbm>>) target_semaphore(%arg13 : memref<!tpu.dma_semaphore, #tpu.memory_space<semaphore_mem>>)
    %dma_wait3A_151 = arith.constant 0 : i32
    %dma_wait3A_152 = tpu.memref_slice %arg4[%mul3A_2, %dma_wait3A_151] : memref<65536x256xf32, #tpu.memory_space<hbm>> -> memref<128x256xf32, #tpu.memory_space<hbm>>
    %dma_wait3A_153 = arith.constant 0 : i32
    %dma_wait3A_154 = tpu.memref_slice %arg4[%mul3A_2, %dma_wait3A_153] : memref<65536x256xf32, #tpu.memory_space<hbm>> -> memref<128x256xf32, #tpu.memory_space<hbm>>
    tpu.wait_dma2 semaphore(%arg14 : memref<!tpu.dma_semaphore, #tpu.memory_space<semaphore_mem>>) src(%arg8 : memref<128x256xf32, #tpu.memory_space<vmem>>) dst(%dma_wait3A_154 : memref<128x256xf32, #tpu.memory_space<hbm>>)
    %dma_wait3A_155 = tpu.memref_slice %arg3[%mul3A_2] : memref<65536xi32, #tpu.memory_space<hbm>> -> memref<128xi32, #tpu.memory_space<hbm>>
    %dma_wait3A_156 = tpu.memref_slice %arg3[%mul3A_2] : memref<65536xi32, #tpu.memory_space<hbm>> -> memref<128xi32, #tpu.memory_space<hbm>>
    tpu.wait_dma2 semaphore(%arg10 : memref<!tpu.dma_semaphore, #tpu.memory_space<semaphore_mem>>) src(%dma_wait3A_156 : memref<128xi32, #tpu.memory_space<hbm>>) dst(%arg6 : memref<128xi32, #tpu.memory_space<vmem>>)
    %dma_start3A_157 = arith.constant 0 : i32
    %dma_start3A_158 = arith.constant 0 : i32
    %dma_start3A_159 = tpu.memref_slice %arg2[%dma_start3A_157, %dma_start3A_158] : memref<131072x256xf32, #tpu.memory_space<hbm>> -> memref<131072x256xf32, #tpu.memory_space<hbm>>
    tpu.enqueue_indirect_dma source(%dma_start3A_159 : memref<131072x256xf32, #tpu.memory_space<hbm>>) target(%arg8 : memref<128x256xf32, #tpu.memory_space<vmem>>) offsets(%arg6 : memref<128xi32, #tpu.memory_space<vmem>>) semaphore(%arg12 : memref<!tpu.dma_semaphore, #tpu.memory_space<semaphore_mem>>)
    %add3A_160 = arith.constant 1024 : i32
    %add3A_161 = arith.addi %mul3A_2, %add3A_160 : i32
    %dma_start3A_162 = tpu.memref_slice %arg3[%add3A_161] : memref<65536xi32, #tpu.memory_space<hbm>> -> memref<128xi32, #tpu.memory_space<hbm>>
    %dma_start3A_163 = tpu.memref_slice %arg3[%add3A_161] : memref<65536xi32, #tpu.memory_space<hbm>> -> memref<128xi32, #tpu.memory_space<hbm>>
    tpu.enqueue_dma source(%dma_start3A_163 : memref<128xi32, #tpu.memory_space<hbm>>) target(%arg5 : memref<128xi32, #tpu.memory_space<vmem>>) target_semaphore(%arg9 : memref<!tpu.dma_semaphore, #tpu.memory_space<semaphore_mem>>)
    %dma_wait3A_164 = arith.constant 0 : i32
    %dma_wait3A_165 = arith.constant 0 : i32
    %dma_wait3A_166 = tpu.memref_slice %arg2[%dma_wait3A_164, %dma_wait3A_165] : memref<131072x256xf32, #tpu.memory_space<hbm>> -> memref<131072x256xf32, #tpu.memory_space<hbm>>
    tpu.wait_indirect_dma semaphore(%arg12 : memref<!tpu.dma_semaphore, #tpu.memory_space<semaphore_mem>>) src(%dma_wait3A_166 : memref<131072x256xf32, #tpu.memory_space<hbm>>) dst(%arg8 : memref<128x256xf32, #tpu.memory_space<vmem>>)
    %add3A_167 = arith.constant 896 : i32
    %add3A_168 = arith.addi %mul3A_2, %add3A_167 : i32
    %dma_start3A_169 = arith.constant 0 : i32
    %dma_start3A_170 = tpu.memref_slice %arg4[%add3A_168, %dma_start3A_169] : memref<65536x256xf32, #tpu.memory_space<hbm>> -> memref<128x256xf32, #tpu.memory_space<hbm>>
    %dma_start3A_171 = arith.constant 0 : i32
    %dma_start3A_172 = tpu.memref_slice %arg4[%add3A_168, %dma_start3A_171] : memref<65536x256xf32, #tpu.memory_space<hbm>> -> memref<128x256xf32, #tpu.memory_space<hbm>>
    tpu.enqueue_dma source(%arg8 : memref<128x256xf32, #tpu.memory_space<vmem>>) target(%dma_start3A_172 : memref<128x256xf32, #tpu.memory_space<hbm>>) target_semaphore(%arg14 : memref<!tpu.dma_semaphore, #tpu.memory_space<semaphore_mem>>)
    %dma_wait3A_173 = arith.constant 0 : i32
    %dma_wait3A_174 = tpu.memref_slice %arg4[%mul3A_2, %dma_wait3A_173] : memref<65536x256xf32, #tpu.memory_space<hbm>> -> memref<128x256xf32, #tpu.memory_space<hbm>>
    %dma_wait3A_175 = arith.constant 0 : i32
    %dma_wait3A_176 = tpu.memref_slice %arg4[%mul3A_2, %dma_wait3A_175] : memref<65536x256xf32, #tpu.memory_space<hbm>> -> memref<128x256xf32, #tpu.memory_space<hbm>>
    tpu.wait_dma2 semaphore(%arg13 : memref<!tpu.dma_semaphore, #tpu.memory_space<semaphore_mem>>) src(%arg7 : memref<128x256xf32, #tpu.memory_space<vmem>>) dst(%dma_wait3A_176 : memref<128x256xf32, #tpu.memory_space<hbm>>)
    %dma_wait3A_177 = tpu.memref_slice %arg3[%mul3A_2] : memref<65536xi32, #tpu.memory_space<hbm>> -> memref<128xi32, #tpu.memory_space<hbm>>
    %dma_wait3A_178 = tpu.memref_slice %arg3[%mul3A_2] : memref<65536xi32, #tpu.memory_space<hbm>> -> memref<128xi32, #tpu.memory_space<hbm>>
    tpu.wait_dma2 semaphore(%arg9 : memref<!tpu.dma_semaphore, #tpu.memory_space<semaphore_mem>>) src(%dma_wait3A_178 : memref<128xi32, #tpu.memory_space<hbm>>) dst(%arg5 : memref<128xi32, #tpu.memory_space<vmem>>)
    %dma_start3A_179 = arith.constant 0 : i32
    %dma_start3A_180 = arith.constant 0 : i32
    %dma_start3A_181 = tpu.memref_slice %arg2[%dma_start3A_179, %dma_start3A_180] : memref<131072x256xf32, #tpu.memory_space<hbm>> -> memref<131072x256xf32, #tpu.memory_space<hbm>>
    tpu.enqueue_indirect_dma source(%dma_start3A_181 : memref<131072x256xf32, #tpu.memory_space<hbm>>) target(%arg7 : memref<128x256xf32, #tpu.memory_space<vmem>>) offsets(%arg5 : memref<128xi32, #tpu.memory_space<vmem>>) semaphore(%arg11 : memref<!tpu.dma_semaphore, #tpu.memory_space<semaphore_mem>>)
    %add3A_182 = arith.constant 1152 : i32
    %add3A_183 = arith.addi %mul3A_2, %add3A_182 : i32
    %dma_start3A_184 = tpu.memref_slice %arg3[%add3A_183] : memref<65536xi32, #tpu.memory_space<hbm>> -> memref<128xi32, #tpu.memory_space<hbm>>
    %dma_start3A_185 = tpu.memref_slice %arg3[%add3A_183] : memref<65536xi32, #tpu.memory_space<hbm>> -> memref<128xi32, #tpu.memory_space<hbm>>
    tpu.enqueue_dma source(%dma_start3A_185 : memref<128xi32, #tpu.memory_space<hbm>>) target(%arg6 : memref<128xi32, #tpu.memory_space<vmem>>) target_semaphore(%arg10 : memref<!tpu.dma_semaphore, #tpu.memory_space<semaphore_mem>>)
    %dma_wait3A_186 = arith.constant 0 : i32
    %dma_wait3A_187 = arith.constant 0 : i32
    %dma_wait3A_188 = tpu.memref_slice %arg2[%dma_wait3A_186, %dma_wait3A_187] : memref<131072x256xf32, #tpu.memory_space<hbm>> -> memref<131072x256xf32, #tpu.memory_space<hbm>>
    tpu.wait_indirect_dma semaphore(%arg11 : memref<!tpu.dma_semaphore, #tpu.memory_space<semaphore_mem>>) src(%dma_wait3A_188 : memref<131072x256xf32, #tpu.memory_space<hbm>>) dst(%arg7 : memref<128x256xf32, #tpu.memory_space<vmem>>)
    %add3A_189 = arith.constant 1024 : i32
    %add3A_190 = arith.addi %mul3A_2, %add3A_189 : i32
    %dma_start3A_191 = arith.constant 0 : i32
    %dma_start3A_192 = tpu.memref_slice %arg4[%add3A_190, %dma_start3A_191] : memref<65536x256xf32, #tpu.memory_space<hbm>> -> memref<128x256xf32, #tpu.memory_space<hbm>>
    %dma_start3A_193 = arith.constant 0 : i32
    %dma_start3A_194 = tpu.memref_slice %arg4[%add3A_190, %dma_start3A_193] : memref<65536x256xf32, #tpu.memory_space<hbm>> -> memref<128x256xf32, #tpu.memory_space<hbm>>
    tpu.enqueue_dma source(%arg7 : memref<128x256xf32, #tpu.memory_space<vmem>>) target(%dma_start3A_194 : memref<128x256xf32, #tpu.memory_space<hbm>>) target_semaphore(%arg13 : memref<!tpu.dma_semaphore, #tpu.memory_space<semaphore_mem>>)
    %dma_wait3A_195 = arith.constant 0 : i32
    %dma_wait3A_196 = tpu.memref_slice %arg4[%mul3A_2, %dma_wait3A_195] : memref<65536x256xf32, #tpu.memory_space<hbm>> -> memref<128x256xf32, #tpu.memory_space<hbm>>
    %dma_wait3A_197 = arith.constant 0 : i32
    %dma_wait3A_198 = tpu.memref_slice %arg4[%mul3A_2, %dma_wait3A_197] : memref<65536x256xf32, #tpu.memory_space<hbm>> -> memref<128x256xf32, #tpu.memory_space<hbm>>
    tpu.wait_dma2 semaphore(%arg14 : memref<!tpu.dma_semaphore, #tpu.memory_space<semaphore_mem>>) src(%arg8 : memref<128x256xf32, #tpu.memory_space<vmem>>) dst(%dma_wait3A_198 : memref<128x256xf32, #tpu.memory_space<hbm>>)
    %dma_wait3A_199 = tpu.memref_slice %arg3[%mul3A_2] : memref<65536xi32, #tpu.memory_space<hbm>> -> memref<128xi32, #tpu.memory_space<hbm>>
    %dma_wait3A_200 = tpu.memref_slice %arg3[%mul3A_2] : memref<65536xi32, #tpu.memory_space<hbm>> -> memref<128xi32, #tpu.memory_space<hbm>>
    tpu.wait_dma2 semaphore(%arg10 : memref<!tpu.dma_semaphore, #tpu.memory_space<semaphore_mem>>) src(%dma_wait3A_200 : memref<128xi32, #tpu.memory_space<hbm>>) dst(%arg6 : memref<128xi32, #tpu.memory_space<vmem>>)
    %dma_start3A_201 = arith.constant 0 : i32
    %dma_start3A_202 = arith.constant 0 : i32
    %dma_start3A_203 = tpu.memref_slice %arg2[%dma_start3A_201, %dma_start3A_202] : memref<131072x256xf32, #tpu.memory_space<hbm>> -> memref<131072x256xf32, #tpu.memory_space<hbm>>
    tpu.enqueue_indirect_dma source(%dma_start3A_203 : memref<131072x256xf32, #tpu.memory_space<hbm>>) target(%arg8 : memref<128x256xf32, #tpu.memory_space<vmem>>) offsets(%arg6 : memref<128xi32, #tpu.memory_space<vmem>>) semaphore(%arg12 : memref<!tpu.dma_semaphore, #tpu.memory_space<semaphore_mem>>)
    %add3A_204 = arith.constant 1280 : i32
    %add3A_205 = arith.addi %mul3A_2, %add3A_204 : i32
    %dma_start3A_206 = tpu.memref_slice %arg3[%add3A_205] : memref<65536xi32, #tpu.memory_space<hbm>> -> memref<128xi32, #tpu.memory_space<hbm>>
    %dma_start3A_207 = tpu.memref_slice %arg3[%add3A_205] : memref<65536xi32, #tpu.memory_space<hbm>> -> memref<128xi32, #tpu.memory_space<hbm>>
    tpu.enqueue_dma source(%dma_start3A_207 : memref<128xi32, #tpu.memory_space<hbm>>) target(%arg5 : memref<128xi32, #tpu.memory_space<vmem>>) target_semaphore(%arg9 : memref<!tpu.dma_semaphore, #tpu.memory_space<semaphore_mem>>)
    %dma_wait3A_208 = arith.constant 0 : i32
    %dma_wait3A_209 = arith.constant 0 : i32
    %dma_wait3A_210 = tpu.memref_slice %arg2[%dma_wait3A_208, %dma_wait3A_209] : memref<131072x256xf32, #tpu.memory_space<hbm>> -> memref<131072x256xf32, #tpu.memory_space<hbm>>
    tpu.wait_indirect_dma semaphore(%arg12 : memref<!tpu.dma_semaphore, #tpu.memory_space<semaphore_mem>>) src(%dma_wait3A_210 : memref<131072x256xf32, #tpu.memory_space<hbm>>) dst(%arg8 : memref<128x256xf32, #tpu.memory_space<vmem>>)
    %add3A_211 = arith.constant 1152 : i32
    %add3A_212 = arith.addi %mul3A_2, %add3A_211 : i32
    %dma_start3A_213 = arith.constant 0 : i32
    %dma_start3A_214 = tpu.memref_slice %arg4[%add3A_212, %dma_start3A_213] : memref<65536x256xf32, #tpu.memory_space<hbm>> -> memref<128x256xf32, #tpu.memory_space<hbm>>
    %dma_start3A_215 = arith.constant 0 : i32
    %dma_start3A_216 = tpu.memref_slice %arg4[%add3A_212, %dma_start3A_215] : memref<65536x256xf32, #tpu.memory_space<hbm>> -> memref<128x256xf32, #tpu.memory_space<hbm>>
    tpu.enqueue_dma source(%arg8 : memref<128x256xf32, #tpu.memory_space<vmem>>) target(%dma_start3A_216 : memref<128x256xf32, #tpu.memory_space<hbm>>) target_semaphore(%arg14 : memref<!tpu.dma_semaphore, #tpu.memory_space<semaphore_mem>>)
    %dma_wait3A_217 = arith.constant 0 : i32
    %dma_wait3A_218 = tpu.memref_slice %arg4[%mul3A_2, %dma_wait3A_217] : memref<65536x256xf32, #tpu.memory_space<hbm>> -> memref<128x256xf32, #tpu.memory_space<hbm>>
    %dma_wait3A_219 = arith.constant 0 : i32
    %dma_wait3A_220 = tpu.memref_slice %arg4[%mul3A_2, %dma_wait3A_219] : memref<65536x256xf32, #tpu.memory_space<hbm>> -> memref<128x256xf32, #tpu.memory_space<hbm>>
    tpu.wait_dma2 semaphore(%arg13 : memref<!tpu.dma_semaphore, #tpu.memory_space<semaphore_mem>>) src(%arg7 : memref<128x256xf32, #tpu.memory_space<vmem>>) dst(%dma_wait3A_220 : memref<128x256xf32, #tpu.memory_space<hbm>>)
    %dma_wait3A_221 = tpu.memref_slice %arg3[%mul3A_2] : memref<65536xi32, #tpu.memory_space<hbm>> -> memref<128xi32, #tpu.memory_space<hbm>>
    %dma_wait3A_222 = tpu.memref_slice %arg3[%mul3A_2] : memref<65536xi32, #tpu.memory_space<hbm>> -> memref<128xi32, #tpu.memory_space<hbm>>
    tpu.wait_dma2 semaphore(%arg9 : memref<!tpu.dma_semaphore, #tpu.memory_space<semaphore_mem>>) src(%dma_wait3A_222 : memref<128xi32, #tpu.memory_space<hbm>>) dst(%arg5 : memref<128xi32, #tpu.memory_space<vmem>>)
    %dma_start3A_223 = arith.constant 0 : i32
    %dma_start3A_224 = arith.constant 0 : i32
    %dma_start3A_225 = tpu.memref_slice %arg2[%dma_start3A_223, %dma_start3A_224] : memref<131072x256xf32, #tpu.memory_space<hbm>> -> memref<131072x256xf32, #tpu.memory_space<hbm>>
    tpu.enqueue_indirect_dma source(%dma_start3A_225 : memref<131072x256xf32, #tpu.memory_space<hbm>>) target(%arg7 : memref<128x256xf32, #tpu.memory_space<vmem>>) offsets(%arg5 : memref<128xi32, #tpu.memory_space<vmem>>) semaphore(%arg11 : memref<!tpu.dma_semaphore, #tpu.memory_space<semaphore_mem>>)
    %add3A_226 = arith.constant 1408 : i32
    %add3A_227 = arith.addi %mul3A_2, %add3A_226 : i32
    %dma_start3A_228 = tpu.memref_slice %arg3[%add3A_227] : memref<65536xi32, #tpu.memory_space<hbm>> -> memref<128xi32, #tpu.memory_space<hbm>>
    %dma_start3A_229 = tpu.memref_slice %arg3[%add3A_227] : memref<65536xi32, #tpu.memory_space<hbm>> -> memref<128xi32, #tpu.memory_space<hbm>>
    tpu.enqueue_dma source(%dma_start3A_229 : memref<128xi32, #tpu.memory_space<hbm>>) target(%arg6 : memref<128xi32, #tpu.memory_space<vmem>>) target_semaphore(%arg10 : memref<!tpu.dma_semaphore, #tpu.memory_space<semaphore_mem>>)
    %dma_wait3A_230 = arith.constant 0 : i32
    %dma_wait3A_231 = arith.constant 0 : i32
    %dma_wait3A_232 = tpu.memref_slice %arg2[%dma_wait3A_230, %dma_wait3A_231] : memref<131072x256xf32, #tpu.memory_space<hbm>> -> memref<131072x256xf32, #tpu.memory_space<hbm>>
    tpu.wait_indirect_dma semaphore(%arg11 : memref<!tpu.dma_semaphore, #tpu.memory_space<semaphore_mem>>) src(%dma_wait3A_232 : memref<131072x256xf32, #tpu.memory_space<hbm>>) dst(%arg7 : memref<128x256xf32, #tpu.memory_space<vmem>>)
    %add3A_233 = arith.constant 1280 : i32
    %add3A_234 = arith.addi %mul3A_2, %add3A_233 : i32
    %dma_start3A_235 = arith.constant 0 : i32
    %dma_start3A_236 = tpu.memref_slice %arg4[%add3A_234, %dma_start3A_235] : memref<65536x256xf32, #tpu.memory_space<hbm>> -> memref<128x256xf32, #tpu.memory_space<hbm>>
    %dma_start3A_237 = arith.constant 0 : i32
    %dma_start3A_238 = tpu.memref_slice %arg4[%add3A_234, %dma_start3A_237] : memref<65536x256xf32, #tpu.memory_space<hbm>> -> memref<128x256xf32, #tpu.memory_space<hbm>>
    tpu.enqueue_dma source(%arg7 : memref<128x256xf32, #tpu.memory_space<vmem>>) target(%dma_start3A_238 : memref<128x256xf32, #tpu.memory_space<hbm>>) target_semaphore(%arg13 : memref<!tpu.dma_semaphore, #tpu.memory_space<semaphore_mem>>)
    %dma_wait3A_239 = arith.constant 0 : i32
    %dma_wait3A_240 = tpu.memref_slice %arg4[%mul3A_2, %dma_wait3A_239] : memref<65536x256xf32, #tpu.memory_space<hbm>> -> memref<128x256xf32, #tpu.memory_space<hbm>>
    %dma_wait3A_241 = arith.constant 0 : i32
    %dma_wait3A_242 = tpu.memref_slice %arg4[%mul3A_2, %dma_wait3A_241] : memref<65536x256xf32, #tpu.memory_space<hbm>> -> memref<128x256xf32, #tpu.memory_space<hbm>>
    tpu.wait_dma2 semaphore(%arg14 : memref<!tpu.dma_semaphore, #tpu.memory_space<semaphore_mem>>) src(%arg8 : memref<128x256xf32, #tpu.memory_space<vmem>>) dst(%dma_wait3A_242 : memref<128x256xf32, #tpu.memory_space<hbm>>)
    %dma_wait3A_243 = tpu.memref_slice %arg3[%mul3A_2] : memref<65536xi32, #tpu.memory_space<hbm>> -> memref<128xi32, #tpu.memory_space<hbm>>
    %dma_wait3A_244 = tpu.memref_slice %arg3[%mul3A_2] : memref<65536xi32, #tpu.memory_space<hbm>> -> memref<128xi32, #tpu.memory_space<hbm>>
    tpu.wait_dma2 semaphore(%arg10 : memref<!tpu.dma_semaphore, #tpu.memory_space<semaphore_mem>>) src(%dma_wait3A_244 : memref<128xi32, #tpu.memory_space<hbm>>) dst(%arg6 : memref<128xi32, #tpu.memory_space<vmem>>)
    %dma_start3A_245 = arith.constant 0 : i32
    %dma_start3A_246 = arith.constant 0 : i32
    %dma_start3A_247 = tpu.memref_slice %arg2[%dma_start3A_245, %dma_start3A_246] : memref<131072x256xf32, #tpu.memory_space<hbm>> -> memref<131072x256xf32, #tpu.memory_space<hbm>>
    tpu.enqueue_indirect_dma source(%dma_start3A_247 : memref<131072x256xf32, #tpu.memory_space<hbm>>) target(%arg8 : memref<128x256xf32, #tpu.memory_space<vmem>>) offsets(%arg6 : memref<128xi32, #tpu.memory_space<vmem>>) semaphore(%arg12 : memref<!tpu.dma_semaphore, #tpu.memory_space<semaphore_mem>>)
    %add3A_248 = arith.constant 1536 : i32
    %add3A_249 = arith.addi %mul3A_2, %add3A_248 : i32
    %dma_start3A_250 = tpu.memref_slice %arg3[%add3A_249] : memref<65536xi32, #tpu.memory_space<hbm>> -> memref<128xi32, #tpu.memory_space<hbm>>
    %dma_start3A_251 = tpu.memref_slice %arg3[%add3A_249] : memref<65536xi32, #tpu.memory_space<hbm>> -> memref<128xi32, #tpu.memory_space<hbm>>
    tpu.enqueue_dma source(%dma_start3A_251 : memref<128xi32, #tpu.memory_space<hbm>>) target(%arg5 : memref<128xi32, #tpu.memory_space<vmem>>) target_semaphore(%arg9 : memref<!tpu.dma_semaphore, #tpu.memory_space<semaphore_mem>>)
    %dma_wait3A_252 = arith.constant 0 : i32
    %dma_wait3A_253 = arith.constant 0 : i32
    %dma_wait3A_254 = tpu.memref_slice %arg2[%dma_wait3A_252, %dma_wait3A_253] : memref<131072x256xf32, #tpu.memory_space<hbm>> -> memref<131072x256xf32, #tpu.memory_space<hbm>>
    tpu.wait_indirect_dma semaphore(%arg12 : memref<!tpu.dma_semaphore, #tpu.memory_space<semaphore_mem>>) src(%dma_wait3A_254 : memref<131072x256xf32, #tpu.memory_space<hbm>>) dst(%arg8 : memref<128x256xf32, #tpu.memory_space<vmem>>)
    %add3A_255 = arith.constant 1408 : i32
    %add3A_256 = arith.addi %mul3A_2, %add3A_255 : i32
    %dma_start3A_257 = arith.constant 0 : i32
    %dma_start3A_258 = tpu.memref_slice %arg4[%add3A_256, %dma_start3A_257] : memref<65536x256xf32, #tpu.memory_space<hbm>> -> memref<128x256xf32, #tpu.memory_space<hbm>>
    %dma_start3A_259 = arith.constant 0 : i32
    %dma_start3A_260 = tpu.memref_slice %arg4[%add3A_256, %dma_start3A_259] : memref<65536x256xf32, #tpu.memory_space<hbm>> -> memref<128x256xf32, #tpu.memory_space<hbm>>
    tpu.enqueue_dma source(%arg8 : memref<128x256xf32, #tpu.memory_space<vmem>>) target(%dma_start3A_260 : memref<128x256xf32, #tpu.memory_space<hbm>>) target_semaphore(%arg14 : memref<!tpu.dma_semaphore, #tpu.memory_space<semaphore_mem>>)
    %dma_wait3A_261 = arith.constant 0 : i32
    %dma_wait3A_262 = tpu.memref_slice %arg4[%mul3A_2, %dma_wait3A_261] : memref<65536x256xf32, #tpu.memory_space<hbm>> -> memref<128x256xf32, #tpu.memory_space<hbm>>
    %dma_wait3A_263 = arith.constant 0 : i32
    %dma_wait3A_264 = tpu.memref_slice %arg4[%mul3A_2, %dma_wait3A_263] : memref<65536x256xf32, #tpu.memory_space<hbm>> -> memref<128x256xf32, #tpu.memory_space<hbm>>
    tpu.wait_dma2 semaphore(%arg13 : memref<!tpu.dma_semaphore, #tpu.memory_space<semaphore_mem>>) src(%arg7 : memref<128x256xf32, #tpu.memory_space<vmem>>) dst(%dma_wait3A_264 : memref<128x256xf32, #tpu.memory_space<hbm>>)
    %dma_wait3A_265 = tpu.memref_slice %arg3[%mul3A_2] : memref<65536xi32, #tpu.memory_space<hbm>> -> memref<128xi32, #tpu.memory_space<hbm>>
    %dma_wait3A_266 = tpu.memref_slice %arg3[%mul3A_2] : memref<65536xi32, #tpu.memory_space<hbm>> -> memref<128xi32, #tpu.memory_space<hbm>>
    tpu.wait_dma2 semaphore(%arg9 : memref<!tpu.dma_semaphore, #tpu.memory_space<semaphore_mem>>) src(%dma_wait3A_266 : memref<128xi32, #tpu.memory_space<hbm>>) dst(%arg5 : memref<128xi32, #tpu.memory_space<vmem>>)
    %dma_start3A_267 = arith.constant 0 : i32
    %dma_start3A_268 = arith.constant 0 : i32
    %dma_start3A_269 = tpu.memref_slice %arg2[%dma_start3A_267, %dma_start3A_268] : memref<131072x256xf32, #tpu.memory_space<hbm>> -> memref<131072x256xf32, #tpu.memory_space<hbm>>
    tpu.enqueue_indirect_dma source(%dma_start3A_269 : memref<131072x256xf32, #tpu.memory_space<hbm>>) target(%arg7 : memref<128x256xf32, #tpu.memory_space<vmem>>) offsets(%arg5 : memref<128xi32, #tpu.memory_space<vmem>>) semaphore(%arg11 : memref<!tpu.dma_semaphore, #tpu.memory_space<semaphore_mem>>)
    %add3A_270 = arith.constant 1664 : i32
    %add3A_271 = arith.addi %mul3A_2, %add3A_270 : i32
    %dma_start3A_272 = tpu.memref_slice %arg3[%add3A_271] : memref<65536xi32, #tpu.memory_space<hbm>> -> memref<128xi32, #tpu.memory_space<hbm>>
    %dma_start3A_273 = tpu.memref_slice %arg3[%add3A_271] : memref<65536xi32, #tpu.memory_space<hbm>> -> memref<128xi32, #tpu.memory_space<hbm>>
    tpu.enqueue_dma source(%dma_start3A_273 : memref<128xi32, #tpu.memory_space<hbm>>) target(%arg6 : memref<128xi32, #tpu.memory_space<vmem>>) target_semaphore(%arg10 : memref<!tpu.dma_semaphore, #tpu.memory_space<semaphore_mem>>)
    %dma_wait3A_274 = arith.constant 0 : i32
    %dma_wait3A_275 = arith.constant 0 : i32
    %dma_wait3A_276 = tpu.memref_slice %arg2[%dma_wait3A_274, %dma_wait3A_275] : memref<131072x256xf32, #tpu.memory_space<hbm>> -> memref<131072x256xf32, #tpu.memory_space<hbm>>
    tpu.wait_indirect_dma semaphore(%arg11 : memref<!tpu.dma_semaphore, #tpu.memory_space<semaphore_mem>>) src(%dma_wait3A_276 : memref<131072x256xf32, #tpu.memory_space<hbm>>) dst(%arg7 : memref<128x256xf32, #tpu.memory_space<vmem>>)
    %add3A_277 = arith.constant 1536 : i32
    %add3A_278 = arith.addi %mul3A_2, %add3A_277 : i32
    %dma_start3A_279 = arith.constant 0 : i32
    %dma_start3A_280 = tpu.memref_slice %arg4[%add3A_278, %dma_start3A_279] : memref<65536x256xf32, #tpu.memory_space<hbm>> -> memref<128x256xf32, #tpu.memory_space<hbm>>
    %dma_start3A_281 = arith.constant 0 : i32
    %dma_start3A_282 = tpu.memref_slice %arg4[%add3A_278, %dma_start3A_281] : memref<65536x256xf32, #tpu.memory_space<hbm>> -> memref<128x256xf32, #tpu.memory_space<hbm>>
    tpu.enqueue_dma source(%arg7 : memref<128x256xf32, #tpu.memory_space<vmem>>) target(%dma_start3A_282 : memref<128x256xf32, #tpu.memory_space<hbm>>) target_semaphore(%arg13 : memref<!tpu.dma_semaphore, #tpu.memory_space<semaphore_mem>>)
    %dma_wait3A_283 = arith.constant 0 : i32
    %dma_wait3A_284 = tpu.memref_slice %arg4[%mul3A_2, %dma_wait3A_283] : memref<65536x256xf32, #tpu.memory_space<hbm>> -> memref<128x256xf32, #tpu.memory_space<hbm>>
    %dma_wait3A_285 = arith.constant 0 : i32
    %dma_wait3A_286 = tpu.memref_slice %arg4[%mul3A_2, %dma_wait3A_285] : memref<65536x256xf32, #tpu.memory_space<hbm>> -> memref<128x256xf32, #tpu.memory_space<hbm>>
    tpu.wait_dma2 semaphore(%arg14 : memref<!tpu.dma_semaphore, #tpu.memory_space<semaphore_mem>>) src(%arg8 : memref<128x256xf32, #tpu.memory_space<vmem>>) dst(%dma_wait3A_286 : memref<128x256xf32, #tpu.memory_space<hbm>>)
    %dma_wait3A_287 = tpu.memref_slice %arg3[%mul3A_2] : memref<65536xi32, #tpu.memory_space<hbm>> -> memref<128xi32, #tpu.memory_space<hbm>>
    %dma_wait3A_288 = tpu.memref_slice %arg3[%mul3A_2] : memref<65536xi32, #tpu.memory_space<hbm>> -> memref<128xi32, #tpu.memory_space<hbm>>
    tpu.wait_dma2 semaphore(%arg10 : memref<!tpu.dma_semaphore, #tpu.memory_space<semaphore_mem>>) src(%dma_wait3A_288 : memref<128xi32, #tpu.memory_space<hbm>>) dst(%arg6 : memref<128xi32, #tpu.memory_space<vmem>>)
    %dma_start3A_289 = arith.constant 0 : i32
    %dma_start3A_290 = arith.constant 0 : i32
    %dma_start3A_291 = tpu.memref_slice %arg2[%dma_start3A_289, %dma_start3A_290] : memref<131072x256xf32, #tpu.memory_space<hbm>> -> memref<131072x256xf32, #tpu.memory_space<hbm>>
    tpu.enqueue_indirect_dma source(%dma_start3A_291 : memref<131072x256xf32, #tpu.memory_space<hbm>>) target(%arg8 : memref<128x256xf32, #tpu.memory_space<vmem>>) offsets(%arg6 : memref<128xi32, #tpu.memory_space<vmem>>) semaphore(%arg12 : memref<!tpu.dma_semaphore, #tpu.memory_space<semaphore_mem>>)
    %add3A_292 = arith.constant 1792 : i32
    %add3A_293 = arith.addi %mul3A_2, %add3A_292 : i32
    %dma_start3A_294 = tpu.memref_slice %arg3[%add3A_293] : memref<65536xi32, #tpu.memory_space<hbm>> -> memref<128xi32, #tpu.memory_space<hbm>>
    %dma_start3A_295 = tpu.memref_slice %arg3[%add3A_293] : memref<65536xi32, #tpu.memory_space<hbm>> -> memref<128xi32, #tpu.memory_space<hbm>>
    tpu.enqueue_dma source(%dma_start3A_295 : memref<128xi32, #tpu.memory_space<hbm>>) target(%arg5 : memref<128xi32, #tpu.memory_space<vmem>>) target_semaphore(%arg9 : memref<!tpu.dma_semaphore, #tpu.memory_space<semaphore_mem>>)
    %dma_wait3A_296 = arith.constant 0 : i32
    %dma_wait3A_297 = arith.constant 0 : i32
    %dma_wait3A_298 = tpu.memref_slice %arg2[%dma_wait3A_296, %dma_wait3A_297] : memref<131072x256xf32, #tpu.memory_space<hbm>> -> memref<131072x256xf32, #tpu.memory_space<hbm>>
    tpu.wait_indirect_dma semaphore(%arg12 : memref<!tpu.dma_semaphore, #tpu.memory_space<semaphore_mem>>) src(%dma_wait3A_298 : memref<131072x256xf32, #tpu.memory_space<hbm>>) dst(%arg8 : memref<128x256xf32, #tpu.memory_space<vmem>>)
    %add3A_299 = arith.constant 1664 : i32
    %add3A_300 = arith.addi %mul3A_2, %add3A_299 : i32
    %dma_start3A_301 = arith.constant 0 : i32
    %dma_start3A_302 = tpu.memref_slice %arg4[%add3A_300, %dma_start3A_301] : memref<65536x256xf32, #tpu.memory_space<hbm>> -> memref<128x256xf32, #tpu.memory_space<hbm>>
    %dma_start3A_303 = arith.constant 0 : i32
    %dma_start3A_304 = tpu.memref_slice %arg4[%add3A_300, %dma_start3A_303] : memref<65536x256xf32, #tpu.memory_space<hbm>> -> memref<128x256xf32, #tpu.memory_space<hbm>>
    tpu.enqueue_dma source(%arg8 : memref<128x256xf32, #tpu.memory_space<vmem>>) target(%dma_start3A_304 : memref<128x256xf32, #tpu.memory_space<hbm>>) target_semaphore(%arg14 : memref<!tpu.dma_semaphore, #tpu.memory_space<semaphore_mem>>)
    %dma_wait3A_305 = arith.constant 0 : i32
    %dma_wait3A_306 = tpu.memref_slice %arg4[%mul3A_2, %dma_wait3A_305] : memref<65536x256xf32, #tpu.memory_space<hbm>> -> memref<128x256xf32, #tpu.memory_space<hbm>>
    %dma_wait3A_307 = arith.constant 0 : i32
    %dma_wait3A_308 = tpu.memref_slice %arg4[%mul3A_2, %dma_wait3A_307] : memref<65536x256xf32, #tpu.memory_space<hbm>> -> memref<128x256xf32, #tpu.memory_space<hbm>>
    tpu.wait_dma2 semaphore(%arg13 : memref<!tpu.dma_semaphore, #tpu.memory_space<semaphore_mem>>) src(%arg7 : memref<128x256xf32, #tpu.memory_space<vmem>>) dst(%dma_wait3A_308 : memref<128x256xf32, #tpu.memory_space<hbm>>)
    %dma_wait3A_309 = tpu.memref_slice %arg3[%mul3A_2] : memref<65536xi32, #tpu.memory_space<hbm>> -> memref<128xi32, #tpu.memory_space<hbm>>
    %dma_wait3A_310 = tpu.memref_slice %arg3[%mul3A_2] : memref<65536xi32, #tpu.memory_space<hbm>> -> memref<128xi32, #tpu.memory_space<hbm>>
    tpu.wait_dma2 semaphore(%arg9 : memref<!tpu.dma_semaphore, #tpu.memory_space<semaphore_mem>>) src(%dma_wait3A_310 : memref<128xi32, #tpu.memory_space<hbm>>) dst(%arg5 : memref<128xi32, #tpu.memory_space<vmem>>)
    %dma_start3A_311 = arith.constant 0 : i32
    %dma_start3A_312 = arith.constant 0 : i32
    %dma_start3A_313 = tpu.memref_slice %arg2[%dma_start3A_311, %dma_start3A_312] : memref<131072x256xf32, #tpu.memory_space<hbm>> -> memref<131072x256xf32, #tpu.memory_space<hbm>>
    tpu.enqueue_indirect_dma source(%dma_start3A_313 : memref<131072x256xf32, #tpu.memory_space<hbm>>) target(%arg7 : memref<128x256xf32, #tpu.memory_space<vmem>>) offsets(%arg5 : memref<128xi32, #tpu.memory_space<vmem>>) semaphore(%arg11 : memref<!tpu.dma_semaphore, #tpu.memory_space<semaphore_mem>>)
    %add3A_314 = arith.constant 1920 : i32
    %add3A_315 = arith.addi %mul3A_2, %add3A_314 : i32
    %dma_start3A_316 = tpu.memref_slice %arg3[%add3A_315] : memref<65536xi32, #tpu.memory_space<hbm>> -> memref<128xi32, #tpu.memory_space<hbm>>
    %dma_start3A_317 = tpu.memref_slice %arg3[%add3A_315] : memref<65536xi32, #tpu.memory_space<hbm>> -> memref<128xi32, #tpu.memory_space<hbm>>
    tpu.enqueue_dma source(%dma_start3A_317 : memref<128xi32, #tpu.memory_space<hbm>>) target(%arg6 : memref<128xi32, #tpu.memory_space<vmem>>) target_semaphore(%arg10 : memref<!tpu.dma_semaphore, #tpu.memory_space<semaphore_mem>>)
    %dma_wait3A_318 = arith.constant 0 : i32
    %dma_wait3A_319 = arith.constant 0 : i32
    %dma_wait3A_320 = tpu.memref_slice %arg2[%dma_wait3A_318, %dma_wait3A_319] : memref<131072x256xf32, #tpu.memory_space<hbm>> -> memref<131072x256xf32, #tpu.memory_space<hbm>>
    tpu.wait_indirect_dma semaphore(%arg11 : memref<!tpu.dma_semaphore, #tpu.memory_space<semaphore_mem>>) src(%dma_wait3A_320 : memref<131072x256xf32, #tpu.memory_space<hbm>>) dst(%arg7 : memref<128x256xf32, #tpu.memory_space<vmem>>)
    %add3A_321 = arith.constant 1792 : i32
    %add3A_322 = arith.addi %mul3A_2, %add3A_321 : i32
    %dma_start3A_323 = arith.constant 0 : i32
    %dma_start3A_324 = tpu.memref_slice %arg4[%add3A_322, %dma_start3A_323] : memref<65536x256xf32, #tpu.memory_space<hbm>> -> memref<128x256xf32, #tpu.memory_space<hbm>>
    %dma_start3A_325 = arith.constant 0 : i32
    %dma_start3A_326 = tpu.memref_slice %arg4[%add3A_322, %dma_start3A_325] : memref<65536x256xf32, #tpu.memory_space<hbm>> -> memref<128x256xf32, #tpu.memory_space<hbm>>
    tpu.enqueue_dma source(%arg7 : memref<128x256xf32, #tpu.memory_space<vmem>>) target(%dma_start3A_326 : memref<128x256xf32, #tpu.memory_space<hbm>>) target_semaphore(%arg13 : memref<!tpu.dma_semaphore, #tpu.memory_space<semaphore_mem>>)
    %dma_wait3A_327 = arith.constant 0 : i32
    %dma_wait3A_328 = tpu.memref_slice %arg4[%mul3A_2, %dma_wait3A_327] : memref<65536x256xf32, #tpu.memory_space<hbm>> -> memref<128x256xf32, #tpu.memory_space<hbm>>
    %dma_wait3A_329 = arith.constant 0 : i32
    %dma_wait3A_330 = tpu.memref_slice %arg4[%mul3A_2, %dma_wait3A_329] : memref<65536x256xf32, #tpu.memory_space<hbm>> -> memref<128x256xf32, #tpu.memory_space<hbm>>
    tpu.wait_dma2 semaphore(%arg14 : memref<!tpu.dma_semaphore, #tpu.memory_space<semaphore_mem>>) src(%arg8 : memref<128x256xf32, #tpu.memory_space<vmem>>) dst(%dma_wait3A_330 : memref<128x256xf32, #tpu.memory_space<hbm>>)
    %dma_wait3A_331 = tpu.memref_slice %arg3[%mul3A_2] : memref<65536xi32, #tpu.memory_space<hbm>> -> memref<128xi32, #tpu.memory_space<hbm>>
    %dma_wait3A_332 = tpu.memref_slice %arg3[%mul3A_2] : memref<65536xi32, #tpu.memory_space<hbm>> -> memref<128xi32, #tpu.memory_space<hbm>>
    tpu.wait_dma2 semaphore(%arg10 : memref<!tpu.dma_semaphore, #tpu.memory_space<semaphore_mem>>) src(%dma_wait3A_332 : memref<128xi32, #tpu.memory_space<hbm>>) dst(%arg6 : memref<128xi32, #tpu.memory_space<vmem>>)
    %dma_start3A_333 = arith.constant 0 : i32
    %dma_start3A_334 = arith.constant 0 : i32
    %dma_start3A_335 = tpu.memref_slice %arg2[%dma_start3A_333, %dma_start3A_334] : memref<131072x256xf32, #tpu.memory_space<hbm>> -> memref<131072x256xf32, #tpu.memory_space<hbm>>
    tpu.enqueue_indirect_dma source(%dma_start3A_335 : memref<131072x256xf32, #tpu.memory_space<hbm>>) target(%arg8 : memref<128x256xf32, #tpu.memory_space<vmem>>) offsets(%arg6 : memref<128xi32, #tpu.memory_space<vmem>>) semaphore(%arg12 : memref<!tpu.dma_semaphore, #tpu.memory_space<semaphore_mem>>)
    %dma_wait3A_336 = arith.constant 0 : i32
    %dma_wait3A_337 = arith.constant 0 : i32
    %dma_wait3A_338 = tpu.memref_slice %arg2[%dma_wait3A_336, %dma_wait3A_337] : memref<131072x256xf32, #tpu.memory_space<hbm>> -> memref<131072x256xf32, #tpu.memory_space<hbm>>
    tpu.wait_indirect_dma semaphore(%arg12 : memref<!tpu.dma_semaphore, #tpu.memory_space<semaphore_mem>>) src(%dma_wait3A_338 : memref<131072x256xf32, #tpu.memory_space<hbm>>) dst(%arg8 : memref<128x256xf32, #tpu.memory_space<vmem>>)
    %add3A_339 = arith.constant 1920 : i32
    %add3A_340 = arith.addi %mul3A_2, %add3A_339 : i32
    %dma_start3A_341 = arith.constant 0 : i32
    %dma_start3A_342 = tpu.memref_slice %arg4[%add3A_340, %dma_start3A_341] : memref<65536x256xf32, #tpu.memory_space<hbm>> -> memref<128x256xf32, #tpu.memory_space<hbm>>
    %dma_start3A_343 = arith.constant 0 : i32
    %dma_start3A_344 = tpu.memref_slice %arg4[%add3A_340, %dma_start3A_343] : memref<65536x256xf32, #tpu.memory_space<hbm>> -> memref<128x256xf32, #tpu.memory_space<hbm>>
    tpu.enqueue_dma source(%arg8 : memref<128x256xf32, #tpu.memory_space<vmem>>) target(%dma_start3A_344 : memref<128x256xf32, #tpu.memory_space<hbm>>) target_semaphore(%arg14 : memref<!tpu.dma_semaphore, #tpu.memory_space<semaphore_mem>>)
    %dma_wait3A_345 = arith.constant 0 : i32
    %dma_wait3A_346 = tpu.memref_slice %arg4[%mul3A_2, %dma_wait3A_345] : memref<65536x256xf32, #tpu.memory_space<hbm>> -> memref<128x256xf32, #tpu.memory_space<hbm>>
    %dma_wait3A_347 = arith.constant 0 : i32
    %dma_wait3A_348 = tpu.memref_slice %arg4[%mul3A_2, %dma_wait3A_347] : memref<65536x256xf32, #tpu.memory_space<hbm>> -> memref<128x256xf32, #tpu.memory_space<hbm>>
    tpu.wait_dma2 semaphore(%arg13 : memref<!tpu.dma_semaphore, #tpu.memory_space<semaphore_mem>>) src(%arg7 : memref<128x256xf32, #tpu.memory_space<vmem>>) dst(%dma_wait3A_348 : memref<128x256xf32, #tpu.memory_space<hbm>>)
    %dma_wait3A_349 = arith.constant 0 : i32
    %dma_wait3A_350 = tpu.memref_slice %arg4[%mul3A_2, %dma_wait3A_349] : memref<65536x256xf32, #tpu.memory_space<hbm>> -> memref<128x256xf32, #tpu.memory_space<hbm>>
    %dma_wait3A_351 = arith.constant 0 : i32
    %dma_wait3A_352 = tpu.memref_slice %arg4[%mul3A_2, %dma_wait3A_351] : memref<65536x256xf32, #tpu.memory_space<hbm>> -> memref<128x256xf32, #tpu.memory_space<hbm>>
    tpu.wait_dma2 semaphore(%arg14 : memref<!tpu.dma_semaphore, #tpu.memory_space<semaphore_mem>>) src(%arg8 : memref<128x256xf32, #tpu.memory_space<vmem>>) dst(%dma_wait3A_352 : memref<128x256xf32, #tpu.memory_space<hbm>>)
    return
  }
}

module attributes {stable_mosaic.version = 14 : i64} {
  func.func @_topk_body(%arg0: i32, %arg1: memref<64x256xf32, #tpu.memory_space<vmem>>, %arg2: memref<2x4096x256xf32, #tpu.memory_space<vmem>>, %arg3: memref<2x64x32xi32, #tpu.memory_space<vmem>>, %arg4: memref<2x64x32xi32, #tpu.memory_space<vmem>>) attributes {dimension_semantics = [#tpu.dimension_semantics<arbitrary>], iteration_bounds = array<i64: 16>, scalar_prefetch = 0 : i64, scratch_operands = 0 : i64, tpu.core_type = #tpu.core_type<tc>, window_params = [{pipeline_mode = #tpu.pipeline_mode<synchronous>, transform_indices = @transform_0, window_bounds = array<i64: 64, 256>}, {transform_indices = @transform_1, window_bounds = array<i64: 2, 4096, 256>}, {transform_indices = @transform_2, window_bounds = array<i64: 2, 64, 32>}, {transform_indices = @transform_3, window_bounds = array<i64: 2, 64, 32>}]} {
    %get3A = arith.constant 0 : index
    %get3A_0 = arith.constant 0 : index
    %get3A_1 = vector.load %arg1[%get3A, %get3A_0] : memref<64x256xf32, #tpu.memory_space<vmem>>, vector<64x256xf32>
    %get3A_2 = arith.constant 0 : index
    %get3A_3 = arith.constant 0 : index
    %get3A_4 = arith.constant 0 : index
    %get3A_5 = vector.load %arg2[%get3A_2, %get3A_3, %get3A_4] : memref<2x4096x256xf32, #tpu.memory_space<vmem>>, vector<1x4096x256xf32>
    %get3A_6 = vector.shape_cast %get3A_5 : vector<1x4096x256xf32> to vector<4096x256xf32>
    %dot_general3A = arith.constant dense<0.000000e+00> : vector<64x4096xf32>
    %dot_general3A_7 = tpu.matmul %get3A_1, %get3A_6, %dot_general3A {dimension_numbers = #tpu.dot_dimension_numbers<[1], [1], [0], [0], [0, 0, 1, 0], [], []>, transpose_lhs_hint = false} : vector<64x256xf32>, vector<4096x256xf32>, vector<64x4096xf32> -> vector<64x4096xf32>
    %get3A_8 = arith.constant 1 : index
    %get3A_9 = arith.constant 0 : index
    %get3A_10 = arith.constant 0 : index
    %get3A_11 = vector.load %arg2[%get3A_8, %get3A_9, %get3A_10] : memref<2x4096x256xf32, #tpu.memory_space<vmem>>, vector<1x4096x256xf32>
    %get3A_12 = vector.shape_cast %get3A_11 : vector<1x4096x256xf32> to vector<4096x256xf32>
    %dot_general3A_13 = arith.constant dense<0.000000e+00> : vector<64x4096xf32>
    %dot_general3A_14 = tpu.matmul %get3A_1, %get3A_12, %dot_general3A_13 {dimension_numbers = #tpu.dot_dimension_numbers<[1], [1], [0], [0], [0, 0, 1, 0], [], []>, transpose_lhs_hint = false} : vector<64x256xf32>, vector<4096x256xf32>, vector<64x4096xf32> -> vector<64x4096xf32>
    %concatenate3A = tpu.concatenate %dot_general3A_7, %dot_general3A_14 in 0 : vector<64x4096xf32>, vector<64x4096xf32> -> vector<128x4096xf32>
    %iota3A = tpu.iota {dimensions = array<i32: 1>} : vector<128x4096xi32>
    %convert_element_type3A = arith.sitofp %iota3A : vector<128x4096xi32> to vector<128x4096xf32>
    %reduce_max3A = arith.constant dense<0xFF800000> : vector<128xf32>
    %reduce_max3A_15 = vector.multi_reduction <maximumf>, %concatenate3A, %reduce_max3A [1] : vector<128x4096xf32> to vector<128xf32>
    %broadcast_in_dim3A = vector.shape_cast %reduce_max3A_15 : vector<128xf32> to vector<128x1xf32>
    %eq3A = vector.broadcast %broadcast_in_dim3A : vector<128x1xf32> to vector<128x4096xf32>
    %eq3A_16 = arith.cmpf oeq, %concatenate3A, %eq3A : vector<128x4096xf32>
    %jit3A = arith.constant 4.096000e+03 : f32
    %broadcast_in_dim3A_17 = vector.broadcast %jit3A : f32 to vector<128x4096xf32>
    %select_n3A = arith.select %eq3A_16, %convert_element_type3A, %broadcast_in_dim3A_17 : vector<128x4096xi1>, vector<128x4096xf32>
    %reduce_min3A = arith.constant dense<0x7F800000> : vector<128xf32>
    %reduce_min3A_18 = vector.multi_reduction <minimumf>, %select_n3A, %reduce_min3A [1] : vector<128x4096xf32> to vector<128xf32>
    %broadcast_in_dim3A_19 = vector.shape_cast %reduce_min3A_18 : vector<128xf32> to vector<128x1xf32>
    %eq3A_20 = vector.broadcast %broadcast_in_dim3A_19 : vector<128x1xf32> to vector<128x4096xf32>
    %eq3A_21 = arith.cmpf oeq, %select_n3A, %eq3A_20 : vector<128x4096xf32>
    %jit3A_22 = arith.constant -3.40282347E+38 : f32
    %broadcast_in_dim3A_23 = vector.broadcast %jit3A_22 : f32 to vector<128x4096xf32>
    %select_n3A_24 = arith.select %eq3A_21, %broadcast_in_dim3A_23, %concatenate3A : vector<128x4096xi1>, vector<128x4096xf32>
    %reduce_max3A_25 = arith.constant dense<0xFF800000> : vector<128xf32>
    %reduce_max3A_26 = vector.multi_reduction <maximumf>, %select_n3A_24, %reduce_max3A_25 [1] : vector<128x4096xf32> to vector<128xf32>
    %broadcast_in_dim3A_27 = vector.shape_cast %reduce_max3A_26 : vector<128xf32> to vector<128x1xf32>
    %eq3A_28 = vector.broadcast %broadcast_in_dim3A_27 : vector<128x1xf32> to vector<128x4096xf32>
    %eq3A_29 = arith.cmpf oeq, %select_n3A_24, %eq3A_28 : vector<128x4096xf32>
    %jit3A_30 = arith.constant 4.096000e+03 : f32
    %broadcast_in_dim3A_31 = vector.broadcast %jit3A_30 : f32 to vector<128x4096xf32>
    %select_n3A_32 = arith.select %eq3A_29, %convert_element_type3A, %broadcast_in_dim3A_31 : vector<128x4096xi1>, vector<128x4096xf32>
    %reduce_min3A_33 = arith.constant dense<0x7F800000> : vector<128xf32>
    %reduce_min3A_34 = vector.multi_reduction <minimumf>, %select_n3A_32, %reduce_min3A_33 [1] : vector<128x4096xf32> to vector<128xf32>
    %broadcast_in_dim3A_35 = vector.shape_cast %reduce_min3A_34 : vector<128xf32> to vector<128x1xf32>
    %eq3A_36 = vector.broadcast %broadcast_in_dim3A_35 : vector<128x1xf32> to vector<128x4096xf32>
    %eq3A_37 = arith.cmpf oeq, %select_n3A_32, %eq3A_36 : vector<128x4096xf32>
    %jit3A_38 = arith.constant -3.40282347E+38 : f32
    %broadcast_in_dim3A_39 = vector.broadcast %jit3A_38 : f32 to vector<128x4096xf32>
    %select_n3A_40 = arith.select %eq3A_37, %broadcast_in_dim3A_39, %select_n3A_24 : vector<128x4096xi1>, vector<128x4096xf32>
    %reduce_max3A_41 = arith.constant dense<0xFF800000> : vector<128xf32>
    %reduce_max3A_42 = vector.multi_reduction <maximumf>, %select_n3A_40, %reduce_max3A_41 [1] : vector<128x4096xf32> to vector<128xf32>
    %broadcast_in_dim3A_43 = vector.shape_cast %reduce_max3A_42 : vector<128xf32> to vector<128x1xf32>
    %eq3A_44 = vector.broadcast %broadcast_in_dim3A_43 : vector<128x1xf32> to vector<128x4096xf32>
    %eq3A_45 = arith.cmpf oeq, %select_n3A_40, %eq3A_44 : vector<128x4096xf32>
    %jit3A_46 = arith.constant 4.096000e+03 : f32
    %broadcast_in_dim3A_47 = vector.broadcast %jit3A_46 : f32 to vector<128x4096xf32>
    %select_n3A_48 = arith.select %eq3A_45, %convert_element_type3A, %broadcast_in_dim3A_47 : vector<128x4096xi1>, vector<128x4096xf32>
    %reduce_min3A_49 = arith.constant dense<0x7F800000> : vector<128xf32>
    %reduce_min3A_50 = vector.multi_reduction <minimumf>, %select_n3A_48, %reduce_min3A_49 [1] : vector<128x4096xf32> to vector<128xf32>
    %broadcast_in_dim3A_51 = vector.shape_cast %reduce_min3A_50 : vector<128xf32> to vector<128x1xf32>
    %eq3A_52 = vector.broadcast %broadcast_in_dim3A_51 : vector<128x1xf32> to vector<128x4096xf32>
    %eq3A_53 = arith.cmpf oeq, %select_n3A_48, %eq3A_52 : vector<128x4096xf32>
    %jit3A_54 = arith.constant -3.40282347E+38 : f32
    %broadcast_in_dim3A_55 = vector.broadcast %jit3A_54 : f32 to vector<128x4096xf32>
    %select_n3A_56 = arith.select %eq3A_53, %broadcast_in_dim3A_55, %select_n3A_40 : vector<128x4096xi1>, vector<128x4096xf32>
    %reduce_max3A_57 = arith.constant dense<0xFF800000> : vector<128xf32>
    %reduce_max3A_58 = vector.multi_reduction <maximumf>, %select_n3A_56, %reduce_max3A_57 [1] : vector<128x4096xf32> to vector<128xf32>
    %broadcast_in_dim3A_59 = vector.shape_cast %reduce_max3A_58 : vector<128xf32> to vector<128x1xf32>
    %eq3A_60 = vector.broadcast %broadcast_in_dim3A_59 : vector<128x1xf32> to vector<128x4096xf32>
    %eq3A_61 = arith.cmpf oeq, %select_n3A_56, %eq3A_60 : vector<128x4096xf32>
    %jit3A_62 = arith.constant 4.096000e+03 : f32
    %broadcast_in_dim3A_63 = vector.broadcast %jit3A_62 : f32 to vector<128x4096xf32>
    %select_n3A_64 = arith.select %eq3A_61, %convert_element_type3A, %broadcast_in_dim3A_63 : vector<128x4096xi1>, vector<128x4096xf32>
    %reduce_min3A_65 = arith.constant dense<0x7F800000> : vector<128xf32>
    %reduce_min3A_66 = vector.multi_reduction <minimumf>, %select_n3A_64, %reduce_min3A_65 [1] : vector<128x4096xf32> to vector<128xf32>
    %broadcast_in_dim3A_67 = vector.shape_cast %reduce_min3A_66 : vector<128xf32> to vector<128x1xf32>
    %eq3A_68 = vector.broadcast %broadcast_in_dim3A_67 : vector<128x1xf32> to vector<128x4096xf32>
    %eq3A_69 = arith.cmpf oeq, %select_n3A_64, %eq3A_68 : vector<128x4096xf32>
    %jit3A_70 = arith.constant -3.40282347E+38 : f32
    %broadcast_in_dim3A_71 = vector.broadcast %jit3A_70 : f32 to vector<128x4096xf32>
    %select_n3A_72 = arith.select %eq3A_69, %broadcast_in_dim3A_71, %select_n3A_56 : vector<128x4096xi1>, vector<128x4096xf32>
    %reduce_max3A_73 = arith.constant dense<0xFF800000> : vector<128xf32>
    %reduce_max3A_74 = vector.multi_reduction <maximumf>, %select_n3A_72, %reduce_max3A_73 [1] : vector<128x4096xf32> to vector<128xf32>
    %broadcast_in_dim3A_75 = vector.shape_cast %reduce_max3A_74 : vector<128xf32> to vector<128x1xf32>
    %eq3A_76 = vector.broadcast %broadcast_in_dim3A_75 : vector<128x1xf32> to vector<128x4096xf32>
    %eq3A_77 = arith.cmpf oeq, %select_n3A_72, %eq3A_76 : vector<128x4096xf32>
    %jit3A_78 = arith.constant 4.096000e+03 : f32
    %broadcast_in_dim3A_79 = vector.broadcast %jit3A_78 : f32 to vector<128x4096xf32>
    %select_n3A_80 = arith.select %eq3A_77, %convert_element_type3A, %broadcast_in_dim3A_79 : vector<128x4096xi1>, vector<128x4096xf32>
    %reduce_min3A_81 = arith.constant dense<0x7F800000> : vector<128xf32>
    %reduce_min3A_82 = vector.multi_reduction <minimumf>, %select_n3A_80, %reduce_min3A_81 [1] : vector<128x4096xf32> to vector<128xf32>
    %broadcast_in_dim3A_83 = vector.shape_cast %reduce_min3A_82 : vector<128xf32> to vector<128x1xf32>
    %eq3A_84 = vector.broadcast %broadcast_in_dim3A_83 : vector<128x1xf32> to vector<128x4096xf32>
    %eq3A_85 = arith.cmpf oeq, %select_n3A_80, %eq3A_84 : vector<128x4096xf32>
    %jit3A_86 = arith.constant -3.40282347E+38 : f32
    %broadcast_in_dim3A_87 = vector.broadcast %jit3A_86 : f32 to vector<128x4096xf32>
    %select_n3A_88 = arith.select %eq3A_85, %broadcast_in_dim3A_87, %select_n3A_72 : vector<128x4096xi1>, vector<128x4096xf32>
    %reduce_max3A_89 = arith.constant dense<0xFF800000> : vector<128xf32>
    %reduce_max3A_90 = vector.multi_reduction <maximumf>, %select_n3A_88, %reduce_max3A_89 [1] : vector<128x4096xf32> to vector<128xf32>
    %broadcast_in_dim3A_91 = vector.shape_cast %reduce_max3A_90 : vector<128xf32> to vector<128x1xf32>
    %eq3A_92 = vector.broadcast %broadcast_in_dim3A_91 : vector<128x1xf32> to vector<128x4096xf32>
    %eq3A_93 = arith.cmpf oeq, %select_n3A_88, %eq3A_92 : vector<128x4096xf32>
    %jit3A_94 = arith.constant 4.096000e+03 : f32
    %broadcast_in_dim3A_95 = vector.broadcast %jit3A_94 : f32 to vector<128x4096xf32>
    %select_n3A_96 = arith.select %eq3A_93, %convert_element_type3A, %broadcast_in_dim3A_95 : vector<128x4096xi1>, vector<128x4096xf32>
    %reduce_min3A_97 = arith.constant dense<0x7F800000> : vector<128xf32>
    %reduce_min3A_98 = vector.multi_reduction <minimumf>, %select_n3A_96, %reduce_min3A_97 [1] : vector<128x4096xf32> to vector<128xf32>
    %broadcast_in_dim3A_99 = vector.shape_cast %reduce_min3A_98 : vector<128xf32> to vector<128x1xf32>
    %eq3A_100 = vector.broadcast %broadcast_in_dim3A_99 : vector<128x1xf32> to vector<128x4096xf32>
    %eq3A_101 = arith.cmpf oeq, %select_n3A_96, %eq3A_100 : vector<128x4096xf32>
    %jit3A_102 = arith.constant -3.40282347E+38 : f32
    %broadcast_in_dim3A_103 = vector.broadcast %jit3A_102 : f32 to vector<128x4096xf32>
    %select_n3A_104 = arith.select %eq3A_101, %broadcast_in_dim3A_103, %select_n3A_88 : vector<128x4096xi1>, vector<128x4096xf32>
    %reduce_max3A_105 = arith.constant dense<0xFF800000> : vector<128xf32>
    %reduce_max3A_106 = vector.multi_reduction <maximumf>, %select_n3A_104, %reduce_max3A_105 [1] : vector<128x4096xf32> to vector<128xf32>
    %broadcast_in_dim3A_107 = vector.shape_cast %reduce_max3A_106 : vector<128xf32> to vector<128x1xf32>
    %eq3A_108 = vector.broadcast %broadcast_in_dim3A_107 : vector<128x1xf32> to vector<128x4096xf32>
    %eq3A_109 = arith.cmpf oeq, %select_n3A_104, %eq3A_108 : vector<128x4096xf32>
    %jit3A_110 = arith.constant 4.096000e+03 : f32
    %broadcast_in_dim3A_111 = vector.broadcast %jit3A_110 : f32 to vector<128x4096xf32>
    %select_n3A_112 = arith.select %eq3A_109, %convert_element_type3A, %broadcast_in_dim3A_111 : vector<128x4096xi1>, vector<128x4096xf32>
    %reduce_min3A_113 = arith.constant dense<0x7F800000> : vector<128xf32>
    %reduce_min3A_114 = vector.multi_reduction <minimumf>, %select_n3A_112, %reduce_min3A_113 [1] : vector<128x4096xf32> to vector<128xf32>
    %broadcast_in_dim3A_115 = vector.shape_cast %reduce_min3A_114 : vector<128xf32> to vector<128x1xf32>
    %eq3A_116 = vector.broadcast %broadcast_in_dim3A_115 : vector<128x1xf32> to vector<128x4096xf32>
    %eq3A_117 = arith.cmpf oeq, %select_n3A_112, %eq3A_116 : vector<128x4096xf32>
    %jit3A_118 = arith.constant -3.40282347E+38 : f32
    %broadcast_in_dim3A_119 = vector.broadcast %jit3A_118 : f32 to vector<128x4096xf32>
    %select_n3A_120 = arith.select %eq3A_117, %broadcast_in_dim3A_119, %select_n3A_104 : vector<128x4096xi1>, vector<128x4096xf32>
    %reduce_max3A_121 = arith.constant dense<0xFF800000> : vector<128xf32>
    %reduce_max3A_122 = vector.multi_reduction <maximumf>, %select_n3A_120, %reduce_max3A_121 [1] : vector<128x4096xf32> to vector<128xf32>
    %broadcast_in_dim3A_123 = vector.shape_cast %reduce_max3A_122 : vector<128xf32> to vector<128x1xf32>
    %eq3A_124 = vector.broadcast %broadcast_in_dim3A_123 : vector<128x1xf32> to vector<128x4096xf32>
    %eq3A_125 = arith.cmpf oeq, %select_n3A_120, %eq3A_124 : vector<128x4096xf32>
    %jit3A_126 = arith.constant 4.096000e+03 : f32
    %broadcast_in_dim3A_127 = vector.broadcast %jit3A_126 : f32 to vector<128x4096xf32>
    %select_n3A_128 = arith.select %eq3A_125, %convert_element_type3A, %broadcast_in_dim3A_127 : vector<128x4096xi1>, vector<128x4096xf32>
    %reduce_min3A_129 = arith.constant dense<0x7F800000> : vector<128xf32>
    %reduce_min3A_130 = vector.multi_reduction <minimumf>, %select_n3A_128, %reduce_min3A_129 [1] : vector<128x4096xf32> to vector<128xf32>
    %broadcast_in_dim3A_131 = vector.shape_cast %reduce_min3A_130 : vector<128xf32> to vector<128x1xf32>
    %eq3A_132 = vector.broadcast %broadcast_in_dim3A_131 : vector<128x1xf32> to vector<128x4096xf32>
    %eq3A_133 = arith.cmpf oeq, %select_n3A_128, %eq3A_132 : vector<128x4096xf32>
    %jit3A_134 = arith.constant -3.40282347E+38 : f32
    %broadcast_in_dim3A_135 = vector.broadcast %jit3A_134 : f32 to vector<128x4096xf32>
    %select_n3A_136 = arith.select %eq3A_133, %broadcast_in_dim3A_135, %select_n3A_120 : vector<128x4096xi1>, vector<128x4096xf32>
    %reduce_max3A_137 = arith.constant dense<0xFF800000> : vector<128xf32>
    %reduce_max3A_138 = vector.multi_reduction <maximumf>, %select_n3A_136, %reduce_max3A_137 [1] : vector<128x4096xf32> to vector<128xf32>
    %broadcast_in_dim3A_139 = vector.shape_cast %reduce_max3A_138 : vector<128xf32> to vector<128x1xf32>
    %eq3A_140 = vector.broadcast %broadcast_in_dim3A_139 : vector<128x1xf32> to vector<128x4096xf32>
    %eq3A_141 = arith.cmpf oeq, %select_n3A_136, %eq3A_140 : vector<128x4096xf32>
    %jit3A_142 = arith.constant 4.096000e+03 : f32
    %broadcast_in_dim3A_143 = vector.broadcast %jit3A_142 : f32 to vector<128x4096xf32>
    %select_n3A_144 = arith.select %eq3A_141, %convert_element_type3A, %broadcast_in_dim3A_143 : vector<128x4096xi1>, vector<128x4096xf32>
    %reduce_min3A_145 = arith.constant dense<0x7F800000> : vector<128xf32>
    %reduce_min3A_146 = vector.multi_reduction <minimumf>, %select_n3A_144, %reduce_min3A_145 [1] : vector<128x4096xf32> to vector<128xf32>
    %broadcast_in_dim3A_147 = vector.shape_cast %reduce_min3A_146 : vector<128xf32> to vector<128x1xf32>
    %eq3A_148 = vector.broadcast %broadcast_in_dim3A_147 : vector<128x1xf32> to vector<128x4096xf32>
    %eq3A_149 = arith.cmpf oeq, %select_n3A_144, %eq3A_148 : vector<128x4096xf32>
    %jit3A_150 = arith.constant -3.40282347E+38 : f32
    %broadcast_in_dim3A_151 = vector.broadcast %jit3A_150 : f32 to vector<128x4096xf32>
    %select_n3A_152 = arith.select %eq3A_149, %broadcast_in_dim3A_151, %select_n3A_136 : vector<128x4096xi1>, vector<128x4096xf32>
    %reduce_max3A_153 = arith.constant dense<0xFF800000> : vector<128xf32>
    %reduce_max3A_154 = vector.multi_reduction <maximumf>, %select_n3A_152, %reduce_max3A_153 [1] : vector<128x4096xf32> to vector<128xf32>
    %broadcast_in_dim3A_155 = vector.shape_cast %reduce_max3A_154 : vector<128xf32> to vector<128x1xf32>
    %eq3A_156 = vector.broadcast %broadcast_in_dim3A_155 : vector<128x1xf32> to vector<128x4096xf32>
    %eq3A_157 = arith.cmpf oeq, %select_n3A_152, %eq3A_156 : vector<128x4096xf32>
    %jit3A_158 = arith.constant 4.096000e+03 : f32
    %broadcast_in_dim3A_159 = vector.broadcast %jit3A_158 : f32 to vector<128x4096xf32>
    %select_n3A_160 = arith.select %eq3A_157, %convert_element_type3A, %broadcast_in_dim3A_159 : vector<128x4096xi1>, vector<128x4096xf32>
    %reduce_min3A_161 = arith.constant dense<0x7F800000> : vector<128xf32>
    %reduce_min3A_162 = vector.multi_reduction <minimumf>, %select_n3A_160, %reduce_min3A_161 [1] : vector<128x4096xf32> to vector<128xf32>
    %broadcast_in_dim3A_163 = vector.shape_cast %reduce_min3A_162 : vector<128xf32> to vector<128x1xf32>
    %eq3A_164 = vector.broadcast %broadcast_in_dim3A_163 : vector<128x1xf32> to vector<128x4096xf32>
    %eq3A_165 = arith.cmpf oeq, %select_n3A_160, %eq3A_164 : vector<128x4096xf32>
    %jit3A_166 = arith.constant -3.40282347E+38 : f32
    %broadcast_in_dim3A_167 = vector.broadcast %jit3A_166 : f32 to vector<128x4096xf32>
    %select_n3A_168 = arith.select %eq3A_165, %broadcast_in_dim3A_167, %select_n3A_152 : vector<128x4096xi1>, vector<128x4096xf32>
    %reduce_max3A_169 = arith.constant dense<0xFF800000> : vector<128xf32>
    %reduce_max3A_170 = vector.multi_reduction <maximumf>, %select_n3A_168, %reduce_max3A_169 [1] : vector<128x4096xf32> to vector<128xf32>
    %broadcast_in_dim3A_171 = vector.shape_cast %reduce_max3A_170 : vector<128xf32> to vector<128x1xf32>
    %eq3A_172 = vector.broadcast %broadcast_in_dim3A_171 : vector<128x1xf32> to vector<128x4096xf32>
    %eq3A_173 = arith.cmpf oeq, %select_n3A_168, %eq3A_172 : vector<128x4096xf32>
    %jit3A_174 = arith.constant 4.096000e+03 : f32
    %broadcast_in_dim3A_175 = vector.broadcast %jit3A_174 : f32 to vector<128x4096xf32>
    %select_n3A_176 = arith.select %eq3A_173, %convert_element_type3A, %broadcast_in_dim3A_175 : vector<128x4096xi1>, vector<128x4096xf32>
    %reduce_min3A_177 = arith.constant dense<0x7F800000> : vector<128xf32>
    %reduce_min3A_178 = vector.multi_reduction <minimumf>, %select_n3A_176, %reduce_min3A_177 [1] : vector<128x4096xf32> to vector<128xf32>
    %broadcast_in_dim3A_179 = vector.shape_cast %reduce_min3A_178 : vector<128xf32> to vector<128x1xf32>
    %eq3A_180 = vector.broadcast %broadcast_in_dim3A_179 : vector<128x1xf32> to vector<128x4096xf32>
    %eq3A_181 = arith.cmpf oeq, %select_n3A_176, %eq3A_180 : vector<128x4096xf32>
    %jit3A_182 = arith.constant -3.40282347E+38 : f32
    %broadcast_in_dim3A_183 = vector.broadcast %jit3A_182 : f32 to vector<128x4096xf32>
    %select_n3A_184 = arith.select %eq3A_181, %broadcast_in_dim3A_183, %select_n3A_168 : vector<128x4096xi1>, vector<128x4096xf32>
    %reduce_max3A_185 = arith.constant dense<0xFF800000> : vector<128xf32>
    %reduce_max3A_186 = vector.multi_reduction <maximumf>, %select_n3A_184, %reduce_max3A_185 [1] : vector<128x4096xf32> to vector<128xf32>
    %broadcast_in_dim3A_187 = vector.shape_cast %reduce_max3A_186 : vector<128xf32> to vector<128x1xf32>
    %eq3A_188 = vector.broadcast %broadcast_in_dim3A_187 : vector<128x1xf32> to vector<128x4096xf32>
    %eq3A_189 = arith.cmpf oeq, %select_n3A_184, %eq3A_188 : vector<128x4096xf32>
    %jit3A_190 = arith.constant 4.096000e+03 : f32
    %broadcast_in_dim3A_191 = vector.broadcast %jit3A_190 : f32 to vector<128x4096xf32>
    %select_n3A_192 = arith.select %eq3A_189, %convert_element_type3A, %broadcast_in_dim3A_191 : vector<128x4096xi1>, vector<128x4096xf32>
    %reduce_min3A_193 = arith.constant dense<0x7F800000> : vector<128xf32>
    %reduce_min3A_194 = vector.multi_reduction <minimumf>, %select_n3A_192, %reduce_min3A_193 [1] : vector<128x4096xf32> to vector<128xf32>
    %broadcast_in_dim3A_195 = vector.shape_cast %reduce_min3A_194 : vector<128xf32> to vector<128x1xf32>
    %eq3A_196 = vector.broadcast %broadcast_in_dim3A_195 : vector<128x1xf32> to vector<128x4096xf32>
    %eq3A_197 = arith.cmpf oeq, %select_n3A_192, %eq3A_196 : vector<128x4096xf32>
    %jit3A_198 = arith.constant -3.40282347E+38 : f32
    %broadcast_in_dim3A_199 = vector.broadcast %jit3A_198 : f32 to vector<128x4096xf32>
    %select_n3A_200 = arith.select %eq3A_197, %broadcast_in_dim3A_199, %select_n3A_184 : vector<128x4096xi1>, vector<128x4096xf32>
    %reduce_max3A_201 = arith.constant dense<0xFF800000> : vector<128xf32>
    %reduce_max3A_202 = vector.multi_reduction <maximumf>, %select_n3A_200, %reduce_max3A_201 [1] : vector<128x4096xf32> to vector<128xf32>
    %broadcast_in_dim3A_203 = vector.shape_cast %reduce_max3A_202 : vector<128xf32> to vector<128x1xf32>
    %eq3A_204 = vector.broadcast %broadcast_in_dim3A_203 : vector<128x1xf32> to vector<128x4096xf32>
    %eq3A_205 = arith.cmpf oeq, %select_n3A_200, %eq3A_204 : vector<128x4096xf32>
    %jit3A_206 = arith.constant 4.096000e+03 : f32
    %broadcast_in_dim3A_207 = vector.broadcast %jit3A_206 : f32 to vector<128x4096xf32>
    %select_n3A_208 = arith.select %eq3A_205, %convert_element_type3A, %broadcast_in_dim3A_207 : vector<128x4096xi1>, vector<128x4096xf32>
    %reduce_min3A_209 = arith.constant dense<0x7F800000> : vector<128xf32>
    %reduce_min3A_210 = vector.multi_reduction <minimumf>, %select_n3A_208, %reduce_min3A_209 [1] : vector<128x4096xf32> to vector<128xf32>
    %broadcast_in_dim3A_211 = vector.shape_cast %reduce_min3A_210 : vector<128xf32> to vector<128x1xf32>
    %eq3A_212 = vector.broadcast %broadcast_in_dim3A_211 : vector<128x1xf32> to vector<128x4096xf32>
    %eq3A_213 = arith.cmpf oeq, %select_n3A_208, %eq3A_212 : vector<128x4096xf32>
    %jit3A_214 = arith.constant -3.40282347E+38 : f32
    %broadcast_in_dim3A_215 = vector.broadcast %jit3A_214 : f32 to vector<128x4096xf32>
    %select_n3A_216 = arith.select %eq3A_213, %broadcast_in_dim3A_215, %select_n3A_200 : vector<128x4096xi1>, vector<128x4096xf32>
    %reduce_max3A_217 = arith.constant dense<0xFF800000> : vector<128xf32>
    %reduce_max3A_218 = vector.multi_reduction <maximumf>, %select_n3A_216, %reduce_max3A_217 [1] : vector<128x4096xf32> to vector<128xf32>
    %broadcast_in_dim3A_219 = vector.shape_cast %reduce_max3A_218 : vector<128xf32> to vector<128x1xf32>
    %eq3A_220 = vector.broadcast %broadcast_in_dim3A_219 : vector<128x1xf32> to vector<128x4096xf32>
    %eq3A_221 = arith.cmpf oeq, %select_n3A_216, %eq3A_220 : vector<128x4096xf32>
    %jit3A_222 = arith.constant 4.096000e+03 : f32
    %broadcast_in_dim3A_223 = vector.broadcast %jit3A_222 : f32 to vector<128x4096xf32>
    %select_n3A_224 = arith.select %eq3A_221, %convert_element_type3A, %broadcast_in_dim3A_223 : vector<128x4096xi1>, vector<128x4096xf32>
    %reduce_min3A_225 = arith.constant dense<0x7F800000> : vector<128xf32>
    %reduce_min3A_226 = vector.multi_reduction <minimumf>, %select_n3A_224, %reduce_min3A_225 [1] : vector<128x4096xf32> to vector<128xf32>
    %broadcast_in_dim3A_227 = vector.shape_cast %reduce_min3A_226 : vector<128xf32> to vector<128x1xf32>
    %eq3A_228 = vector.broadcast %broadcast_in_dim3A_227 : vector<128x1xf32> to vector<128x4096xf32>
    %eq3A_229 = arith.cmpf oeq, %select_n3A_224, %eq3A_228 : vector<128x4096xf32>
    %jit3A_230 = arith.constant -3.40282347E+38 : f32
    %broadcast_in_dim3A_231 = vector.broadcast %jit3A_230 : f32 to vector<128x4096xf32>
    %select_n3A_232 = arith.select %eq3A_229, %broadcast_in_dim3A_231, %select_n3A_216 : vector<128x4096xi1>, vector<128x4096xf32>
    %reduce_max3A_233 = arith.constant dense<0xFF800000> : vector<128xf32>
    %reduce_max3A_234 = vector.multi_reduction <maximumf>, %select_n3A_232, %reduce_max3A_233 [1] : vector<128x4096xf32> to vector<128xf32>
    %broadcast_in_dim3A_235 = vector.shape_cast %reduce_max3A_234 : vector<128xf32> to vector<128x1xf32>
    %eq3A_236 = vector.broadcast %broadcast_in_dim3A_235 : vector<128x1xf32> to vector<128x4096xf32>
    %eq3A_237 = arith.cmpf oeq, %select_n3A_232, %eq3A_236 : vector<128x4096xf32>
    %jit3A_238 = arith.constant 4.096000e+03 : f32
    %broadcast_in_dim3A_239 = vector.broadcast %jit3A_238 : f32 to vector<128x4096xf32>
    %select_n3A_240 = arith.select %eq3A_237, %convert_element_type3A, %broadcast_in_dim3A_239 : vector<128x4096xi1>, vector<128x4096xf32>
    %reduce_min3A_241 = arith.constant dense<0x7F800000> : vector<128xf32>
    %reduce_min3A_242 = vector.multi_reduction <minimumf>, %select_n3A_240, %reduce_min3A_241 [1] : vector<128x4096xf32> to vector<128xf32>
    %broadcast_in_dim3A_243 = vector.shape_cast %reduce_min3A_242 : vector<128xf32> to vector<128x1xf32>
    %eq3A_244 = vector.broadcast %broadcast_in_dim3A_243 : vector<128x1xf32> to vector<128x4096xf32>
    %eq3A_245 = arith.cmpf oeq, %select_n3A_240, %eq3A_244 : vector<128x4096xf32>
    %jit3A_246 = arith.constant -3.40282347E+38 : f32
    %broadcast_in_dim3A_247 = vector.broadcast %jit3A_246 : f32 to vector<128x4096xf32>
    %select_n3A_248 = arith.select %eq3A_245, %broadcast_in_dim3A_247, %select_n3A_232 : vector<128x4096xi1>, vector<128x4096xf32>
    %reduce_max3A_249 = arith.constant dense<0xFF800000> : vector<128xf32>
    %reduce_max3A_250 = vector.multi_reduction <maximumf>, %select_n3A_248, %reduce_max3A_249 [1] : vector<128x4096xf32> to vector<128xf32>
    %broadcast_in_dim3A_251 = vector.shape_cast %reduce_max3A_250 : vector<128xf32> to vector<128x1xf32>
    %eq3A_252 = vector.broadcast %broadcast_in_dim3A_251 : vector<128x1xf32> to vector<128x4096xf32>
    %eq3A_253 = arith.cmpf oeq, %select_n3A_248, %eq3A_252 : vector<128x4096xf32>
    %jit3A_254 = arith.constant 4.096000e+03 : f32
    %broadcast_in_dim3A_255 = vector.broadcast %jit3A_254 : f32 to vector<128x4096xf32>
    %select_n3A_256 = arith.select %eq3A_253, %convert_element_type3A, %broadcast_in_dim3A_255 : vector<128x4096xi1>, vector<128x4096xf32>
    %reduce_min3A_257 = arith.constant dense<0x7F800000> : vector<128xf32>
    %reduce_min3A_258 = vector.multi_reduction <minimumf>, %select_n3A_256, %reduce_min3A_257 [1] : vector<128x4096xf32> to vector<128xf32>
    %broadcast_in_dim3A_259 = vector.shape_cast %reduce_min3A_258 : vector<128xf32> to vector<128x1xf32>
    %eq3A_260 = vector.broadcast %broadcast_in_dim3A_259 : vector<128x1xf32> to vector<128x4096xf32>
    %eq3A_261 = arith.cmpf oeq, %select_n3A_256, %eq3A_260 : vector<128x4096xf32>
    %jit3A_262 = arith.constant -3.40282347E+38 : f32
    %broadcast_in_dim3A_263 = vector.broadcast %jit3A_262 : f32 to vector<128x4096xf32>
    %select_n3A_264 = arith.select %eq3A_261, %broadcast_in_dim3A_263, %select_n3A_248 : vector<128x4096xi1>, vector<128x4096xf32>
    %reduce_max3A_265 = arith.constant dense<0xFF800000> : vector<128xf32>
    %reduce_max3A_266 = vector.multi_reduction <maximumf>, %select_n3A_264, %reduce_max3A_265 [1] : vector<128x4096xf32> to vector<128xf32>
    %broadcast_in_dim3A_267 = vector.shape_cast %reduce_max3A_266 : vector<128xf32> to vector<128x1xf32>
    %eq3A_268 = vector.broadcast %broadcast_in_dim3A_267 : vector<128x1xf32> to vector<128x4096xf32>
    %eq3A_269 = arith.cmpf oeq, %select_n3A_264, %eq3A_268 : vector<128x4096xf32>
    %jit3A_270 = arith.constant 4.096000e+03 : f32
    %broadcast_in_dim3A_271 = vector.broadcast %jit3A_270 : f32 to vector<128x4096xf32>
    %select_n3A_272 = arith.select %eq3A_269, %convert_element_type3A, %broadcast_in_dim3A_271 : vector<128x4096xi1>, vector<128x4096xf32>
    %reduce_min3A_273 = arith.constant dense<0x7F800000> : vector<128xf32>
    %reduce_min3A_274 = vector.multi_reduction <minimumf>, %select_n3A_272, %reduce_min3A_273 [1] : vector<128x4096xf32> to vector<128xf32>
    %broadcast_in_dim3A_275 = vector.shape_cast %reduce_min3A_274 : vector<128xf32> to vector<128x1xf32>
    %eq3A_276 = vector.broadcast %broadcast_in_dim3A_275 : vector<128x1xf32> to vector<128x4096xf32>
    %eq3A_277 = arith.cmpf oeq, %select_n3A_272, %eq3A_276 : vector<128x4096xf32>
    %jit3A_278 = arith.constant -3.40282347E+38 : f32
    %broadcast_in_dim3A_279 = vector.broadcast %jit3A_278 : f32 to vector<128x4096xf32>
    %select_n3A_280 = arith.select %eq3A_277, %broadcast_in_dim3A_279, %select_n3A_264 : vector<128x4096xi1>, vector<128x4096xf32>
    %reduce_max3A_281 = arith.constant dense<0xFF800000> : vector<128xf32>
    %reduce_max3A_282 = vector.multi_reduction <maximumf>, %select_n3A_280, %reduce_max3A_281 [1] : vector<128x4096xf32> to vector<128xf32>
    %broadcast_in_dim3A_283 = vector.shape_cast %reduce_max3A_282 : vector<128xf32> to vector<128x1xf32>
    %eq3A_284 = vector.broadcast %broadcast_in_dim3A_283 : vector<128x1xf32> to vector<128x4096xf32>
    %eq3A_285 = arith.cmpf oeq, %select_n3A_280, %eq3A_284 : vector<128x4096xf32>
    %jit3A_286 = arith.constant 4.096000e+03 : f32
    %broadcast_in_dim3A_287 = vector.broadcast %jit3A_286 : f32 to vector<128x4096xf32>
    %select_n3A_288 = arith.select %eq3A_285, %convert_element_type3A, %broadcast_in_dim3A_287 : vector<128x4096xi1>, vector<128x4096xf32>
    %reduce_min3A_289 = arith.constant dense<0x7F800000> : vector<128xf32>
    %reduce_min3A_290 = vector.multi_reduction <minimumf>, %select_n3A_288, %reduce_min3A_289 [1] : vector<128x4096xf32> to vector<128xf32>
    %broadcast_in_dim3A_291 = vector.shape_cast %reduce_min3A_290 : vector<128xf32> to vector<128x1xf32>
    %eq3A_292 = vector.broadcast %broadcast_in_dim3A_291 : vector<128x1xf32> to vector<128x4096xf32>
    %eq3A_293 = arith.cmpf oeq, %select_n3A_288, %eq3A_292 : vector<128x4096xf32>
    %jit3A_294 = arith.constant -3.40282347E+38 : f32
    %broadcast_in_dim3A_295 = vector.broadcast %jit3A_294 : f32 to vector<128x4096xf32>
    %select_n3A_296 = arith.select %eq3A_293, %broadcast_in_dim3A_295, %select_n3A_280 : vector<128x4096xi1>, vector<128x4096xf32>
    %reduce_max3A_297 = arith.constant dense<0xFF800000> : vector<128xf32>
    %reduce_max3A_298 = vector.multi_reduction <maximumf>, %select_n3A_296, %reduce_max3A_297 [1] : vector<128x4096xf32> to vector<128xf32>
    %broadcast_in_dim3A_299 = vector.shape_cast %reduce_max3A_298 : vector<128xf32> to vector<128x1xf32>
    %eq3A_300 = vector.broadcast %broadcast_in_dim3A_299 : vector<128x1xf32> to vector<128x4096xf32>
    %eq3A_301 = arith.cmpf oeq, %select_n3A_296, %eq3A_300 : vector<128x4096xf32>
    %jit3A_302 = arith.constant 4.096000e+03 : f32
    %broadcast_in_dim3A_303 = vector.broadcast %jit3A_302 : f32 to vector<128x4096xf32>
    %select_n3A_304 = arith.select %eq3A_301, %convert_element_type3A, %broadcast_in_dim3A_303 : vector<128x4096xi1>, vector<128x4096xf32>
    %reduce_min3A_305 = arith.constant dense<0x7F800000> : vector<128xf32>
    %reduce_min3A_306 = vector.multi_reduction <minimumf>, %select_n3A_304, %reduce_min3A_305 [1] : vector<128x4096xf32> to vector<128xf32>
    %broadcast_in_dim3A_307 = vector.shape_cast %reduce_min3A_306 : vector<128xf32> to vector<128x1xf32>
    %eq3A_308 = vector.broadcast %broadcast_in_dim3A_307 : vector<128x1xf32> to vector<128x4096xf32>
    %eq3A_309 = arith.cmpf oeq, %select_n3A_304, %eq3A_308 : vector<128x4096xf32>
    %jit3A_310 = arith.constant -3.40282347E+38 : f32
    %broadcast_in_dim3A_311 = vector.broadcast %jit3A_310 : f32 to vector<128x4096xf32>
    %select_n3A_312 = arith.select %eq3A_309, %broadcast_in_dim3A_311, %select_n3A_296 : vector<128x4096xi1>, vector<128x4096xf32>
    %reduce_max3A_313 = arith.constant dense<0xFF800000> : vector<128xf32>
    %reduce_max3A_314 = vector.multi_reduction <maximumf>, %select_n3A_312, %reduce_max3A_313 [1] : vector<128x4096xf32> to vector<128xf32>
    %broadcast_in_dim3A_315 = vector.shape_cast %reduce_max3A_314 : vector<128xf32> to vector<128x1xf32>
    %eq3A_316 = vector.broadcast %broadcast_in_dim3A_315 : vector<128x1xf32> to vector<128x4096xf32>
    %eq3A_317 = arith.cmpf oeq, %select_n3A_312, %eq3A_316 : vector<128x4096xf32>
    %jit3A_318 = arith.constant 4.096000e+03 : f32
    %broadcast_in_dim3A_319 = vector.broadcast %jit3A_318 : f32 to vector<128x4096xf32>
    %select_n3A_320 = arith.select %eq3A_317, %convert_element_type3A, %broadcast_in_dim3A_319 : vector<128x4096xi1>, vector<128x4096xf32>
    %reduce_min3A_321 = arith.constant dense<0x7F800000> : vector<128xf32>
    %reduce_min3A_322 = vector.multi_reduction <minimumf>, %select_n3A_320, %reduce_min3A_321 [1] : vector<128x4096xf32> to vector<128xf32>
    %broadcast_in_dim3A_323 = vector.shape_cast %reduce_min3A_322 : vector<128xf32> to vector<128x1xf32>
    %eq3A_324 = vector.broadcast %broadcast_in_dim3A_323 : vector<128x1xf32> to vector<128x4096xf32>
    %eq3A_325 = arith.cmpf oeq, %select_n3A_320, %eq3A_324 : vector<128x4096xf32>
    %jit3A_326 = arith.constant -3.40282347E+38 : f32
    %broadcast_in_dim3A_327 = vector.broadcast %jit3A_326 : f32 to vector<128x4096xf32>
    %select_n3A_328 = arith.select %eq3A_325, %broadcast_in_dim3A_327, %select_n3A_312 : vector<128x4096xi1>, vector<128x4096xf32>
    %reduce_max3A_329 = arith.constant dense<0xFF800000> : vector<128xf32>
    %reduce_max3A_330 = vector.multi_reduction <maximumf>, %select_n3A_328, %reduce_max3A_329 [1] : vector<128x4096xf32> to vector<128xf32>
    %broadcast_in_dim3A_331 = vector.shape_cast %reduce_max3A_330 : vector<128xf32> to vector<128x1xf32>
    %eq3A_332 = vector.broadcast %broadcast_in_dim3A_331 : vector<128x1xf32> to vector<128x4096xf32>
    %eq3A_333 = arith.cmpf oeq, %select_n3A_328, %eq3A_332 : vector<128x4096xf32>
    %jit3A_334 = arith.constant 4.096000e+03 : f32
    %broadcast_in_dim3A_335 = vector.broadcast %jit3A_334 : f32 to vector<128x4096xf32>
    %select_n3A_336 = arith.select %eq3A_333, %convert_element_type3A, %broadcast_in_dim3A_335 : vector<128x4096xi1>, vector<128x4096xf32>
    %reduce_min3A_337 = arith.constant dense<0x7F800000> : vector<128xf32>
    %reduce_min3A_338 = vector.multi_reduction <minimumf>, %select_n3A_336, %reduce_min3A_337 [1] : vector<128x4096xf32> to vector<128xf32>
    %broadcast_in_dim3A_339 = vector.shape_cast %reduce_min3A_338 : vector<128xf32> to vector<128x1xf32>
    %eq3A_340 = vector.broadcast %broadcast_in_dim3A_339 : vector<128x1xf32> to vector<128x4096xf32>
    %eq3A_341 = arith.cmpf oeq, %select_n3A_336, %eq3A_340 : vector<128x4096xf32>
    %jit3A_342 = arith.constant -3.40282347E+38 : f32
    %broadcast_in_dim3A_343 = vector.broadcast %jit3A_342 : f32 to vector<128x4096xf32>
    %select_n3A_344 = arith.select %eq3A_341, %broadcast_in_dim3A_343, %select_n3A_328 : vector<128x4096xi1>, vector<128x4096xf32>
    %reduce_max3A_345 = arith.constant dense<0xFF800000> : vector<128xf32>
    %reduce_max3A_346 = vector.multi_reduction <maximumf>, %select_n3A_344, %reduce_max3A_345 [1] : vector<128x4096xf32> to vector<128xf32>
    %broadcast_in_dim3A_347 = vector.shape_cast %reduce_max3A_346 : vector<128xf32> to vector<128x1xf32>
    %eq3A_348 = vector.broadcast %broadcast_in_dim3A_347 : vector<128x1xf32> to vector<128x4096xf32>
    %eq3A_349 = arith.cmpf oeq, %select_n3A_344, %eq3A_348 : vector<128x4096xf32>
    %jit3A_350 = arith.constant 4.096000e+03 : f32
    %broadcast_in_dim3A_351 = vector.broadcast %jit3A_350 : f32 to vector<128x4096xf32>
    %select_n3A_352 = arith.select %eq3A_349, %convert_element_type3A, %broadcast_in_dim3A_351 : vector<128x4096xi1>, vector<128x4096xf32>
    %reduce_min3A_353 = arith.constant dense<0x7F800000> : vector<128xf32>
    %reduce_min3A_354 = vector.multi_reduction <minimumf>, %select_n3A_352, %reduce_min3A_353 [1] : vector<128x4096xf32> to vector<128xf32>
    %broadcast_in_dim3A_355 = vector.shape_cast %reduce_min3A_354 : vector<128xf32> to vector<128x1xf32>
    %eq3A_356 = vector.broadcast %broadcast_in_dim3A_355 : vector<128x1xf32> to vector<128x4096xf32>
    %eq3A_357 = arith.cmpf oeq, %select_n3A_352, %eq3A_356 : vector<128x4096xf32>
    %jit3A_358 = arith.constant -3.40282347E+38 : f32
    %broadcast_in_dim3A_359 = vector.broadcast %jit3A_358 : f32 to vector<128x4096xf32>
    %select_n3A_360 = arith.select %eq3A_357, %broadcast_in_dim3A_359, %select_n3A_344 : vector<128x4096xi1>, vector<128x4096xf32>
    %reduce_max3A_361 = arith.constant dense<0xFF800000> : vector<128xf32>
    %reduce_max3A_362 = vector.multi_reduction <maximumf>, %select_n3A_360, %reduce_max3A_361 [1] : vector<128x4096xf32> to vector<128xf32>
    %broadcast_in_dim3A_363 = vector.shape_cast %reduce_max3A_362 : vector<128xf32> to vector<128x1xf32>
    %eq3A_364 = vector.broadcast %broadcast_in_dim3A_363 : vector<128x1xf32> to vector<128x4096xf32>
    %eq3A_365 = arith.cmpf oeq, %select_n3A_360, %eq3A_364 : vector<128x4096xf32>
    %jit3A_366 = arith.constant 4.096000e+03 : f32
    %broadcast_in_dim3A_367 = vector.broadcast %jit3A_366 : f32 to vector<128x4096xf32>
    %select_n3A_368 = arith.select %eq3A_365, %convert_element_type3A, %broadcast_in_dim3A_367 : vector<128x4096xi1>, vector<128x4096xf32>
    %reduce_min3A_369 = arith.constant dense<0x7F800000> : vector<128xf32>
    %reduce_min3A_370 = vector.multi_reduction <minimumf>, %select_n3A_368, %reduce_min3A_369 [1] : vector<128x4096xf32> to vector<128xf32>
    %broadcast_in_dim3A_371 = vector.shape_cast %reduce_min3A_370 : vector<128xf32> to vector<128x1xf32>
    %eq3A_372 = vector.broadcast %broadcast_in_dim3A_371 : vector<128x1xf32> to vector<128x4096xf32>
    %eq3A_373 = arith.cmpf oeq, %select_n3A_368, %eq3A_372 : vector<128x4096xf32>
    %jit3A_374 = arith.constant -3.40282347E+38 : f32
    %broadcast_in_dim3A_375 = vector.broadcast %jit3A_374 : f32 to vector<128x4096xf32>
    %select_n3A_376 = arith.select %eq3A_373, %broadcast_in_dim3A_375, %select_n3A_360 : vector<128x4096xi1>, vector<128x4096xf32>
    %reduce_max3A_377 = arith.constant dense<0xFF800000> : vector<128xf32>
    %reduce_max3A_378 = vector.multi_reduction <maximumf>, %select_n3A_376, %reduce_max3A_377 [1] : vector<128x4096xf32> to vector<128xf32>
    %broadcast_in_dim3A_379 = vector.shape_cast %reduce_max3A_378 : vector<128xf32> to vector<128x1xf32>
    %eq3A_380 = vector.broadcast %broadcast_in_dim3A_379 : vector<128x1xf32> to vector<128x4096xf32>
    %eq3A_381 = arith.cmpf oeq, %select_n3A_376, %eq3A_380 : vector<128x4096xf32>
    %jit3A_382 = arith.constant 4.096000e+03 : f32
    %broadcast_in_dim3A_383 = vector.broadcast %jit3A_382 : f32 to vector<128x4096xf32>
    %select_n3A_384 = arith.select %eq3A_381, %convert_element_type3A, %broadcast_in_dim3A_383 : vector<128x4096xi1>, vector<128x4096xf32>
    %reduce_min3A_385 = arith.constant dense<0x7F800000> : vector<128xf32>
    %reduce_min3A_386 = vector.multi_reduction <minimumf>, %select_n3A_384, %reduce_min3A_385 [1] : vector<128x4096xf32> to vector<128xf32>
    %broadcast_in_dim3A_387 = vector.shape_cast %reduce_min3A_386 : vector<128xf32> to vector<128x1xf32>
    %eq3A_388 = vector.broadcast %broadcast_in_dim3A_387 : vector<128x1xf32> to vector<128x4096xf32>
    %eq3A_389 = arith.cmpf oeq, %select_n3A_384, %eq3A_388 : vector<128x4096xf32>
    %jit3A_390 = arith.constant -3.40282347E+38 : f32
    %broadcast_in_dim3A_391 = vector.broadcast %jit3A_390 : f32 to vector<128x4096xf32>
    %select_n3A_392 = arith.select %eq3A_389, %broadcast_in_dim3A_391, %select_n3A_376 : vector<128x4096xi1>, vector<128x4096xf32>
    %reduce_max3A_393 = arith.constant dense<0xFF800000> : vector<128xf32>
    %reduce_max3A_394 = vector.multi_reduction <maximumf>, %select_n3A_392, %reduce_max3A_393 [1] : vector<128x4096xf32> to vector<128xf32>
    %broadcast_in_dim3A_395 = vector.shape_cast %reduce_max3A_394 : vector<128xf32> to vector<128x1xf32>
    %eq3A_396 = vector.broadcast %broadcast_in_dim3A_395 : vector<128x1xf32> to vector<128x4096xf32>
    %eq3A_397 = arith.cmpf oeq, %select_n3A_392, %eq3A_396 : vector<128x4096xf32>
    %jit3A_398 = arith.constant 4.096000e+03 : f32
    %broadcast_in_dim3A_399 = vector.broadcast %jit3A_398 : f32 to vector<128x4096xf32>
    %select_n3A_400 = arith.select %eq3A_397, %convert_element_type3A, %broadcast_in_dim3A_399 : vector<128x4096xi1>, vector<128x4096xf32>
    %reduce_min3A_401 = arith.constant dense<0x7F800000> : vector<128xf32>
    %reduce_min3A_402 = vector.multi_reduction <minimumf>, %select_n3A_400, %reduce_min3A_401 [1] : vector<128x4096xf32> to vector<128xf32>
    %broadcast_in_dim3A_403 = vector.shape_cast %reduce_min3A_402 : vector<128xf32> to vector<128x1xf32>
    %eq3A_404 = vector.broadcast %broadcast_in_dim3A_403 : vector<128x1xf32> to vector<128x4096xf32>
    %eq3A_405 = arith.cmpf oeq, %select_n3A_400, %eq3A_404 : vector<128x4096xf32>
    %jit3A_406 = arith.constant -3.40282347E+38 : f32
    %broadcast_in_dim3A_407 = vector.broadcast %jit3A_406 : f32 to vector<128x4096xf32>
    %select_n3A_408 = arith.select %eq3A_405, %broadcast_in_dim3A_407, %select_n3A_392 : vector<128x4096xi1>, vector<128x4096xf32>
    %reduce_max3A_409 = arith.constant dense<0xFF800000> : vector<128xf32>
    %reduce_max3A_410 = vector.multi_reduction <maximumf>, %select_n3A_408, %reduce_max3A_409 [1] : vector<128x4096xf32> to vector<128xf32>
    %broadcast_in_dim3A_411 = vector.shape_cast %reduce_max3A_410 : vector<128xf32> to vector<128x1xf32>
    %eq3A_412 = vector.broadcast %broadcast_in_dim3A_411 : vector<128x1xf32> to vector<128x4096xf32>
    %eq3A_413 = arith.cmpf oeq, %select_n3A_408, %eq3A_412 : vector<128x4096xf32>
    %jit3A_414 = arith.constant 4.096000e+03 : f32
    %broadcast_in_dim3A_415 = vector.broadcast %jit3A_414 : f32 to vector<128x4096xf32>
    %select_n3A_416 = arith.select %eq3A_413, %convert_element_type3A, %broadcast_in_dim3A_415 : vector<128x4096xi1>, vector<128x4096xf32>
    %reduce_min3A_417 = arith.constant dense<0x7F800000> : vector<128xf32>
    %reduce_min3A_418 = vector.multi_reduction <minimumf>, %select_n3A_416, %reduce_min3A_417 [1] : vector<128x4096xf32> to vector<128xf32>
    %broadcast_in_dim3A_419 = vector.shape_cast %reduce_min3A_418 : vector<128xf32> to vector<128x1xf32>
    %eq3A_420 = vector.broadcast %broadcast_in_dim3A_419 : vector<128x1xf32> to vector<128x4096xf32>
    %eq3A_421 = arith.cmpf oeq, %select_n3A_416, %eq3A_420 : vector<128x4096xf32>
    %jit3A_422 = arith.constant -3.40282347E+38 : f32
    %broadcast_in_dim3A_423 = vector.broadcast %jit3A_422 : f32 to vector<128x4096xf32>
    %select_n3A_424 = arith.select %eq3A_421, %broadcast_in_dim3A_423, %select_n3A_408 : vector<128x4096xi1>, vector<128x4096xf32>
    %reduce_max3A_425 = arith.constant dense<0xFF800000> : vector<128xf32>
    %reduce_max3A_426 = vector.multi_reduction <maximumf>, %select_n3A_424, %reduce_max3A_425 [1] : vector<128x4096xf32> to vector<128xf32>
    %broadcast_in_dim3A_427 = vector.shape_cast %reduce_max3A_426 : vector<128xf32> to vector<128x1xf32>
    %eq3A_428 = vector.broadcast %broadcast_in_dim3A_427 : vector<128x1xf32> to vector<128x4096xf32>
    %eq3A_429 = arith.cmpf oeq, %select_n3A_424, %eq3A_428 : vector<128x4096xf32>
    %jit3A_430 = arith.constant 4.096000e+03 : f32
    %broadcast_in_dim3A_431 = vector.broadcast %jit3A_430 : f32 to vector<128x4096xf32>
    %select_n3A_432 = arith.select %eq3A_429, %convert_element_type3A, %broadcast_in_dim3A_431 : vector<128x4096xi1>, vector<128x4096xf32>
    %reduce_min3A_433 = arith.constant dense<0x7F800000> : vector<128xf32>
    %reduce_min3A_434 = vector.multi_reduction <minimumf>, %select_n3A_432, %reduce_min3A_433 [1] : vector<128x4096xf32> to vector<128xf32>
    %broadcast_in_dim3A_435 = vector.shape_cast %reduce_min3A_434 : vector<128xf32> to vector<128x1xf32>
    %eq3A_436 = vector.broadcast %broadcast_in_dim3A_435 : vector<128x1xf32> to vector<128x4096xf32>
    %eq3A_437 = arith.cmpf oeq, %select_n3A_432, %eq3A_436 : vector<128x4096xf32>
    %jit3A_438 = arith.constant -3.40282347E+38 : f32
    %broadcast_in_dim3A_439 = vector.broadcast %jit3A_438 : f32 to vector<128x4096xf32>
    %select_n3A_440 = arith.select %eq3A_437, %broadcast_in_dim3A_439, %select_n3A_424 : vector<128x4096xi1>, vector<128x4096xf32>
    %reduce_max3A_441 = arith.constant dense<0xFF800000> : vector<128xf32>
    %reduce_max3A_442 = vector.multi_reduction <maximumf>, %select_n3A_440, %reduce_max3A_441 [1] : vector<128x4096xf32> to vector<128xf32>
    %broadcast_in_dim3A_443 = vector.shape_cast %reduce_max3A_442 : vector<128xf32> to vector<128x1xf32>
    %eq3A_444 = vector.broadcast %broadcast_in_dim3A_443 : vector<128x1xf32> to vector<128x4096xf32>
    %eq3A_445 = arith.cmpf oeq, %select_n3A_440, %eq3A_444 : vector<128x4096xf32>
    %jit3A_446 = arith.constant 4.096000e+03 : f32
    %broadcast_in_dim3A_447 = vector.broadcast %jit3A_446 : f32 to vector<128x4096xf32>
    %select_n3A_448 = arith.select %eq3A_445, %convert_element_type3A, %broadcast_in_dim3A_447 : vector<128x4096xi1>, vector<128x4096xf32>
    %reduce_min3A_449 = arith.constant dense<0x7F800000> : vector<128xf32>
    %reduce_min3A_450 = vector.multi_reduction <minimumf>, %select_n3A_448, %reduce_min3A_449 [1] : vector<128x4096xf32> to vector<128xf32>
    %broadcast_in_dim3A_451 = vector.shape_cast %reduce_min3A_450 : vector<128xf32> to vector<128x1xf32>
    %eq3A_452 = vector.broadcast %broadcast_in_dim3A_451 : vector<128x1xf32> to vector<128x4096xf32>
    %eq3A_453 = arith.cmpf oeq, %select_n3A_448, %eq3A_452 : vector<128x4096xf32>
    %jit3A_454 = arith.constant -3.40282347E+38 : f32
    %broadcast_in_dim3A_455 = vector.broadcast %jit3A_454 : f32 to vector<128x4096xf32>
    %select_n3A_456 = arith.select %eq3A_453, %broadcast_in_dim3A_455, %select_n3A_440 : vector<128x4096xi1>, vector<128x4096xf32>
    %reduce_max3A_457 = arith.constant dense<0xFF800000> : vector<128xf32>
    %reduce_max3A_458 = vector.multi_reduction <maximumf>, %select_n3A_456, %reduce_max3A_457 [1] : vector<128x4096xf32> to vector<128xf32>
    %broadcast_in_dim3A_459 = vector.shape_cast %reduce_max3A_458 : vector<128xf32> to vector<128x1xf32>
    %eq3A_460 = vector.broadcast %broadcast_in_dim3A_459 : vector<128x1xf32> to vector<128x4096xf32>
    %eq3A_461 = arith.cmpf oeq, %select_n3A_456, %eq3A_460 : vector<128x4096xf32>
    %jit3A_462 = arith.constant 4.096000e+03 : f32
    %broadcast_in_dim3A_463 = vector.broadcast %jit3A_462 : f32 to vector<128x4096xf32>
    %select_n3A_464 = arith.select %eq3A_461, %convert_element_type3A, %broadcast_in_dim3A_463 : vector<128x4096xi1>, vector<128x4096xf32>
    %reduce_min3A_465 = arith.constant dense<0x7F800000> : vector<128xf32>
    %reduce_min3A_466 = vector.multi_reduction <minimumf>, %select_n3A_464, %reduce_min3A_465 [1] : vector<128x4096xf32> to vector<128xf32>
    %broadcast_in_dim3A_467 = vector.shape_cast %reduce_min3A_466 : vector<128xf32> to vector<128x1xf32>
    %eq3A_468 = vector.broadcast %broadcast_in_dim3A_467 : vector<128x1xf32> to vector<128x4096xf32>
    %eq3A_469 = arith.cmpf oeq, %select_n3A_464, %eq3A_468 : vector<128x4096xf32>
    %jit3A_470 = arith.constant -3.40282347E+38 : f32
    %broadcast_in_dim3A_471 = vector.broadcast %jit3A_470 : f32 to vector<128x4096xf32>
    %select_n3A_472 = arith.select %eq3A_469, %broadcast_in_dim3A_471, %select_n3A_456 : vector<128x4096xi1>, vector<128x4096xf32>
    %reduce_max3A_473 = arith.constant dense<0xFF800000> : vector<128xf32>
    %reduce_max3A_474 = vector.multi_reduction <maximumf>, %select_n3A_472, %reduce_max3A_473 [1] : vector<128x4096xf32> to vector<128xf32>
    %broadcast_in_dim3A_475 = vector.shape_cast %reduce_max3A_474 : vector<128xf32> to vector<128x1xf32>
    %eq3A_476 = vector.broadcast %broadcast_in_dim3A_475 : vector<128x1xf32> to vector<128x4096xf32>
    %eq3A_477 = arith.cmpf oeq, %select_n3A_472, %eq3A_476 : vector<128x4096xf32>
    %jit3A_478 = arith.constant 4.096000e+03 : f32
    %broadcast_in_dim3A_479 = vector.broadcast %jit3A_478 : f32 to vector<128x4096xf32>
    %select_n3A_480 = arith.select %eq3A_477, %convert_element_type3A, %broadcast_in_dim3A_479 : vector<128x4096xi1>, vector<128x4096xf32>
    %reduce_min3A_481 = arith.constant dense<0x7F800000> : vector<128xf32>
    %reduce_min3A_482 = vector.multi_reduction <minimumf>, %select_n3A_480, %reduce_min3A_481 [1] : vector<128x4096xf32> to vector<128xf32>
    %broadcast_in_dim3A_483 = vector.shape_cast %reduce_min3A_482 : vector<128xf32> to vector<128x1xf32>
    %eq3A_484 = vector.broadcast %broadcast_in_dim3A_483 : vector<128x1xf32> to vector<128x4096xf32>
    %eq3A_485 = arith.cmpf oeq, %select_n3A_480, %eq3A_484 : vector<128x4096xf32>
    %jit3A_486 = arith.constant -3.40282347E+38 : f32
    %broadcast_in_dim3A_487 = vector.broadcast %jit3A_486 : f32 to vector<128x4096xf32>
    %select_n3A_488 = arith.select %eq3A_485, %broadcast_in_dim3A_487, %select_n3A_472 : vector<128x4096xi1>, vector<128x4096xf32>
    %reduce_max3A_489 = arith.constant dense<0xFF800000> : vector<128xf32>
    %reduce_max3A_490 = vector.multi_reduction <maximumf>, %select_n3A_488, %reduce_max3A_489 [1] : vector<128x4096xf32> to vector<128xf32>
    %broadcast_in_dim3A_491 = vector.shape_cast %reduce_max3A_490 : vector<128xf32> to vector<128x1xf32>
    %eq3A_492 = vector.broadcast %broadcast_in_dim3A_491 : vector<128x1xf32> to vector<128x4096xf32>
    %eq3A_493 = arith.cmpf oeq, %select_n3A_488, %eq3A_492 : vector<128x4096xf32>
    %jit3A_494 = arith.constant 4.096000e+03 : f32
    %broadcast_in_dim3A_495 = vector.broadcast %jit3A_494 : f32 to vector<128x4096xf32>
    %select_n3A_496 = arith.select %eq3A_493, %convert_element_type3A, %broadcast_in_dim3A_495 : vector<128x4096xi1>, vector<128x4096xf32>
    %reduce_min3A_497 = arith.constant dense<0x7F800000> : vector<128xf32>
    %reduce_min3A_498 = vector.multi_reduction <minimumf>, %select_n3A_496, %reduce_min3A_497 [1] : vector<128x4096xf32> to vector<128xf32>
    %broadcast_in_dim3A_499 = vector.shape_cast %reduce_min3A_498 : vector<128xf32> to vector<128x1xf32>
    %eq3A_500 = vector.broadcast %broadcast_in_dim3A_499 : vector<128x1xf32> to vector<128x4096xf32>
    %eq3A_501 = arith.cmpf oeq, %select_n3A_496, %eq3A_500 : vector<128x4096xf32>
    %jit3A_502 = arith.constant -3.40282347E+38 : f32
    %broadcast_in_dim3A_503 = vector.broadcast %jit3A_502 : f32 to vector<128x4096xf32>
    %select_n3A_504 = arith.select %eq3A_501, %broadcast_in_dim3A_503, %select_n3A_488 : vector<128x4096xi1>, vector<128x4096xf32>
    %reduce_max3A_505 = arith.constant dense<0xFF800000> : vector<128xf32>
    %reduce_max3A_506 = vector.multi_reduction <maximumf>, %select_n3A_504, %reduce_max3A_505 [1] : vector<128x4096xf32> to vector<128xf32>
    %broadcast_in_dim3A_507 = vector.shape_cast %reduce_max3A_506 : vector<128xf32> to vector<128x1xf32>
    %eq3A_508 = vector.broadcast %broadcast_in_dim3A_507 : vector<128x1xf32> to vector<128x4096xf32>
    %eq3A_509 = arith.cmpf oeq, %select_n3A_504, %eq3A_508 : vector<128x4096xf32>
    %jit3A_510 = arith.constant 4.096000e+03 : f32
    %broadcast_in_dim3A_511 = vector.broadcast %jit3A_510 : f32 to vector<128x4096xf32>
    %select_n3A_512 = arith.select %eq3A_509, %convert_element_type3A, %broadcast_in_dim3A_511 : vector<128x4096xi1>, vector<128x4096xf32>
    %reduce_min3A_513 = arith.constant dense<0x7F800000> : vector<128xf32>
    %reduce_min3A_514 = vector.multi_reduction <minimumf>, %select_n3A_512, %reduce_min3A_513 [1] : vector<128x4096xf32> to vector<128xf32>
    %broadcast_in_dim3A_515 = vector.shape_cast %reduce_min3A_514 : vector<128xf32> to vector<128x1xf32>
    %concatenate3A_516 = tpu.concatenate %broadcast_in_dim3A_19, %broadcast_in_dim3A_35, %broadcast_in_dim3A_51, %broadcast_in_dim3A_67, %broadcast_in_dim3A_83, %broadcast_in_dim3A_99, %broadcast_in_dim3A_115, %broadcast_in_dim3A_131, %broadcast_in_dim3A_147, %broadcast_in_dim3A_163, %broadcast_in_dim3A_179, %broadcast_in_dim3A_195, %broadcast_in_dim3A_211, %broadcast_in_dim3A_227, %broadcast_in_dim3A_243, %broadcast_in_dim3A_259, %broadcast_in_dim3A_275, %broadcast_in_dim3A_291, %broadcast_in_dim3A_307, %broadcast_in_dim3A_323, %broadcast_in_dim3A_339, %broadcast_in_dim3A_355, %broadcast_in_dim3A_371, %broadcast_in_dim3A_387, %broadcast_in_dim3A_403, %broadcast_in_dim3A_419, %broadcast_in_dim3A_435, %broadcast_in_dim3A_451, %broadcast_in_dim3A_467, %broadcast_in_dim3A_483, %broadcast_in_dim3A_499, %broadcast_in_dim3A_515 in 1 : vector<128x1xf32>, vector<128x1xf32>, vector<128x1xf32>, vector<128x1xf32>, vector<128x1xf32>, vector<128x1xf32>, vector<128x1xf32>, vector<128x1xf32>, vector<128x1xf32>, vector<128x1xf32>, vector<128x1xf32>, vector<128x1xf32>, vector<128x1xf32>, vector<128x1xf32>, vector<128x1xf32>, vector<128x1xf32>, vector<128x1xf32>, vector<128x1xf32>, vector<128x1xf32>, vector<128x1xf32>, vector<128x1xf32>, vector<128x1xf32>, vector<128x1xf32>, vector<128x1xf32>, vector<128x1xf32>, vector<128x1xf32>, vector<128x1xf32>, vector<128x1xf32>, vector<128x1xf32>, vector<128x1xf32>, vector<128x1xf32>, vector<128x1xf32> -> vector<128x32xf32>
    %convert_element_type3A_517 = arith.fptosi %concatenate3A_516 : vector<128x32xf32> to vector<128x32xi32>
    %reshape3A = vector.shape_cast %convert_element_type3A_517 : vector<128x32xi32> to vector<2x64x32xi32>
    %swap3A = arith.constant 0 : index
    %swap3A_518 = arith.constant 0 : index
    %swap3A_519 = arith.constant 0 : index
    %swap3A_520 = vector.load %arg3[%swap3A, %swap3A_518, %swap3A_519] : memref<2x64x32xi32, #tpu.memory_space<vmem>>, vector<2x64x32xi32>
    tpu.vector_store %arg3[%swap3A, %swap3A_518, %swap3A_519], %reshape3A {strides = array<i32>} : memref<2x64x32xi32, #tpu.memory_space<vmem>>, vector<2x64x32xi32>,
    %mul3A = arith.constant 2 : i32
    %mul3A_521 = arith.muli %arg0, %mul3A : i32
    %iota3A_522 = tpu.iota {dimensions = array<i32: 0>} : vector<2x1x1xi32>
    %add3A = vector.broadcast %mul3A_521 : i32 to vector<2x1x1xi32>
    %add3A_523 = arith.addi %add3A, %iota3A_522 : vector<2x1x1xi32>
    %mul3A_524 = arith.constant 4096 : i32
    %mul3A_525 = vector.broadcast %mul3A_524 : i32 to vector<2x1x1xi32>
    %mul3A_526 = arith.muli %add3A_523, %mul3A_525 : vector<2x1x1xi32>
    %add3A_527 = vector.broadcast %mul3A_526 : vector<2x1x1xi32> to vector<2x64x32xi32>
    %add3A_528 = arith.addi %reshape3A, %add3A_527 : vector<2x64x32xi32>
    %swap3A_529 = arith.constant 0 : index
    %swap3A_530 = arith.constant 0 : index
    %swap3A_531 = arith.constant 0 : index
    %swap3A_532 = vector.load %arg4[%swap3A_529, %swap3A_530, %swap3A_531] : memref<2x64x32xi32, #tpu.memory_space<vmem>>, vector<2x64x32xi32>
    tpu.vector_store %arg4[%swap3A_529, %swap3A_530, %swap3A_531], %add3A_528 {strides = array<i32>} : memref<2x64x32xi32, #tpu.memory_space<vmem>>, vector<2x64x32xi32>,
    return
  }
  func.func @transform_0(%arg0: i32) -> (i32, i32) {
    %c0_i32 = arith.constant 0 : i32
    %c0_i32_0 = arith.constant 0 : i32
    %c0_i32_1 = arith.constant 0 : i32
    return %c0_i32, %c0_i32_0 : i32, i32
  }
  func.func @transform_1(%arg0: i32) -> (i32, i32, i32) {
    %c0_i32 = arith.constant 0 : i32
    %c0_i32_0 = arith.constant 0 : i32
    %c0_i32_1 = arith.constant 0 : i32
    return %arg0, %c0_i32, %c0_i32_0 : i32, i32, i32
  }
  func.func @transform_2(%arg0: i32) -> (i32, i32, i32) {
    %c0_i32 = arith.constant 0 : i32
    %c0_i32_0 = arith.constant 0 : i32
    %c0_i32_1 = arith.constant 0 : i32
    return %arg0, %c0_i32, %c0_i32_0 : i32, i32, i32
  }
  func.func @transform_3(%arg0: i32) -> (i32, i32, i32) {
    %c0_i32 = arith.constant 0 : i32
    %c0_i32_0 = arith.constant 0 : i32
    %c0_i32_1 = arith.constant 0 : i32
    return %arg0, %c0_i32, %c0_i32_0 : i32, i32, i32
  }
}

</mosaic_0001>

<sc_bundles>
// kernel: kernel.4.cloned.1.call-start
scs
__scs_entry_jumppad:
0x0: {  	(pc) =	sbr.rel $0x88, $3  }
0x1: {  	(tag) =	ssettag $0x0;
	lr =	simm.s32 $0x1  }
0x2: {  	[smem:$0x3F9F] =	sst lr;
	_ =	strace $0xD0000000  }
0x3: {  	_ = 	snop  }
0x4: {  	_ = 	snop  }
0x5: {  	_ = 	snop  }
0x6: {  	_ = 	snop  }
0x7: {  	_ = 	snop  }
__scs_overlays_trampoline_lowered:
0x8: {  	[smem:$0x3FAE] =	sst s0  }
0x9: {  	[smem:$0x3FAF] =	sst s1  }
0xa: {  	[smem:$0x3FB0] =	sst s2  }
0xb: {  	[smem:$0x3FB1] =	sst s3  }
0xc: {  	[smem:$0x3FB2] =	sst s4  }
0xd: {  	[smem:$0x3FB3] =	sst s5  }
0xe: {  	[smem:$0x3FB4] =	sst s6  }
0xf: {  	[smem:$0x3FB5] =	sst s7  }
0x10: {  	[smem:$0x3FB6] =	sst s8  }
0x11: {  	[smem:$0x3FB7] =	sst s9;
	s0 =	simm.s32 @!p0 $0x0  }
0x12: {  	s1 =	sld [smem:$0x3F9D];
	s0 =	simm.s32 @p0 $0x1  }
0x13: {  	[smem:$0x3FB8] =	sst s0;
	s0 =	simm.s32 @!p1 $0x0  }
0x14: {  	s2 =	sld [smem:$0x3F9C];
	s0 =	simm.s32 @p1 $0x1  }
0x15: {  	[smem:$0x3FB9] =	sst s0;
	s0 =	simm.s32 @!p2 $0x0  }
0x16: {  	s3 =	sld [smem:$0x3FDB];
	s0 =	simm.s32 @p2 $0x1  }
0x17: {  	s4 =	simm.s32 $0x1BF5;
	[smem:$0x3FBB] =	sst s0  }
0x18: {  	s0 =	sld [smem:$0x3F9E];
	_ =	swait.ge [sflag:s4], $0x0  }
0x19: {  	s7 =	sld [smem:$0x3F9F]  }
0x1a: {  	s8 =	sadd.s32 $0xFFFFE003, lr  }
0x1b: {  	s9 =	sadd.s32 $0xFFFFFEF7, lr;
	s5 =	simm.s32 $0xFFFFFFFF;
	p2 =	slt.u32 s8, $0xFFFFF086  }
0x1c: {  	p1 =	slt.u32 s9, $0xF7A;
	s5 =	simm.s32 @!p2 $0x0  }
0x1d: {  	s5 =	simm.s32 @p1 $0x1;
	p0 =	seq.s32 s7, s2  }
0x1e: {  	s7 =	smul.u32 @!p0 $0xF7A, s2;
	p2 =	seq.s32 @!p0 s5, $0x0  }
0x1f: {  	s9 =	smul.u32 $0xF7A, s1;
	s8 =	simm.s32 @!p0 $0x1BF5;
	p2 =	por !p2, p0  }
0x20: {  	[sflag:s8] =	ssyncset.s32 @!p0 $0xFFFFF086;
	s6 =	sadd.s32 @!p0 s3, s7;
	s7 =	simm.s32 @!p0 $0x108  }
0x21: {  	s3 =	sadd.s32 s3, s9;
	s6 =	sadd.s32 @!p0 $0x88, s6;
	s7 =	simm.s32 @p2 $0x1082  }
0x22: {  	[simem:s7], [sflag:s8] =	dma.local @!p0 [hbm:s6], $0xF7A  }
0x23: {  	s9 =	sor.u32 $0xD0000000, s2;
	s6 =	simm.s32 $0x108;
	_ =	swait.ge @!p0 [sflag:s8], $0x0  }
0x24: {  	s3 =	sadd.s32 $0x88, s3;
	s6 =	simm.s32 @!p1 $0x1082;
	[sflag:s4] =	ssyncset.s32 $0xFFFFF086  }
0x25: {  	[simem:s6], [sflag:s4] =	dma.local [hbm:s3], $0xF7A  }
0x26: {  	[smem:$0x3F9F] =	sst s1;
	(tag) =	ssettag s2;
	_ =	strace s9  }
0x27: {  	s1 =	sld [smem:$0x3FAF]  }
0x28: {  	s2 =	sld [smem:$0x3FB0]  }
0x29: {  	s4 =	sld [smem:$0x3FB2]  }
0x2a: {  	p0 =	seq.s32 s5, $0x0;
	s5 =	sld [smem:$0x3FB3]  }
0x2b: {  	s6 =	sld [smem:$0x3FB4]  }
0x2c: {  	s7 =	sld [smem:$0x3FB5]  }
0x2d: {  	s3 =	simm.s32 $0x108;
	s8 =	sld [smem:$0x3FB6]  }
0x2e: {  	s3 =	simm.s32 @!p0 $0x1082;
	s9 =	sld [smem:$0x3FB7]  }
0x2f: {  	lr =	sadd.s32 s0, s3;
	s0 =	sld [smem:$0x3FAE]  }
0x30: {  	s3 =	sld [smem:$0x3FB1]  }
0x31: {  	[smem:$0x3FBA] =	sst s10  }
0x32: {  	s10 =	sld [smem:$0x3FB8];
	_ =	sdelay $0x3  }
0x33: {  	p0 =	seq.s32 s10, $0x1;
	s10 =	sld [smem:$0x3FBA];
	_ =	sdelay $0x3  }
0x34: {  	[smem:$0x3FBA] =	sst s10  }
0x35: {  	s10 =	sld [smem:$0x3FB9];
	_ =	sdelay $0x3  }
0x36: {  	p1 =	seq.s32 s10, $0x1;
	s10 =	sld [smem:$0x3FBA];
	_ =	sdelay $0x3  }
0x37: {  	[smem:$0x3FBA] =	sst s10  }
0x38: {  	s10 =	sld [smem:$0x3FBB]  }
0x39: {  	_ = 	snop;
	(pc) =	sbr.ind lr, $3  }
0x3a: {  	_ = 	snop  }
0x3b: {  	_ = 	snop  }
0x3c: {  	p2 =	seq.s32 s10, $0x1;
	s10 =	sld [smem:$0x3FBA]  }
0x3d: {  	_ =	shalt  }
0x3e: {  	_ =	shalt  }
0x3f: {  	_ =	shalt  }
0x40: {  	_ =	shalt  }
0x41: {  	_ =	shalt  }
0x42: {  	_ =	shalt  }
0x43: {  	_ =	shalt  }
0x44: {  	_ =	shalt  }
0x45: {  	_ =	shalt  }
0x46: {  	_ =	shalt  }
0x47: {  	_ =	shalt  }
0x48: {  	_ =	shalt  }
0x49: {  	_ =	shalt  }
0x4a: {  	_ =	shalt  }
0x4b: {  	_ =	shalt  }
0x4c: {  	_ =	shalt  }
0x4d: {  	_ =	shalt  }
0x4e: {  	_ =	shalt  }
0x4f: {  	_ =	shalt  }
0x50: {  	_ =	shalt  }
0x51: {  	_ =	shalt  }
0x52: {  	_ =	shalt  }
0x53: {  	_ =	shalt  }
0x54: {  	_ =	shalt  }
0x55: {  	_ =	shalt  }
0x56: {  	_ =	shalt  }
0x57: {  	_ =	shalt  }
0x58: {  	_ =	shalt  }
0x59: {  	_ =	shalt  }
0x5a: {  	_ =	shalt  }
0x5b: {  	_ =	shalt  }
0x5c: {  	_ =	shalt  }
0x5d: {  	_ =	shalt  }
0x5e: {  	_ =	shalt  }
0x5f: {  	_ =	shalt  }
0x60: {  	_ =	shalt  }
0x61: {  	_ =	shalt  }
0x62: {  	_ =	shalt  }
0x63: {  	_ =	shalt  }
0x64: {  	_ =	shalt  }
0x65: {  	_ =	shalt  }
0x66: {  	_ =	shalt  }
0x67: {  	_ =	shalt  }
0x68: {  	_ =	shalt  }
0x69: {  	_ =	shalt  }
0x6a: {  	_ =	shalt  }
0x6b: {  	_ =	shalt  }
0x6c: {  	_ =	shalt  }
0x6d: {  	_ =	shalt  }
0x6e: {  	_ =	shalt  }
0x6f: {  	_ =	shalt  }
0x70: {  	_ =	shalt  }
0x71: {  	_ =	shalt  }
0x72: {  	_ =	shalt  }
0x73: {  	_ =	shalt  }
0x74: {  	_ =	shalt  }
0x75: {  	_ =	shalt  }
0x76: {  	_ =	shalt  }
0x77: {  	_ =	shalt  }
0x78: {  	_ =	shalt  }
0x79: {  	_ =	shalt  }
0x7a: {  	_ =	shalt  }
0x7b: {  	_ =	shalt  }
0x7c: {  	_ =	shalt  }
0x7d: {  	_ =	shalt  }
0x7e: {  	_ =	shalt  }
0x7f: {  	_ =	shalt  }
0x80: {  	_ =	shalt  }
0x81: {  	_ =	shalt  }
0x82: {  	_ =	shalt  }
0x83: {  	_ =	shalt  }
0x84: {  	_ =	shalt  }
0x85: {  	_ =	shalt  }
0x86: {  	_ =	shalt  }
0x87: {  	_ =	shalt  }
.Lfunc_end0:
.L_simem_size_0:
called_computation_lowered:
.L_overlay_start_0:
0x88: {  	s2 =	sld [smem:$0x3FD9]  }
0x89: {  	s3 =	sld [smem:$0x3FFE];
	_ =	sdelay $0x1  }
0x8a: {  	s1 =	srdreg.scid  }
0x8b: {  	s0 =	sand.u32 $0x1, s1  }
0x8c: {  	s15 =	sshll.u32 s0, $0xA;
	s2 =	sadd.s32 s3, s2  }
0x8d: {  	s2 =	sadd.s32 s2, s15  }
0x8e: {  	[smem:$0x3FC6] =	sst s2  }
0x8f: {  	_ = 	snop  }
0x90: {  	s2 =	sld [smem:$0x3FD0];
	_ =	sdelay $0x2  }
0x91: {  	s4 =	simm.s32 $0xA;
	s5 =	simm.s32 $0x10;
	s16 =	sld [smem:$0x3FC9]  }
0x92: {  	[smem:s5], [sflag:s4] =	dma.local [hbm:s2], $0x1  }
0x93: {  	_ =	swait.eq [sflag:s4], $0x1  }
0x94: {  	[sflag:s4] =	ssyncset.done $0x0  }
0x95: {  	s17 =	sld [smem:$0x10];
	[sflag:s4] =	ssyncadd.s32 $0xFFFFFFFF  }
0x96: {  	s18 =	sld [smem:$0x11];
	(tm) =	ssettm $0x1  }
0x97: {  	s19 =	sld [smem:$0x3FFB];
	_ =	sdelay $0x3  }
0x98: {  	_ =	strace s19  }
0x99: {  	s5 =	sld [smem:$0x3FFC];
	_ =	sdelay $0x3  }
0x9a: {  	_ =	strace s5  }
0x9b: {  	s5 =	sld [smem:$0x3FFD];
	_ =	sdelay $0x3  }
0x9c: {  	_ =	strace s5  }
0x9d: {  	_ =	strace $0x8FFFFFFF  }
0x9e: {  	s20 =	sld [smem:$0x3FDB];
	_ =	sdelay $0x1  }
0x9f: {  	s6 =	simm.s32 $_scs_section_size  }
0xa0: {  	s7 =	simm.s32 $_size__tile_overlayer_lowered;
	s8 =	simm.s32 $_tile_overlayer_lowered  }
0xa1: {  	s23 =	simm.s32 $0x1BFF;
	s22 =	sshll.u32 s8, $0x1;
	s5 =	sadd.s32 s6, s20  }
0xa2: {  	s9 =	simm.s32 $0x0;
	s21 =	sshll.u32 s7, $0x1;
	s7 =	sadd.s32 s22, s5  }
0xa3: {  	[timem:s9], [sflag:s23] =	dma.local [hbm:s7], s21  }
0xa4: {  	_ =	swait.ge [sflag:s23], s21  }
0xa5: {  	s6 =	ssub.s32 $0x0, s21;
	[sflag:s23] =	ssyncset.done $0x0  }
0xa6: {  	[sflag:s23] =	ssyncadd.s32 s6;
	_ =	sdelay $0x1  }
0xa7: {  	s24 =	simm.s32 $0x1B8B  }
0xa8: {  	_ =	swait.ge [sflag:s24], $0x1  }
0xa9: {  	[sflag:s24] =	ssyncset.done $0x0  }
0xaa: {  	s25 =	simm.s32 $0x1B8E;
	[sflag:s24] =	ssyncadd.s32 $0xFFFFFFFF  }
0xab: {  	s26 =	simm.s32 $execute0_lowered;
	[smem:$0x3FD2] =	sst s25  }
0xac: {  	s6 =	sshll.u32 s26, $0x1;
	_ =	strace $0x80000046;
	[dreg:$0x1] =	wrdreg $0xFFFFFFFF  }
0xad: {  	s28 =	simm.s32 $_size_execute0_lowered;
	s5 =	sadd.s32 s5, s6;
	[dreg:$0x0] =	wrdreg $0x0  }
0xae: {  	s6 =	sshll.u32 s28, $0x1;
	[dreg:$0x2] =	wrdreg s5  }
0xaf: {  	[dreg:$0x3] =	wrdreg s6  }
0xb0: {  	[dreg:$0x4] =	wrdreg $0xC0  }
0xb1: {  	_ =	task [dreg:s9], $0x5FFFF  }
0xb2: {  	[dreg:$0x1] =	wrdreg $0xFFFFFFFF  }
0xb3: {  	[dreg:$0x0] =	wrdreg $0x60  }
0xb4: {  	[dreg:$0x2] =	wrdreg s16  }
0xb5: {  	[dreg:$0x3] =	wrdreg s18  }
0xb6: {  	[dreg:$0x4] =	wrdreg s17  }
0xb7: {  	[dreg:$0x5] =	wrdreg $0x9  }
0xb8: {  	_ =	task.clear_ibuf [dreg:s9], $0x6FFFF;
	_ =	strace $0x90000046  }
0xb9: {  	s29 =	simm.s32 $0x9;
	_ =	strace $0x80000048  }
0xba: {  	_ =	swait.ge [sflag:s29], $0x1  }
0xbb: {  	[sflag:s29] =	ssyncadd.s32 $0xFFFFFFFF  }
0xbc: {  	_ =	strace $0x90000048  }
0xbd: {  	_ =	sfence  }
0xbe: {  	s30 =	sld [smem:$0x0];
	_ =	sdelay $0x2  }
0xbf: {  	s31 =	sshll.u32 s1, $0xD;
	s1 =	sshrl.u32 s1, $0x2  }
0xc0: {  	s3 =	sand.u32 $0x4000, s31;
	s1 =	sadd.s32 s1, s30  }
0xc1: {  	s0 =	sor.u32 s3, s0;
	s1 =	sshll.u32 s1, $0x11  }
0xc2: {  	s0 =	sor.u32 s1, s0  }
0xc3: {  	s0 =	sadd.s32 $0x8F2B, s0  }
0xc4: {  	[sflag:s0] =	ssyncadd.remote.s32 $0x1  }
0xc5: {  	_ =	sfence.sel $0xFFFF  }
0xc6: {  	[dreg:$0x0] =	wrdreg $0xFFFFFFFF;
	(pc) =	sbr.abs _section_cstart, $3  }
0xc7: {  	[dreg:$0x1] =	wrdreg $0xFFFFFFFF  }
0xc8: {  	_ =	task.clear_ibuf [dreg:s9], $0x2FFFF;
	_ =	strace $0x9FFFFFFF  }
0xc9: {  	(tm) =	ssettm $0x7FFFFFFF  }
tec
execute0_lowered:
.L_overlay_start_1:
0x0: {  	(tag) =	ssettag $0x1  }
0x1: {  	s1 =	rddreg [dreg:$0x0]  }
0x2: {  	s0 =	srdreg.scid;
	s2 =	rddreg [dreg:$0x1]  }
0x3: {  	s3 =	stileid.u32;
	s5 =	sand.u32 $0x1, s0;
	s0 =	rddreg [dreg:$0x2]  }
0x4: {  	s4 =	sshll.u32 s3, $0xC;
	s3 =	simm.s32 $0x0;
	s6 =	sshll.u32 s5, $0xB  }
0x5: {  	[smem:$0x7FF] =	sst s3;
	s5 =	ssub.s32 $0x2, s5;
	s4 =	sor.u32 s6, s4  }
0x6: {  	_ =	strace $0x80000047;
	s6 =	sshrl.u32 s4, $0x3;
	s7 =	sor.u32 $0x80, s4  }
0x7: {  	s18 =	sshll.u32 s4, $0x5;
	s20 =	sor.u32 $0x100, s4;
	s9 =	sor.u32 $0x180, s4  }
0x8: {  	s28 =	sor.u32 $0x200, s4;
	s31 =	sor.u32 $0x280, s4;
	s14 =	sor.u32 $0x300, s4  }
0x9: {  	s6 =	sadd.s32 s2, s6;
	s8 =	sshrl.u32 s7, $0x3;
	s19 =	sadd.s32 s0, s18  }
0xa: {  	s21 =	sshrl.u32 s20, $0x3;
	s7 =	sshll.u32 s7, $0x5;
	s23 =	sshrl.u32 s9, $0x3  }
0xb: {  	s25 =	sshll.u32 s20, $0x5;
	s29 =	sshrl.u32 s28, $0x3;
	s30 =	sshll.u32 s9, $0x5  }
0xc: {  	s11 =	sshrl.u32 s31, $0x3;
	s15 =	sshrl.u32 s14, $0x3;
	[dreg:$0x4] =	wrdreg s6  }
0xd: {  	s16 =	sshll.u32 s31, $0x5;
	s17 =	sadd.s32 s2, s8;
	[dreg:$0x6] =	wrdreg s19  }
0xe: {  	s31 =	sor.u32 $0x500, s4;
	s6 =	sadd.s32 s2, s21;
	[dreg:$0x5] =	wrdreg s17  }
0xf: {  	s22 =	sadd.s32 s0, s7;
	s24 =	sadd.s32 s2, s23;
	[dreg:$0x7] =	wrdreg s6  }
0x10: {  	s26 =	sadd.s32 s0, s25;
	s10 =	sadd.s32 s0, s30;
	[dreg:$0x8] =	wrdreg s22  }
0x11: {  	s12 =	sadd.s32 s2, s11;
	s7 =	sshll.u32 s28, $0x5;
	[dreg:$0x9] =	wrdreg s24  }
0x12: {  	s18 =	sadd.s32 s0, s16;
	s25 =	sor.u32 $0x480, s4;
	[dreg:$0xa] =	wrdreg s26  }
0x13: {  	s8 =	sshrl.u32 s31, $0x3;
	s11 =	sor.u32 $0x580, s4;
	[dreg:$0xc] =	wrdreg s10  }
0x14: {  	s16 =	sor.u32 $0x600, s4;
	s6 =	sadd.s32 s2, s29;
	[dreg:$0xd] =	wrdreg s12  }
0x15: {  	s13 =	sadd.s32 s0, s7;
	s17 =	sor.u32 $0x380, s4;
	[dreg:$0x10] =	wrdreg s18  }
0x16: {  	s7 =	sshll.u32 s14, $0x5;
	s22 =	sor.u32 $0x400, s4;
	s28 =	sshrl.u32 s25, $0x3  }
0x17: {  	s10 =	sshll.u32 s25, $0x5;
	s18 =	sshll.u32 s11, $0x5;
	[dreg:$0xb] =	wrdreg s6  }
0x18: {  	s25 =	sshrl.u32 s5, $0x1;
	[dreg:$0xe] =	wrdreg s13;
	s6 =	sadd.s32 s2, s15  }
0x19: {  	s19 =	sshrl.u32 s17, $0x3;
	s21 =	sadd.s32 s0, s7;
	s23 =	sshrl.u32 s22, $0x3  }
0x1a: {  	s24 =	sshll.u32 s17, $0x5;
	s29 =	sadd.s32 s2, s28;
	[dreg:$0xf] =	wrdreg s6  }
0x1b: {  	s7 =	sshll.u32 s22, $0x5;
	s12 =	sadd.s32 s0, s10;
	[dreg:$0x12] =	wrdreg s21  }
0x1c: {  	s13 =	sshrl.u32 s11, $0x3;
	s17 =	sshrl.u32 s16, $0x3;
	[dreg:$0x15] =	wrdreg s29  }
0x1d: {  	s5 =	ssub.s32 s5, s25;
	s20 =	sadd.s32 s2, s19;
	[dreg:$0x18] =	wrdreg s12  }
0x1e: {  	s25 =	simm.s32 $0x8100;
	s6 =	sadd.s32 s2, s23;
	[dreg:$0x11] =	wrdreg s20  }
0x1f: {  	s26 =	sadd.s32 s0, s24;
	s30 =	sadd.s32 s0, s7;
	[dreg:$0x13] =	wrdreg s6  }
0x20: {  	s14 =	sadd.s32 s2, s13;
	s7 =	sshll.u32 s31, $0x5;
	[dreg:$0x14] =	wrdreg s26  }
0x21: {  	s19 =	sor.u32 $0x680, s4;
	s24 =	sor.u32 $0x700, s4;
	[dreg:$0x16] =	wrdreg s30  }
0x22: {  	s4 =	sor.u32 $0x780, s4;
	s6 =	sadd.s32 s2, s8;
	[dreg:$0x19] =	wrdreg s14  }
0x23: {  	s15 =	sadd.s32 s0, s7;
	s20 =	sadd.s32 s0, s18;
	s21 =	sshrl.u32 s19, $0x3  }
0x24: {  	s7 =	sshll.u32 s16, $0x5;
	s26 =	sshrl.u32 s24, $0x3;
	[dreg:$0x17] =	wrdreg s6  }
0x25: {  	s9 =	sshll.u32 s19, $0x5;
	s29 =	sshrl.u32 s4, $0x3;
	[dreg:$0x1a] =	wrdreg s15  }
0x26: {  	s30 =	sshll.u32 s24, $0x5;
	s6 =	sadd.s32 s2, s17;
	[dreg:$0x1c] =	wrdreg s20  }
0x27: {  	s4 =	sshll.u32 s4, $0x5;
	s22 =	sadd.s32 s2, s21;
	[dreg:$0x1b] =	wrdreg s6  }
0x28: {  	s24 =	simm.s32 $0x2;
	s23 =	sadd.s32 s0, s7;
	[dreg:$0x1d] =	wrdreg s22  }
0x29: {  	s16 =	simm.s32 $0x5;
	s28 =	sadd.s32 s0, s9;
	[dreg:$0x1e] =	wrdreg s23  }
0x2a: {  	s31 =	sadd.s32 s0, s30;
	s0 =	sadd.s32 s0, s4;
	[smem:$0x7FA] =	sst s28  }
0x2b: {  	s15 =	simm.s32 $0x4;
	s17 =	simm.s32 $0x6;
	[smem:$0x7FC] =	sst s31  }
0x2c: {  	v2 =	vlaneseq.u32;
	s6 =	sadd.s32 s2, s26;
	s2 =	sadd.s32 s2, s29;
	[smem:$0x7FD] =	sst s0  }
0x2d: {  	vm0 =	vmmov $0xffff;
	v1 =	vshrl.u32 v2, $0x3;
	s0 =	smax.u32 s5, $0x1;
	s5 =	simm.s32 $0x1;
	[dreg:$0x1f] =	wrdreg s6  }
0x2e: {  	v0 =	vand.u32 $0x7, v2;
	v2 =	vor.u32 $0x8, v2;
	v1 =	vmul.u32 $0x8, v1;
	s23 =	simm.s32 $0x3;
	[smem:$0x7FB] =	sst s2;
	s6 =	simm.s32 $0x100  }
.LBB2_1:
0x2f: {  	[smem:$0x7F9] =	sst s0  }
0x30: {  	s18 =	rddreg [dreg:$0x4]  }
0x31: {  	[tilespmem:s3], [sflag:$0x1] =	stream.linear.gather [hbm4b:s18+s3], $0x80, $0x38;
	[tilespmem:$0x10100] =	vst v63  }
0x32: {  	_ =	swait.ge [sflag:s5], $0x80  }
0x33: {  	[sflag:s5] =	ssyncset.done $0x0  }
0x34: {  	[sflag:s5] =	ssyncadd.s32 $0xFFFFFF80  }
0x35: {  	v3 =	vld [tilespmem:$0x0];
	_ =	sdelay $0x4  }
0x36: {  	v4 =	vshll.u32 v3, $0x1  }
0x37: {  	v3 =	vand.u32 $0x7, v3;
	v4 =	vand.u32 $0xFFFFFFF0, v4  }
0x38: {  	v3 =	vor.u32 v3, v4  }
0x39: {  	v4 =	vperm.xlane v3, v0;
	_ =	sdelay $0x1  }
0x3a: {  	v3 =	vperm.xlane v3, v2;
	v4 =	vadd.s32 v1, v4;
	_ =	sdelay $0x1  }
0x3b: {  	v3 =	vadd.s32 v1, v3;
	_ =	sdelay $0x2  }
0x3c: {  	[tilespmem:s6], [sflag:$0x3] =	stream.indirect_vreg.gather [hbm4b:s1+s3], $0x80, v4, vm0, $0xb8;
	[tilespmem:$0x10100] =	vst v63  }
0x3d: {  	s30 =	simm.s32 $0x900  }
0x3e: {  	[tilespmem:s30], [sflag:$0x3] =	stream.indirect_vreg.gather [hbm4b:s1+s3], $0x80, v3, vm0, $0xb8;
	[tilespmem:$0x10100] =	vst v63  }
0x3f: {  	v3 =	vld [tilespmem:$0x10];
	_ =	sdelay $0x4  }
0x40: {  	v49 =	vshll.u32 v3, $0x1  }
0x41: {  	v3 =	vand.u32 $0x7, v3;
	v4 =	vand.u32 $0xFFFFFFF0, v49  }
0x42: {  	v3 =	vor.u32 v3, v4  }
0x43: {  	v4 =	vperm.xlane v3, v0;
	_ =	sdelay $0x1  }
0x44: {  	v3 =	vperm.xlane v3, v2;
	v4 =	vadd.s32 v1, v4;
	_ =	sdelay $0x1  }
0x45: {  	v3 =	vadd.s32 v1, v3;
	_ =	sdelay $0x1  }
0x46: {  	s31 =	simm.s32 $0x1100  }
0x47: {  	[tilespmem:s31], [sflag:$0x3] =	stream.indirect_vreg.gather [hbm4b:s1+s3], $0x80, v4, vm0, $0xb8;
	[tilespmem:$0x10100] =	vst v63  }
0x48: {  	s2 =	simm.s32 $0x1900  }
0x49: {  	[tilespmem:s2], [sflag:$0x3] =	stream.indirect_vreg.gather [hbm4b:s1+s3], $0x80, v3, vm0, $0xb8;
	[tilespmem:$0x10100] =	vst v63  }
0x4a: {  	v3 =	vld [tilespmem:$0x20];
	_ =	sdelay $0x4  }
0x4b: {  	v50 =	vshll.u32 v3, $0x1  }
0x4c: {  	v3 =	vand.u32 $0x7, v3;
	v4 =	vand.u32 $0xFFFFFFF0, v50  }
0x4d: {  	v3 =	vor.u32 v3, v4  }
0x4e: {  	v4 =	vperm.xlane v3, v0;
	_ =	sdelay $0x1  }
0x4f: {  	v3 =	vperm.xlane v3, v2;
	v4 =	vadd.s32 v1, v4;
	_ =	sdelay $0x1  }
0x50: {  	v3 =	vadd.s32 v1, v3;
	_ =	sdelay $0x1  }
0x51: {  	s7 =	simm.s32 $0x2100  }
0x52: {  	[tilespmem:s7], [sflag:$0x3] =	stream.indirect_vreg.gather [hbm4b:s1+s3], $0x80, v4, vm0, $0xb8;
	[tilespmem:$0x10100] =	vst v63  }
0x53: {  	s8 =	simm.s32 $0x2900  }
0x54: {  	[tilespmem:s8], [sflag:$0x3] =	stream.indirect_vreg.gather [hbm4b:s1+s3], $0x80, v3, vm0, $0xb8;
	[tilespmem:$0x10100] =	vst v63  }
0x55: {  	v3 =	vld [tilespmem:$0x30];
	_ =	sdelay $0x4  }
0x56: {  	v51 =	vshll.u32 v3, $0x1  }
0x57: {  	v3 =	vand.u32 $0x7, v3;
	v4 =	vand.u32 $0xFFFFFFF0, v51  }
0x58: {  	v3 =	vor.u32 v3, v4  }
0x59: {  	v4 =	vperm.xlane v3, v0;
	_ =	sdelay $0x1  }
0x5a: {  	v3 =	vperm.xlane v3, v2;
	v4 =	vadd.s32 v1, v4;
	_ =	sdelay $0x1  }
0x5b: {  	v3 =	vadd.s32 v1, v3;
	_ =	sdelay $0x1  }
0x5c: {  	s9 =	simm.s32 $0x3100  }
0x5d: {  	[tilespmem:s9], [sflag:$0x3] =	stream.indirect_vreg.gather [hbm4b:s1+s3], $0x80, v4, vm0, $0xb8;
	[tilespmem:$0x10100] =	vst v63  }
0x5e: {  	s10 =	simm.s32 $0x3900  }
0x5f: {  	[tilespmem:s10], [sflag:$0x3] =	stream.indirect_vreg.gather [hbm4b:s1+s3], $0x80, v3, vm0, $0xb8;
	[tilespmem:$0x10100] =	vst v63  }
0x60: {  	v3 =	vld [tilespmem:$0x40];
	_ =	sdelay $0x4  }
0x61: {  	v52 =	vshll.u32 v3, $0x1  }
0x62: {  	v3 =	vand.u32 $0x7, v3;
	v4 =	vand.u32 $0xFFFFFFF0, v52  }
0x63: {  	v3 =	vor.u32 v3, v4  }
0x64: {  	v4 =	vperm.xlane v3, v0;
	_ =	sdelay $0x1  }
0x65: {  	v3 =	vperm.xlane v3, v2;
	v4 =	vadd.s32 v1, v4;
	_ =	sdelay $0x1  }
0x66: {  	v3 =	vadd.s32 v1, v3;
	_ =	sdelay $0x1  }
0x67: {  	s12 =	simm.s32 $0x4100  }
0x68: {  	[tilespmem:s12], [sflag:$0x3] =	stream.indirect_vreg.gather [hbm4b:s1+s3], $0x80, v4, vm0, $0xb8;
	[tilespmem:$0x10100] =	vst v63  }
0x69: {  	s14 =	simm.s32 $0x4900  }
0x6a: {  	[tilespmem:s14], [sflag:$0x3] =	stream.indirect_vreg.gather [hbm4b:s1+s3], $0x80, v3, vm0, $0xb8;
	[tilespmem:$0x10100] =	vst v63  }
0x6b: {  	v3 =	vld [tilespmem:$0x50];
	_ =	sdelay $0x4  }
0x6c: {  	v53 =	vshll.u32 v3, $0x1  }
0x6d: {  	v3 =	vand.u32 $0x7, v3;
	v4 =	vand.u32 $0xFFFFFFF0, v53  }
0x6e: {  	v3 =	vor.u32 v3, v4  }
0x6f: {  	v4 =	vperm.xlane v3, v0;
	_ =	sdelay $0x1  }
0x70: {  	v3 =	vperm.xlane v3, v2;
	v4 =	vadd.s32 v1, v4;
	_ =	sdelay $0x1  }
0x71: {  	v3 =	vadd.s32 v1, v3;
	_ =	sdelay $0x1  }
0x72: {  	s18 =	simm.s32 $0x5100  }
0x73: {  	[tilespmem:s18], [sflag:$0x3] =	stream.indirect_vreg.gather [hbm4b:s1+s3], $0x80, v4, vm0, $0xb8;
	[tilespmem:$0x10100] =	vst v63  }
0x74: {  	s19 =	simm.s32 $0x5900  }
0x75: {  	[tilespmem:s19], [sflag:$0x3] =	stream.indirect_vreg.gather [hbm4b:s1+s3], $0x80, v3, vm0, $0xb8;
	[tilespmem:$0x10100] =	vst v63  }
0x76: {  	v3 =	vld [tilespmem:$0x60];
	_ =	sdelay $0x4  }
0x77: {  	v54 =	vshll.u32 v3, $0x1  }
0x78: {  	v3 =	vand.u32 $0x7, v3;
	v4 =	vand.u32 $0xFFFFFFF0, v54  }
0x79: {  	v3 =	vor.u32 v3, v4  }
0x7a: {  	v4 =	vperm.xlane v3, v0;
	_ =	sdelay $0x1  }
0x7b: {  	v3 =	vperm.xlane v3, v2;
	v4 =	vadd.s32 v1, v4;
	_ =	sdelay $0x1  }
0x7c: {  	v3 =	vadd.s32 v1, v3;
	_ =	sdelay $0x1  }
0x7d: {  	s20 =	simm.s32 $0x6100  }
0x7e: {  	[tilespmem:s20], [sflag:$0x3] =	stream.indirect_vreg.gather [hbm4b:s1+s3], $0x80, v4, vm0, $0xb8;
	[tilespmem:$0x10100] =	vst v63  }
0x7f: {  	s21 =	simm.s32 $0x6900  }
0x80: {  	[tilespmem:s21], [sflag:$0x3] =	stream.indirect_vreg.gather [hbm4b:s1+s3], $0x80, v3, vm0, $0xb8;
	[tilespmem:$0x10100] =	vst v63  }
0x81: {  	v3 =	vld [tilespmem:$0x70];
	_ =	sdelay $0x4  }
0x82: {  	v55 =	vshll.u32 v3, $0x1  }
0x83: {  	v3 =	vand.u32 $0x7, v3;
	v4 =	vand.u32 $0xFFFFFFF0, v55  }
0x84: {  	v3 =	vor.u32 v3, v4  }
0x85: {  	v4 =	vperm.xlane v3, v0;
	_ =	sdelay $0x1  }
0x86: {  	v3 =	vperm.xlane v3, v2;
	v4 =	vadd.s32 v1, v4;
	_ =	sdelay $0x1  }
0x87: {  	v3 =	vadd.s32 v1, v3;
	_ =	sdelay $0x1  }
0x88: {  	s28 =	simm.s32 $0x7100  }
0x89: {  	[tilespmem:s28], [sflag:$0x3] =	stream.indirect_vreg.gather [hbm4b:s1+s3], $0x80, v4, vm0, $0xb8;
	[tilespmem:$0x10100] =	vst v63  }
0x8a: {  	s30 =	simm.s32 $0x7900  }
0x8b: {  	[tilespmem:s30], [sflag:$0x3] =	stream.indirect_vreg.gather [hbm4b:s1+s3], $0x80, v3, vm0, $0xb8;
	[tilespmem:$0x10100] =	vst v63  }
0x8c: {  	s29 =	rddreg [dreg:$0x5];
	s31 =	simm.s32 $0x80  }
0x8d: {  	[tilespmem:s31], [sflag:$0x2] =	stream.linear.gather [hbm4b:s29+s3], $0x80, $0x38;
	[tilespmem:$0x10100] =	vst v63  }
0x8e: {  	_ =	swait.ge [sflag:s23], $0x8000  }
0x8f: {  	[sflag:s23] =	ssyncset.done $0x0  }
0x90: {  	s0 =	rddreg [dreg:$0x6];
	[sflag:s23] =	ssyncadd.s32 $0xFFFF8000  }
0x91: {  	[hbm4b:s0+s3] =	stream.linear.scatter [tilespmem:s6], [sflag:$0x5], $0x8000, $0x38;
	[tilespmem:$0x10100] =	vst v63  }
0x92: {  	_ =	swait.ge [sflag:s24], $0x80  }
0x93: {  	[sflag:s24] =	ssyncset.done $0x0  }
0x94: {  	[sflag:s24] =	ssyncadd.s32 $0xFFFFFF80  }
0x95: {  	v3 =	vld [tilespmem:$0x80];
	_ =	sdelay $0x4  }
0x96: {  	v56 =	vshll.u32 v3, $0x1  }
0x97: {  	v3 =	vand.u32 $0x7, v3;
	v4 =	vand.u32 $0xFFFFFFF0, v56  }
0x98: {  	v3 =	vor.u32 v3, v4  }
0x99: {  	v4 =	vperm.xlane v3, v0;
	_ =	sdelay $0x1  }
0x9a: {  	v3 =	vperm.xlane v3, v2;
	v4 =	vadd.s32 v1, v4;
	_ =	sdelay $0x1  }
0x9b: {  	v3 =	vadd.s32 v1, v3;
	_ =	sdelay $0x2  }
0x9c: {  	[tilespmem:s25], [sflag:$0x4] =	stream.indirect_vreg.gather [hbm4b:s1+s3], $0x80, v4, vm0, $0xb8;
	[tilespmem:$0x10100] =	vst v63  }
0x9d: {  	s12 =	simm.s32 $0x8900  }
0x9e: {  	[tilespmem:s12], [sflag:$0x4] =	stream.indirect_vreg.gather [hbm4b:s1+s3], $0x80, v3, vm0, $0xb8;
	[tilespmem:$0x10100] =	vst v63  }
0x9f: {  	v3 =	vld [tilespmem:$0x90];
	_ =	sdelay $0x4  }
0xa0: {  	v57 =	vshll.u32 v3, $0x1  }
0xa1: {  	v3 =	vand.u32 $0x7, v3;
	v4 =	vand.u32 $0xFFFFFFF0, v57  }
0xa2: {  	v3 =	vor.u32 v3, v4  }
0xa3: {  	v4 =	vperm.xlane v3, v0;
	_ =	sdelay $0x1  }
0xa4: {  	v3 =	vperm.xlane v3, v2;
	v4 =	vadd.s32 v1, v4;
	_ =	sdelay $0x1  }
0xa5: {  	v3 =	vadd.s32 v1, v3;
	_ =	sdelay $0x1  }
0xa6: {  	s2 =	simm.s32 $0x9100  }
0xa7: {  	[tilespmem:s2], [sflag:$0x4] =	stream.indirect_vreg.gather [hbm4b:s1+s3], $0x80, v4, vm0, $0xb8;
	[tilespmem:$0x10100] =	vst v63  }
0xa8: {  	s12 =	simm.s32 $0x9900  }
0xa9: {  	[tilespmem:s12], [sflag:$0x4] =	stream.indirect_vreg.gather [hbm4b:s1+s3], $0x80, v3, vm0, $0xb8;
	[tilespmem:$0x10100] =	vst v63  }
0xaa: {  	v3 =	vld [tilespmem:$0xA0];
	_ =	sdelay $0x4  }
0xab: {  	v58 =	vshll.u32 v3, $0x1  }
0xac: {  	v3 =	vand.u32 $0x7, v3;
	v4 =	vand.u32 $0xFFFFFFF0, v58  }
0xad: {  	v3 =	vor.u32 v3, v4  }
0xae: {  	v4 =	vperm.xlane v3, v0;
	_ =	sdelay $0x1  }
0xaf: {  	v3 =	vperm.xlane v3, v2;
	v4 =	vadd.s32 v1, v4;
	_ =	sdelay $0x1  }
0xb0: {  	v3 =	vadd.s32 v1, v3;
	_ =	sdelay $0x1  }
0xb1: {  	s18 =	simm.s32 $0xA100  }
0xb2: {  	[tilespmem:s18], [sflag:$0x4] =	stream.indirect_vreg.gather [hbm4b:s1+s3], $0x80, v4, vm0, $0xb8;
	[tilespmem:$0x10100] =	vst v63  }
0xb3: {  	s21 =	simm.s32 $0xA900  }
0xb4: {  	[tilespmem:s21], [sflag:$0x4] =	stream.indirect_vreg.gather [hbm4b:s1+s3], $0x80, v3, vm0, $0xb8;
	[tilespmem:$0x10100] =	vst v63  }
0xb5: {  	v3 =	vld [tilespmem:$0xB0];
	_ =	sdelay $0x4  }
0xb6: {  	v59 =	vshll.u32 v3, $0x1  }
0xb7: {  	v3 =	vand.u32 $0x7, v3;
	v4 =	vand.u32 $0xFFFFFFF0, v59  }
0xb8: {  	v3 =	vor.u32 v3, v4  }
0xb9: {  	v4 =	vperm.xlane v3, v0;
	_ =	sdelay $0x1  }
0xba: {  	v3 =	vperm.xlane v3, v2;
	v4 =	vadd.s32 v1, v4;
	_ =	sdelay $0x1  }
0xbb: {  	v3 =	vadd.s32 v1, v3;
	_ =	sdelay $0x1  }
0xbc: {  	s28 =	simm.s32 $0xB100  }
0xbd: {  	[tilespmem:s28], [sflag:$0x4] =	stream.indirect_vreg.gather [hbm4b:s1+s3], $0x80, v4, vm0, $0xb8;
	[tilespmem:$0x10100] =	vst v63  }
0xbe: {  	s29 =	simm.s32 $0xB900  }
0xbf: {  	[tilespmem:s29], [sflag:$0x4] =	stream.indirect_vreg.gather [hbm4b:s1+s3], $0x80, v3, vm0, $0xb8;
	[tilespmem:$0x10100] =	vst v63  }
0xc0: {  	v3 =	vld [tilespmem:$0xC0];
	_ =	sdelay $0x4  }
0xc1: {  	v60 =	vshll.u32 v3, $0x1  }
0xc2: {  	v3 =	vand.u32 $0x7, v3;
	v4 =	vand.u32 $0xFFFFFFF0, v60  }
0xc3: {  	v3 =	vor.u32 v3, v4  }
0xc4: {  	v4 =	vperm.xlane v3, v0;
	_ =	sdelay $0x1  }
0xc5: {  	v3 =	vperm.xlane v3, v2;
	v4 =	vadd.s32 v1, v4;
	_ =	sdelay $0x1  }
0xc6: {  	v3 =	vadd.s32 v1, v3;
	_ =	sdelay $0x1  }
0xc7: {  	s30 =	simm.s32 $0xC100  }
0xc8: {  	[tilespmem:s30], [sflag:$0x4] =	stream.indirect_vreg.gather [hbm4b:s1+s3], $0x80, v4, vm0, $0xb8;
	[tilespmem:$0x10100] =	vst v63  }
0xc9: {  	s31 =	simm.s32 $0xC900  }
0xca: {  	[tilespmem:s31], [sflag:$0x4] =	stream.indirect_vreg.gather [hbm4b:s1+s3], $0x80, v3, vm0, $0xb8;
	[tilespmem:$0x10100] =	vst v63  }
0xcb: {  	v3 =	vld [tilespmem:$0xD0];
	_ =	sdelay $0x4  }
0xcc: {  	v61 =	vshll.u32 v3, $0x1  }
0xcd: {  	v3 =	vand.u32 $0x7, v3;
	v4 =	vand.u32 $0xFFFFFFF0, v61  }
0xce: {  	v3 =	vor.u32 v3, v4  }
0xcf: {  	v4 =	vperm.xlane v3, v0;
	_ =	sdelay $0x1  }
0xd0: {  	v3 =	vperm.xlane v3, v2;
	v4 =	vadd.s32 v1, v4;
	_ =	sdelay $0x1  }
0xd1: {  	v3 =	vadd.s32 v1, v3;
	_ =	sdelay $0x1  }
0xd2: {  	s0 =	simm.s32 $0xD100  }
0xd3: {  	[tilespmem:s0], [sflag:$0x4] =	stream.indirect_vreg.gather [hbm4b:s1+s3], $0x80, v4, vm0, $0xb8;
	[tilespmem:$0x10100] =	vst v63  }
0xd4: {  	s18 =	simm.s32 $0xD900  }
0xd5: {  	[tilespmem:s18], [sflag:$0x4] =	stream.indirect_vreg.gather [hbm4b:s1+s3], $0x80, v3, vm0, $0xb8;
	[tilespmem:$0x10100] =	vst v63  }
0xd6: {  	v3 =	vld [tilespmem:$0xE0];
	_ =	sdelay $0x4  }
0xd7: {  	v62 =	vshll.u32 v3, $0x1  }
0xd8: {  	v3 =	vand.u32 $0x7, v3;
	v4 =	vand.u32 $0xFFFFFFF0, v62  }
0xd9: {  	v3 =	vor.u32 v3, v4  }
0xda: {  	v4 =	vperm.xlane v3, v0;
	_ =	sdelay $0x1  }
0xdb: {  	v3 =	vperm.xlane v3, v2;
	v4 =	vadd.s32 v1, v4;
	_ =	sdelay $0x1  }
0xdc: {  	v3 =	vadd.s32 v1, v3;
	_ =	sdelay $0x1  }
0xdd: {  	s21 =	simm.s32 $0xE100  }
0xde: {  	[tilespmem:s21], [sflag:$0x4] =	stream.indirect_vreg.gather [hbm4b:s1+s3], $0x80, v4, vm0, $0xb8;
	[tilespmem:$0x10100] =	vst v63  }
0xdf: {  	s28 =	simm.s32 $0xE900  }
0xe0: {  	[tilespmem:s28], [sflag:$0x4] =	stream.indirect_vreg.gather [hbm4b:s1+s3], $0x80, v3, vm0, $0xb8;
	[tilespmem:$0x10100] =	vst v63  }
0xe1: {  	v3 =	vld [tilespmem:$0xF0];
	_ =	sdelay $0x4  }
0xe2: {  	v63 =	vshll.u32 v3, $0x1  }
0xe3: {  	v3 =	vand.u32 $0x7, v3;
	v4 =	vand.u32 $0xFFFFFFF0, v63  }
0xe4: {  	v3 =	vor.u32 v3, v4  }
0xe5: {  	v4 =	vperm.xlane v3, v0;
	_ =	sdelay $0x1  }
0xe6: {  	v3 =	vperm.xlane v3, v2;
	v4 =	vadd.s32 v1, v4;
	_ =	sdelay $0x1  }
0xe7: {  	v3 =	vadd.s32 v1, v3;
	_ =	sdelay $0x1  }
0xe8: {  	s29 =	simm.s32 $0xF100  }
0xe9: {  	[tilespmem:s29], [sflag:$0x4] =	stream.indirect_vreg.gather [hbm4b:s1+s3], $0x80, v4, vm0, $0xb8;
	[tilespmem:$0x10100] =	vst v63  }
0xea: {  	s31 =	simm.s32 $0xF900  }
0xeb: {  	[tilespmem:s31], [sflag:$0x4] =	stream.indirect_vreg.gather [hbm4b:s1+s3], $0x80, v3, vm0, $0xb8;
	[tilespmem:$0x10100] =	vst v63  }
0xec: {  	s30 =	rddreg [dreg:$0x7]  }
0xed: {  	[tilespmem:s3], [sflag:$0x1] =	stream.linear.gather [hbm4b:s30+s3], $0x80, $0x38;
	[tilespmem:$0x10100] =	vst v63  }
0xee: {  	_ =	swait.ge [sflag:s15], $0x8000  }
0xef: {  	[sflag:s15] =	ssyncset.done $0x0  }
0xf0: {  	s0 =	rddreg [dreg:$0x8];
	[sflag:s15] =	ssyncadd.s32 $0xFFFF8000  }
0xf1: {  	[hbm4b:s0+s3] =	stream.linear.scatter [tilespmem:s25], [sflag:$0x6], $0x8000, $0x38;
	[tilespmem:$0x10100] =	vst v63  }
0xf2: {  	_ =	swait.ge [sflag:s16], $0x8000  }
0xf3: {  	[sflag:s16] =	ssyncset.done $0x0  }
0xf4: {  	[sflag:s16] =	ssyncadd.s32 $0xFFFF8000  }
0xf5: {  	_ =	swait.ge [sflag:s5], $0x80  }
0xf6: {  	[sflag:s5] =	ssyncset.done $0x0  }
0xf7: {  	[sflag:s5] =	ssyncadd.s32 $0xFFFFFF80  }
0xf8: {  	v3 =	vld [tilespmem:$0x0];
	_ =	sdelay $0x4  }
0xf9: {  	v8 =	vshll.u32 v3, $0x1  }
0xfa: {  	v3 =	vand.u32 $0x7, v3;
	v4 =	vand.u32 $0xFFFFFFF0, v8  }
0xfb: {  	v3 =	vor.u32 v3, v4  }
0xfc: {  	v4 =	vperm.xlane v3, v0;
	_ =	sdelay $0x1  }
0xfd: {  	v3 =	vperm.xlane v3, v2;
	v4 =	vadd.s32 v1, v4;
	_ =	sdelay $0x1  }
0xfe: {  	v3 =	vadd.s32 v1, v3;
	_ =	sdelay $0x2  }
0xff: {  	[tilespmem:s6], [sflag:$0x3] =	stream.indirect_vreg.gather [hbm4b:s1+s3], $0x80, v4, vm0, $0xb8;
	[tilespmem:$0x10100] =	vst v63  }
0x100: {  	s11 =	simm.s32 $0x900  }
0x101: {  	[tilespmem:s11], [sflag:$0x3] =	stream.indirect_vreg.gather [hbm4b:s1+s3], $0x80, v3, vm0, $0xb8;
	[tilespmem:$0x10100] =	vst v63  }
0x102: {  	v3 =	vld [tilespmem:$0x10];
	_ =	sdelay $0x4  }
0x103: {  	v9 =	vshll.u32 v3, $0x1  }
0x104: {  	v3 =	vand.u32 $0x7, v3;
	v4 =	vand.u32 $0xFFFFFFF0, v9  }
0x105: {  	v3 =	vor.u32 v3, v4  }
0x106: {  	v4 =	vperm.xlane v3, v0;
	_ =	sdelay $0x1  }
0x107: {  	v3 =	vperm.xlane v3, v2;
	v4 =	vadd.s32 v1, v4;
	_ =	sdelay $0x1  }
0x108: {  	v3 =	vadd.s32 v1, v3;
	_ =	sdelay $0x1  }
0x109: {  	s4 =	simm.s32 $0x1100  }
0x10a: {  	[tilespmem:s4], [sflag:$0x3] =	stream.indirect_vreg.gather [hbm4b:s1+s3], $0x80, v4, vm0, $0xb8;
	[tilespmem:$0x10100] =	vst v63  }
0x10b: {  	s13 =	simm.s32 $0x1900  }
0x10c: {  	[tilespmem:s13], [sflag:$0x3] =	stream.indirect_vreg.gather [hbm4b:s1+s3], $0x80, v3, vm0, $0xb8;
	[tilespmem:$0x10100] =	vst v63  }
0x10d: {  	v3 =	vld [tilespmem:$0x20];
	_ =	sdelay $0x4  }
0x10e: {  	v10 =	vshll.u32 v3, $0x1  }
0x10f: {  	v3 =	vand.u32 $0x7, v3;
	v4 =	vand.u32 $0xFFFFFFF0, v10  }
0x110: {  	v3 =	vor.u32 v3, v4  }
0x111: {  	v4 =	vperm.xlane v3, v0;
	_ =	sdelay $0x1  }
0x112: {  	v3 =	vperm.xlane v3, v2;
	v4 =	vadd.s32 v1, v4;
	_ =	sdelay $0x1  }
0x113: {  	v3 =	vadd.s32 v1, v3;
	_ =	sdelay $0x1  }
0x114: {  	s7 =	simm.s32 $0x2100  }
0x115: {  	[tilespmem:s7], [sflag:$0x3] =	stream.indirect_vreg.gather [hbm4b:s1+s3], $0x80, v4, vm0, $0xb8;
	[tilespmem:$0x10100] =	vst v63  }
0x116: {  	s22 =	simm.s32 $0x2900  }
0x117: {  	[tilespmem:s22], [sflag:$0x3] =	stream.indirect_vreg.gather [hbm4b:s1+s3], $0x80, v3, vm0, $0xb8;
	[tilespmem:$0x10100] =	vst v63  }
0x118: {  	v3 =	vld [tilespmem:$0x30];
	_ =	sdelay $0x4  }
0x119: {  	v11 =	vshll.u32 v3, $0x1  }
0x11a: {  	v3 =	vand.u32 $0x7, v3;
	v4 =	vand.u32 $0xFFFFFFF0, v11  }
0x11b: {  	v3 =	vor.u32 v3, v4  }
0x11c: {  	v4 =	vperm.xlane v3, v0;
	_ =	sdelay $0x1  }
0x11d: {  	v3 =	vperm.xlane v3, v2;
	v4 =	vadd.s32 v1, v4;
	_ =	sdelay $0x1  }
0x11e: {  	v3 =	vadd.s32 v1, v3;
	_ =	sdelay $0x1  }
0x11f: {  	s26 =	simm.s32 $0x3100  }
0x120: {  	[tilespmem:s26], [sflag:$0x3] =	stream.indirect_vreg.gather [hbm4b:s1+s3], $0x80, v4, vm0, $0xb8;
	[tilespmem:$0x10100] =	vst v63  }
0x121: {  	s29 =	simm.s32 $0x3900  }
0x122: {  	[tilespmem:s29], [sflag:$0x3] =	stream.indirect_vreg.gather [hbm4b:s1+s3], $0x80, v3, vm0, $0xb8;
	[tilespmem:$0x10100] =	vst v63  }
0x123: {  	v3 =	vld [tilespmem:$0x40];
	_ =	sdelay $0x4  }
0x124: {  	v12 =	vshll.u32 v3, $0x1  }
0x125: {  	v3 =	vand.u32 $0x7, v3;
	v4 =	vand.u32 $0xFFFFFFF0, v12  }
0x126: {  	v3 =	vor.u32 v3, v4  }
0x127: {  	v4 =	vperm.xlane v3, v0;
	_ =	sdelay $0x1  }
0x128: {  	v3 =	vperm.xlane v3, v2;
	v4 =	vadd.s32 v1, v4;
	_ =	sdelay $0x1  }
0x129: {  	v3 =	vadd.s32 v1, v3;
	_ =	sdelay $0x1  }
0x12a: {  	s30 =	simm.s32 $0x4100  }
0x12b: {  	[tilespmem:s30], [sflag:$0x3] =	stream.indirect_vreg.gather [hbm4b:s1+s3], $0x80, v4, vm0, $0xb8;
	[tilespmem:$0x10100] =	vst v63  }
0x12c: {  	s31 =	simm.s32 $0x4900  }
0x12d: {  	[tilespmem:s31], [sflag:$0x3] =	stream.indirect_vreg.gather [hbm4b:s1+s3], $0x80, v3, vm0, $0xb8;
	[tilespmem:$0x10100] =	vst v63  }
0x12e: {  	v3 =	vld [tilespmem:$0x50];
	_ =	sdelay $0x4  }
0x12f: {  	v13 =	vshll.u32 v3, $0x1  }
0x130: {  	v3 =	vand.u32 $0x7, v3;
	v4 =	vand.u32 $0xFFFFFFF0, v13  }
0x131: {  	v3 =	vor.u32 v3, v4  }
0x132: {  	v4 =	vperm.xlane v3, v0;
	_ =	sdelay $0x1  }
0x133: {  	v3 =	vperm.xlane v3, v2;
	v4 =	vadd.s32 v1, v4;
	_ =	sdelay $0x1  }
0x134: {  	v3 =	vadd.s32 v1, v3;
	_ =	sdelay $0x1  }
0x135: {  	s8 =	simm.s32 $0x5100  }
0x136: {  	[tilespmem:s8], [sflag:$0x3] =	stream.indirect_vreg.gather [hbm4b:s1+s3], $0x80, v4, vm0, $0xb8;
	[tilespmem:$0x10100] =	vst v63  }
0x137: {  	s14 =	simm.s32 $0x5900  }
0x138: {  	[tilespmem:s14], [sflag:$0x3] =	stream.indirect_vreg.gather [hbm4b:s1+s3], $0x80, v3, vm0, $0xb8;
	[tilespmem:$0x10100] =	vst v63  }
0x139: {  	v3 =	vld [tilespmem:$0x60];
	_ =	sdelay $0x4  }
0x13a: {  	v14 =	vshll.u32 v3, $0x1  }
0x13b: {  	v3 =	vand.u32 $0x7, v3;
	v4 =	vand.u32 $0xFFFFFFF0, v14  }
0x13c: {  	v3 =	vor.u32 v3, v4  }
0x13d: {  	v4 =	vperm.xlane v3, v0;
	_ =	sdelay $0x1  }
0x13e: {  	v3 =	vperm.xlane v3, v2;
	v4 =	vadd.s32 v1, v4;
	_ =	sdelay $0x1  }
0x13f: {  	v3 =	vadd.s32 v1, v3;
	_ =	sdelay $0x1  }
0x140: {  	s9 =	simm.s32 $0x6100  }
0x141: {  	[tilespmem:s9], [sflag:$0x3] =	stream.indirect_vreg.gather [hbm4b:s1+s3], $0x80, v4, vm0, $0xb8;
	[tilespmem:$0x10100] =	vst v63  }
0x142: {  	s19 =	simm.s32 $0x6900  }
0x143: {  	[tilespmem:s19], [sflag:$0x3] =	stream.indirect_vreg.gather [hbm4b:s1+s3], $0x80, v3, vm0, $0xb8;
	[tilespmem:$0x10100] =	vst v63  }
0x144: {  	v3 =	vld [tilespmem:$0x70];
	_ =	sdelay $0x4  }
0x145: {  	v15 =	vshll.u32 v3, $0x1  }
0x146: {  	v3 =	vand.u32 $0x7, v3;
	v4 =	vand.u32 $0xFFFFFFF0, v15  }
0x147: {  	v3 =	vor.u32 v3, v4  }
0x148: {  	v4 =	vperm.xlane v3, v0;
	_ =	sdelay $0x1  }
0x149: {  	v3 =	vperm.xlane v3, v2;
	v4 =	vadd.s32 v1, v4;
	_ =	sdelay $0x1  }
0x14a: {  	v3 =	vadd.s32 v1, v3;
	_ =	sdelay $0x1  }
0x14b: {  	s20 =	simm.s32 $0x7100  }
0x14c: {  	[tilespmem:s20], [sflag:$0x3] =	stream.indirect_vreg.gather [hbm4b:s1+s3], $0x80, v4, vm0, $0xb8;
	[tilespmem:$0x10100] =	vst v63  }
0x14d: {  	s10 =	simm.s32 $0x7900  }
0x14e: {  	[tilespmem:s10], [sflag:$0x3] =	stream.indirect_vreg.gather [hbm4b:s1+s3], $0x80, v3, vm0, $0xb8;
	[tilespmem:$0x10100] =	vst v63  }
0x14f: {  	s22 =	simm.s32 $0x80;
	s20 =	rddreg [dreg:$0x9]  }
0x150: {  	[tilespmem:s22], [sflag:$0x2] =	stream.linear.gather [hbm4b:s20+s3], $0x80, $0x38;
	[tilespmem:$0x10100] =	vst v63  }
0x151: {  	_ =	swait.ge [sflag:s23], $0x8000  }
0x152: {  	[sflag:s23] =	ssyncset.done $0x0  }
0x153: {  	s26 =	rddreg [dreg:$0xa];
	[sflag:s23] =	ssyncadd.s32 $0xFFFF8000  }
0x154: {  	[hbm4b:s26+s3] =	stream.linear.scatter [tilespmem:s6], [sflag:$0x5], $0x8000, $0x38;
	[tilespmem:$0x10100] =	vst v63  }
0x155: {  	_ =	swait.ge [sflag:s17], $0x8000  }
0x156: {  	[sflag:s17] =	ssyncset.done $0x0  }
0x157: {  	[sflag:s17] =	ssyncadd.s32 $0xFFFF8000  }
0x158: {  	_ =	swait.ge [sflag:s24], $0x80  }
0x159: {  	[sflag:s24] =	ssyncset.done $0x0  }
0x15a: {  	[sflag:s24] =	ssyncadd.s32 $0xFFFFFF80  }
0x15b: {  	v3 =	vld [tilespmem:$0x80];
	_ =	sdelay $0x4  }
0x15c: {  	v16 =	vshll.u32 v3, $0x1  }
0x15d: {  	v3 =	vand.u32 $0x7, v3;
	v4 =	vand.u32 $0xFFFFFFF0, v16  }
0x15e: {  	v3 =	vor.u32 v3, v4  }
0x15f: {  	v4 =	vperm.xlane v3, v0;
	_ =	sdelay $0x1  }
0x160: {  	v3 =	vperm.xlane v3, v2;
	v4 =	vadd.s32 v1, v4;
	_ =	sdelay $0x1  }
0x161: {  	v3 =	vadd.s32 v1, v3;
	_ =	sdelay $0x2  }
0x162: {  	[tilespmem:s25], [sflag:$0x4] =	stream.indirect_vreg.gather [hbm4b:s1+s3], $0x80, v4, vm0, $0xb8;
	[tilespmem:$0x10100] =	vst v63  }
0x163: {  	s10 =	simm.s32 $0x8900  }
0x164: {  	[tilespmem:s10], [sflag:$0x4] =	stream.indirect_vreg.gather [hbm4b:s1+s3], $0x80, v3, vm0, $0xb8;
	[tilespmem:$0x10100] =	vst v63  }
0x165: {  	v3 =	vld [tilespmem:$0x90];
	_ =	sdelay $0x4  }
0x166: {  	v17 =	vshll.u32 v3, $0x1  }
0x167: {  	v3 =	vand.u32 $0x7, v3;
	v4 =	vand.u32 $0xFFFFFFF0, v17  }
0x168: {  	v3 =	vor.u32 v3, v4  }
0x169: {  	v4 =	vperm.xlane v3, v0;
	_ =	sdelay $0x1  }
0x16a: {  	v3 =	vperm.xlane v3, v2;
	v4 =	vadd.s32 v1, v4;
	_ =	sdelay $0x1  }
0x16b: {  	v3 =	vadd.s32 v1, v3;
	_ =	sdelay $0x1  }
0x16c: {  	s9 =	simm.s32 $0x9100  }
0x16d: {  	[tilespmem:s9], [sflag:$0x4] =	stream.indirect_vreg.gather [hbm4b:s1+s3], $0x80, v4, vm0, $0xb8;
	[tilespmem:$0x10100] =	vst v63  }
0x16e: {  	s2 =	simm.s32 $0x9900  }
0x16f: {  	[tilespmem:s2], [sflag:$0x4] =	stream.indirect_vreg.gather [hbm4b:s1+s3], $0x80, v3, vm0, $0xb8;
	[tilespmem:$0x10100] =	vst v63  }
0x170: {  	v3 =	vld [tilespmem:$0xA0];
	_ =	sdelay $0x4  }
0x171: {  	v18 =	vshll.u32 v3, $0x1  }
0x172: {  	v3 =	vand.u32 $0x7, v3;
	v4 =	vand.u32 $0xFFFFFFF0, v18  }
0x173: {  	v3 =	vor.u32 v3, v4  }
0x174: {  	v4 =	vperm.xlane v3, v0;
	_ =	sdelay $0x1  }
0x175: {  	v3 =	vperm.xlane v3, v2;
	v4 =	vadd.s32 v1, v4;
	_ =	sdelay $0x1  }
0x176: {  	v3 =	vadd.s32 v1, v3;
	_ =	sdelay $0x1  }
0x177: {  	s0 =	simm.s32 $0xA100  }
0x178: {  	[tilespmem:s0], [sflag:$0x4] =	stream.indirect_vreg.gather [hbm4b:s1+s3], $0x80, v4, vm0, $0xb8;
	[tilespmem:$0x10100] =	vst v63  }
0x179: {  	s11 =	simm.s32 $0xA900  }
0x17a: {  	[tilespmem:s11], [sflag:$0x4] =	stream.indirect_vreg.gather [hbm4b:s1+s3], $0x80, v3, vm0, $0xb8;
	[tilespmem:$0x10100] =	vst v63  }
0x17b: {  	v3 =	vld [tilespmem:$0xB0];
	_ =	sdelay $0x4  }
0x17c: {  	v19 =	vshll.u32 v3, $0x1  }
0x17d: {  	v3 =	vand.u32 $0x7, v3;
	v4 =	vand.u32 $0xFFFFFFF0, v19  }
0x17e: {  	v3 =	vor.u32 v3, v4  }
0x17f: {  	v4 =	vperm.xlane v3, v0;
	_ =	sdelay $0x1  }
0x180: {  	v3 =	vperm.xlane v3, v2;
	v4 =	vadd.s32 v1, v4;
	_ =	sdelay $0x1  }
0x181: {  	v3 =	vadd.s32 v1, v3;
	_ =	sdelay $0x1  }
0x182: {  	s2 =	simm.s32 $0xB100  }
0x183: {  	[tilespmem:s2], [sflag:$0x4] =	stream.indirect_vreg.gather [hbm4b:s1+s3], $0x80, v4, vm0, $0xb8;
	[tilespmem:$0x10100] =	vst v63  }
0x184: {  	s13 =	simm.s32 $0xB900  }
0x185: {  	[tilespmem:s13], [sflag:$0x4] =	stream.indirect_vreg.gather [hbm4b:s1+s3], $0x80, v3, vm0, $0xb8;
	[tilespmem:$0x10100] =	vst v63  }
0x186: {  	v3 =	vld [tilespmem:$0xC0];
	_ =	sdelay $0x4  }
0x187: {  	v20 =	vshll.u32 v3, $0x1  }
0x188: {  	v3 =	vand.u32 $0x7, v3;
	v4 =	vand.u32 $0xFFFFFFF0, v20  }
0x189: {  	v3 =	vor.u32 v3, v4  }
0x18a: {  	v4 =	vperm.xlane v3, v0;
	_ =	sdelay $0x1  }
0x18b: {  	v3 =	vperm.xlane v3, v2;
	v4 =	vadd.s32 v1, v4;
	_ =	sdelay $0x1  }
0x18c: {  	v3 =	vadd.s32 v1, v3;
	_ =	sdelay $0x1  }
0x18d: {  	s4 =	simm.s32 $0xC100  }
0x18e: {  	[tilespmem:s4], [sflag:$0x4] =	stream.indirect_vreg.gather [hbm4b:s1+s3], $0x80, v4, vm0, $0xb8;
	[tilespmem:$0x10100] =	vst v63  }
0x18f: {  	s14 =	simm.s32 $0xC900  }
0x190: {  	[tilespmem:s14], [sflag:$0x4] =	stream.indirect_vreg.gather [hbm4b:s1+s3], $0x80, v3, vm0, $0xb8;
	[tilespmem:$0x10100] =	vst v63  }
0x191: {  	v3 =	vld [tilespmem:$0xD0];
	_ =	sdelay $0x4  }
0x192: {  	v21 =	vshll.u32 v3, $0x1  }
0x193: {  	v3 =	vand.u32 $0x7, v3;
	v4 =	vand.u32 $0xFFFFFFF0, v21  }
0x194: {  	v3 =	vor.u32 v3, v4  }
0x195: {  	v4 =	vperm.xlane v3, v0;
	_ =	sdelay $0x1  }
0x196: {  	v3 =	vperm.xlane v3, v2;
	v4 =	vadd.s32 v1, v4;
	_ =	sdelay $0x1  }
0x197: {  	v3 =	vadd.s32 v1, v3;
	_ =	sdelay $0x1  }
0x198: {  	s7 =	simm.s32 $0xD100  }
0x199: {  	[tilespmem:s7], [sflag:$0x4] =	stream.indirect_vreg.gather [hbm4b:s1+s3], $0x80, v4, vm0, $0xb8;
	[tilespmem:$0x10100] =	vst v63  }
0x19a: {  	s19 =	simm.s32 $0xD900  }
0x19b: {  	[tilespmem:s19], [sflag:$0x4] =	stream.indirect_vreg.gather [hbm4b:s1+s3], $0x80, v3, vm0, $0xb8;
	[tilespmem:$0x10100] =	vst v63  }
0x19c: {  	v3 =	vld [tilespmem:$0xE0];
	_ =	sdelay $0x4  }
0x19d: {  	v22 =	vshll.u32 v3, $0x1  }
0x19e: {  	v3 =	vand.u32 $0x7, v3;
	v4 =	vand.u32 $0xFFFFFFF0, v22  }
0x19f: {  	v3 =	vor.u32 v3, v4  }
0x1a0: {  	v4 =	vperm.xlane v3, v0;
	_ =	sdelay $0x1  }
0x1a1: {  	v3 =	vperm.xlane v3, v2;
	v4 =	vadd.s32 v1, v4;
	_ =	sdelay $0x1  }
0x1a2: {  	v3 =	vadd.s32 v1, v3;
	_ =	sdelay $0x1  }
0x1a3: {  	s8 =	simm.s32 $0xE100  }
0x1a4: {  	[tilespmem:s8], [sflag:$0x4] =	stream.indirect_vreg.gather [hbm4b:s1+s3], $0x80, v4, vm0, $0xb8;
	[tilespmem:$0x10100] =	vst v63  }
0x1a5: {  	s20 =	simm.s32 $0xE900  }
0x1a6: {  	[tilespmem:s20], [sflag:$0x4] =	stream.indirect_vreg.gather [hbm4b:s1+s3], $0x80, v3, vm0, $0xb8;
	[tilespmem:$0x10100] =	vst v63  }
0x1a7: {  	v3 =	vld [tilespmem:$0xF0];
	_ =	sdelay $0x4  }
0x1a8: {  	v23 =	vshll.u32 v3, $0x1  }
0x1a9: {  	v3 =	vand.u32 $0x7, v3;
	v4 =	vand.u32 $0xFFFFFFF0, v23  }
0x1aa: {  	v3 =	vor.u32 v3, v4  }
0x1ab: {  	v4 =	vperm.xlane v3, v0;
	_ =	sdelay $0x1  }
0x1ac: {  	v3 =	vperm.xlane v3, v2;
	v4 =	vadd.s32 v1, v4;
	_ =	sdelay $0x1  }
0x1ad: {  	v3 =	vadd.s32 v1, v3;
	_ =	sdelay $0x1  }
0x1ae: {  	s12 =	simm.s32 $0xF100  }
0x1af: {  	[tilespmem:s12], [sflag:$0x4] =	stream.indirect_vreg.gather [hbm4b:s1+s3], $0x80, v4, vm0, $0xb8;
	[tilespmem:$0x10100] =	vst v63  }
0x1b0: {  	s21 =	simm.s32 $0xF900  }
0x1b1: {  	[tilespmem:s21], [sflag:$0x4] =	stream.indirect_vreg.gather [hbm4b:s1+s3], $0x80, v3, vm0, $0xb8;
	[tilespmem:$0x10100] =	vst v63  }
0x1b2: {  	s18 =	rddreg [dreg:$0xb]  }
0x1b3: {  	[tilespmem:s3], [sflag:$0x1] =	stream.linear.gather [hbm4b:s18+s3], $0x80, $0x38;
	[tilespmem:$0x10100] =	vst v63  }
0x1b4: {  	_ =	swait.ge [sflag:s15], $0x8000  }
0x1b5: {  	[sflag:s15] =	ssyncset.done $0x0  }
0x1b6: {  	s18 =	rddreg [dreg:$0xc];
	[sflag:s15] =	ssyncadd.s32 $0xFFFF8000  }
0x1b7: {  	[hbm4b:s18+s3] =	stream.linear.scatter [tilespmem:s25], [sflag:$0x6], $0x8000, $0x38;
	[tilespmem:$0x10100] =	vst v63  }
0x1b8: {  	_ =	swait.ge [sflag:s16], $0x8000  }
0x1b9: {  	[sflag:s16] =	ssyncset.done $0x0  }
0x1ba: {  	[sflag:s16] =	ssyncadd.s32 $0xFFFF8000  }
0x1bb: {  	_ =	swait.ge [sflag:s5], $0x80  }
0x1bc: {  	[sflag:s5] =	ssyncset.done $0x0  }
0x1bd: {  	[sflag:s5] =	ssyncadd.s32 $0xFFFFFF80  }
0x1be: {  	v3 =	vld [tilespmem:$0x0];
	_ =	sdelay $0x4  }
0x1bf: {  	v24 =	vshll.u32 v3, $0x1  }
0x1c0: {  	v3 =	vand.u32 $0x7, v3;
	v4 =	vand.u32 $0xFFFFFFF0, v24  }
0x1c1: {  	v3 =	vor.u32 v3, v4  }
0x1c2: {  	v4 =	vperm.xlane v3, v0;
	_ =	sdelay $0x1  }
0x1c3: {  	v3 =	vperm.xlane v3, v2;
	v4 =	vadd.s32 v1, v4;
	_ =	sdelay $0x1  }
0x1c4: {  	v3 =	vadd.s32 v1, v3;
	_ =	sdelay $0x2  }
0x1c5: {  	[tilespmem:s6], [sflag:$0x3] =	stream.indirect_vreg.gather [hbm4b:s1+s3], $0x80, v4, vm0, $0xb8;
	[tilespmem:$0x10100] =	vst v63  }
0x1c6: {  	s18 =	simm.s32 $0x900  }
0x1c7: {  	[tilespmem:s18], [sflag:$0x3] =	stream.indirect_vreg.gather [hbm4b:s1+s3], $0x80, v3, vm0, $0xb8;
	[tilespmem:$0x10100] =	vst v63  }
0x1c8: {  	v3 =	vld [tilespmem:$0x10];
	_ =	sdelay $0x4  }
0x1c9: {  	v25 =	vshll.u32 v3, $0x1  }
0x1ca: {  	v3 =	vand.u32 $0x7, v3;
	v4 =	vand.u32 $0xFFFFFFF0, v25  }
0x1cb: {  	v3 =	vor.u32 v3, v4  }
0x1cc: {  	v4 =	vperm.xlane v3, v0;
	_ =	sdelay $0x1  }
0x1cd: {  	v3 =	vperm.xlane v3, v2;
	v4 =	vadd.s32 v1, v4;
	_ =	sdelay $0x1  }
0x1ce: {  	v3 =	vadd.s32 v1, v3;
	_ =	sdelay $0x1  }
0x1cf: {  	s28 =	simm.s32 $0x1100  }
0x1d0: {  	[tilespmem:s28], [sflag:$0x3] =	stream.indirect_vreg.gather [hbm4b:s1+s3], $0x80, v4, vm0, $0xb8;
	[tilespmem:$0x10100] =	vst v63  }
0x1d1: {  	s18 =	simm.s32 $0x1900  }
0x1d2: {  	[tilespmem:s18], [sflag:$0x3] =	stream.indirect_vreg.gather [hbm4b:s1+s3], $0x80, v3, vm0, $0xb8;
	[tilespmem:$0x10100] =	vst v63  }
0x1d3: {  	v3 =	vld [tilespmem:$0x20];
	_ =	sdelay $0x4  }
0x1d4: {  	v26 =	vshll.u32 v3, $0x1  }
0x1d5: {  	v3 =	vand.u32 $0x7, v3;
	v4 =	vand.u32 $0xFFFFFFF0, v26  }
0x1d6: {  	v3 =	vor.u32 v3, v4  }
0x1d7: {  	v4 =	vperm.xlane v3, v0;
	_ =	sdelay $0x1  }
0x1d8: {  	v3 =	vperm.xlane v3, v2;
	v4 =	vadd.s32 v1, v4;
	_ =	sdelay $0x1  }
0x1d9: {  	v3 =	vadd.s32 v1, v3;
	_ =	sdelay $0x1  }
0x1da: {  	s18 =	simm.s32 $0x2100  }
0x1db: {  	[tilespmem:s18], [sflag:$0x3] =	stream.indirect_vreg.gather [hbm4b:s1+s3], $0x80, v4, vm0, $0xb8;
	[tilespmem:$0x10100] =	vst v63  }
0x1dc: {  	s18 =	simm.s32 $0x2900  }
0x1dd: {  	[tilespmem:s18], [sflag:$0x3] =	stream.indirect_vreg.gather [hbm4b:s1+s3], $0x80, v3, vm0, $0xb8;
	[tilespmem:$0x10100] =	vst v63  }
0x1de: {  	v3 =	vld [tilespmem:$0x30];
	_ =	sdelay $0x4  }
0x1df: {  	v27 =	vshll.u32 v3, $0x1  }
0x1e0: {  	v3 =	vand.u32 $0x7, v3;
	v4 =	vand.u32 $0xFFFFFFF0, v27  }
0x1e1: {  	v3 =	vor.u32 v3, v4  }
0x1e2: {  	v4 =	vperm.xlane v3, v0;
	_ =	sdelay $0x1  }
0x1e3: {  	v3 =	vperm.xlane v3, v2;
	v4 =	vadd.s32 v1, v4;
	_ =	sdelay $0x1  }
0x1e4: {  	v3 =	vadd.s32 v1, v3;
	_ =	sdelay $0x1  }
0x1e5: {  	s18 =	simm.s32 $0x3100  }
0x1e6: {  	[tilespmem:s18], [sflag:$0x3] =	stream.indirect_vreg.gather [hbm4b:s1+s3], $0x80, v4, vm0, $0xb8;
	[tilespmem:$0x10100] =	vst v63  }
0x1e7: {  	_ = 	snop  }
0x1e8: {  	[tilespmem:s29], [sflag:$0x3] =	stream.indirect_vreg.gather [hbm4b:s1+s3], $0x80, v3, vm0, $0xb8;
	[tilespmem:$0x10100] =	vst v63  }
0x1e9: {  	v3 =	vld [tilespmem:$0x40];
	_ =	sdelay $0x4  }
0x1ea: {  	v28 =	vshll.u32 v3, $0x1  }
0x1eb: {  	v3 =	vand.u32 $0x7, v3;
	v4 =	vand.u32 $0xFFFFFFF0, v28  }
0x1ec: {  	v3 =	vor.u32 v3, v4  }
0x1ed: {  	v4 =	vperm.xlane v3, v0;
	_ =	sdelay $0x1  }
0x1ee: {  	v3 =	vperm.xlane v3, v2;
	v4 =	vadd.s32 v1, v4;
	_ =	sdelay $0x1  }
0x1ef: {  	v3 =	vadd.s32 v1, v3;
	_ =	sdelay $0x2  }
0x1f0: {  	[tilespmem:s30], [sflag:$0x3] =	stream.indirect_vreg.gather [hbm4b:s1+s3], $0x80, v4, vm0, $0xb8;
	[tilespmem:$0x10100] =	vst v63  }
0x1f1: {  	_ = 	snop  }
0x1f2: {  	[tilespmem:s31], [sflag:$0x3] =	stream.indirect_vreg.gather [hbm4b:s1+s3], $0x80, v3, vm0, $0xb8;
	[tilespmem:$0x10100] =	vst v63  }
0x1f3: {  	v3 =	vld [tilespmem:$0x50];
	_ =	sdelay $0x4  }
0x1f4: {  	v29 =	vshll.u32 v3, $0x1  }
0x1f5: {  	v3 =	vand.u32 $0x7, v3;
	v4 =	vand.u32 $0xFFFFFFF0, v29  }
0x1f6: {  	v3 =	vor.u32 v3, v4  }
0x1f7: {  	v4 =	vperm.xlane v3, v0;
	_ =	sdelay $0x1  }
0x1f8: {  	v3 =	vperm.xlane v3, v2;
	v4 =	vadd.s32 v1, v4;
	_ =	sdelay $0x1  }
0x1f9: {  	v3 =	vadd.s32 v1, v3;
	_ =	sdelay $0x1  }
0x1fa: {  	s29 =	simm.s32 $0x5100  }
0x1fb: {  	[tilespmem:s29], [sflag:$0x3] =	stream.indirect_vreg.gather [hbm4b:s1+s3], $0x80, v4, vm0, $0xb8;
	[tilespmem:$0x10100] =	vst v63  }
0x1fc: {  	s29 =	simm.s32 $0x5900  }
0x1fd: {  	[tilespmem:s29], [sflag:$0x3] =	stream.indirect_vreg.gather [hbm4b:s1+s3], $0x80, v3, vm0, $0xb8;
	[tilespmem:$0x10100] =	vst v63  }
0x1fe: {  	v3 =	vld [tilespmem:$0x60];
	_ =	sdelay $0x4  }
0x1ff: {  	v30 =	vshll.u32 v3, $0x1  }
0x200: {  	v3 =	vand.u32 $0x7, v3;
	v4 =	vand.u32 $0xFFFFFFF0, v30  }
0x201: {  	v3 =	vor.u32 v3, v4  }
0x202: {  	v4 =	vperm.xlane v3, v0;
	_ =	sdelay $0x1  }
0x203: {  	v3 =	vperm.xlane v3, v2;
	v4 =	vadd.s32 v1, v4;
	_ =	sdelay $0x1  }
0x204: {  	v3 =	vadd.s32 v1, v3;
	_ =	sdelay $0x1  }
0x205: {  	s29 =	simm.s32 $0x6100  }
0x206: {  	[tilespmem:s29], [sflag:$0x3] =	stream.indirect_vreg.gather [hbm4b:s1+s3], $0x80, v4, vm0, $0xb8;
	[tilespmem:$0x10100] =	vst v63  }
0x207: {  	s29 =	simm.s32 $0x6900  }
0x208: {  	[tilespmem:s29], [sflag:$0x3] =	stream.indirect_vreg.gather [hbm4b:s1+s3], $0x80, v3, vm0, $0xb8;
	[tilespmem:$0x10100] =	vst v63  }
0x209: {  	v3 =	vld [tilespmem:$0x70];
	_ =	sdelay $0x4  }
0x20a: {  	v31 =	vshll.u32 v3, $0x1  }
0x20b: {  	v3 =	vand.u32 $0x7, v3;
	v4 =	vand.u32 $0xFFFFFFF0, v31  }
0x20c: {  	v3 =	vor.u32 v3, v4  }
0x20d: {  	v4 =	vperm.xlane v3, v0;
	_ =	sdelay $0x1  }
0x20e: {  	v3 =	vperm.xlane v3, v2;
	v4 =	vadd.s32 v1, v4;
	_ =	sdelay $0x1  }
0x20f: {  	v3 =	vadd.s32 v1, v3;
	_ =	sdelay $0x1  }
0x210: {  	s29 =	simm.s32 $0x7100  }
0x211: {  	[tilespmem:s29], [sflag:$0x3] =	stream.indirect_vreg.gather [hbm4b:s1+s3], $0x80, v4, vm0, $0xb8;
	[tilespmem:$0x10100] =	vst v63  }
0x212: {  	s29 =	simm.s32 $0x7900  }
0x213: {  	[tilespmem:s29], [sflag:$0x3] =	stream.indirect_vreg.gather [hbm4b:s1+s3], $0x80, v3, vm0, $0xb8;
	[tilespmem:$0x10100] =	vst v63  }
0x214: {  	s18 =	rddreg [dreg:$0xd]  }
0x215: {  	[tilespmem:s22], [sflag:$0x2] =	stream.linear.gather [hbm4b:s18+s3], $0x80, $0x38;
	[tilespmem:$0x10100] =	vst v63  }
0x216: {  	_ =	swait.ge [sflag:s23], $0x8000  }
0x217: {  	[sflag:s23] =	ssyncset.done $0x0  }
0x218: {  	s29 =	rddreg [dreg:$0xe];
	[sflag:s23] =	ssyncadd.s32 $0xFFFF8000  }
0x219: {  	[hbm4b:s29+s3] =	stream.linear.scatter [tilespmem:s6], [sflag:$0x5], $0x8000, $0x38;
	[tilespmem:$0x10100] =	vst v63  }
0x21a: {  	_ =	swait.ge [sflag:s17], $0x8000  }
0x21b: {  	[sflag:s17] =	ssyncset.done $0x0  }
0x21c: {  	[sflag:s17] =	ssyncadd.s32 $0xFFFF8000  }
0x21d: {  	_ =	swait.ge [sflag:s24], $0x80  }
0x21e: {  	[sflag:s24] =	ssyncset.done $0x0  }
0x21f: {  	[sflag:s24] =	ssyncadd.s32 $0xFFFFFF80  }
0x220: {  	v3 =	vld [tilespmem:$0x80];
	_ =	sdelay $0x4  }
0x221: {  	v32 =	vshll.u32 v3, $0x1  }
0x222: {  	v3 =	vand.u32 $0x7, v3;
	v4 =	vand.u32 $0xFFFFFFF0, v32  }
0x223: {  	v3 =	vor.u32 v3, v4  }
0x224: {  	v4 =	vperm.xlane v3, v0;
	_ =	sdelay $0x1  }
0x225: {  	v3 =	vperm.xlane v3, v2;
	v4 =	vadd.s32 v1, v4;
	_ =	sdelay $0x1  }
0x226: {  	v3 =	vadd.s32 v1, v3;
	_ =	sdelay $0x2  }
0x227: {  	[tilespmem:s25], [sflag:$0x4] =	stream.indirect_vreg.gather [hbm4b:s1+s3], $0x80, v4, vm0, $0xb8;
	[tilespmem:$0x10100] =	vst v63  }
0x228: {  	_ = 	snop  }
0x229: {  	[tilespmem:s10], [sflag:$0x4] =	stream.indirect_vreg.gather [hbm4b:s1+s3], $0x80, v3, vm0, $0xb8;
	[tilespmem:$0x10100] =	vst v63  }
0x22a: {  	v3 =	vld [tilespmem:$0x90];
	_ =	sdelay $0x4  }
0x22b: {  	v33 =	vshll.u32 v3, $0x1  }
0x22c: {  	v3 =	vand.u32 $0x7, v3;
	v4 =	vand.u32 $0xFFFFFFF0, v33  }
0x22d: {  	v3 =	vor.u32 v3, v4  }
0x22e: {  	v4 =	vperm.xlane v3, v0;
	_ =	sdelay $0x1  }
0x22f: {  	v3 =	vperm.xlane v3, v2;
	v4 =	vadd.s32 v1, v4;
	_ =	sdelay $0x1  }
0x230: {  	v3 =	vadd.s32 v1, v3;
	_ =	sdelay $0x2  }
0x231: {  	[tilespmem:s9], [sflag:$0x4] =	stream.indirect_vreg.gather [hbm4b:s1+s3], $0x80, v4, vm0, $0xb8;
	[tilespmem:$0x10100] =	vst v63  }
0x232: {  	s26 =	simm.s32 $0x9900  }
0x233: {  	[tilespmem:s26], [sflag:$0x4] =	stream.indirect_vreg.gather [hbm4b:s1+s3], $0x80, v3, vm0, $0xb8;
	[tilespmem:$0x10100] =	vst v63  }
0x234: {  	v3 =	vld [tilespmem:$0xA0];
	_ =	sdelay $0x4  }
0x235: {  	v34 =	vshll.u32 v3, $0x1  }
0x236: {  	v3 =	vand.u32 $0x7, v3;
	v4 =	vand.u32 $0xFFFFFFF0, v34  }
0x237: {  	v3 =	vor.u32 v3, v4  }
0x238: {  	v4 =	vperm.xlane v3, v0;
	_ =	sdelay $0x1  }
0x239: {  	v3 =	vperm.xlane v3, v2;
	v4 =	vadd.s32 v1, v4;
	_ =	sdelay $0x1  }
0x23a: {  	v3 =	vadd.s32 v1, v3;
	_ =	sdelay $0x2  }
0x23b: {  	[tilespmem:s0], [sflag:$0x4] =	stream.indirect_vreg.gather [hbm4b:s1+s3], $0x80, v4, vm0, $0xb8;
	[tilespmem:$0x10100] =	vst v63  }
0x23c: {  	_ = 	snop  }
0x23d: {  	[tilespmem:s11], [sflag:$0x4] =	stream.indirect_vreg.gather [hbm4b:s1+s3], $0x80, v3, vm0, $0xb8;
	[tilespmem:$0x10100] =	vst v63  }
0x23e: {  	v3 =	vld [tilespmem:$0xB0];
	_ =	sdelay $0x4  }
0x23f: {  	v35 =	vshll.u32 v3, $0x1  }
0x240: {  	v3 =	vand.u32 $0x7, v3;
	v4 =	vand.u32 $0xFFFFFFF0, v35  }
0x241: {  	v3 =	vor.u32 v3, v4  }
0x242: {  	v4 =	vperm.xlane v3, v0;
	_ =	sdelay $0x1  }
0x243: {  	v3 =	vperm.xlane v3, v2;
	v4 =	vadd.s32 v1, v4;
	_ =	sdelay $0x1  }
0x244: {  	v3 =	vadd.s32 v1, v3;
	_ =	sdelay $0x2  }
0x245: {  	[tilespmem:s2], [sflag:$0x4] =	stream.indirect_vreg.gather [hbm4b:s1+s3], $0x80, v4, vm0, $0xb8;
	[tilespmem:$0x10100] =	vst v63  }
0x246: {  	_ = 	snop  }
0x247: {  	[tilespmem:s13], [sflag:$0x4] =	stream.indirect_vreg.gather [hbm4b:s1+s3], $0x80, v3, vm0, $0xb8;
	[tilespmem:$0x10100] =	vst v63  }
0x248: {  	v3 =	vld [tilespmem:$0xC0];
	_ =	sdelay $0x4  }
0x249: {  	v36 =	vshll.u32 v3, $0x1  }
0x24a: {  	v3 =	vand.u32 $0x7, v3;
	v4 =	vand.u32 $0xFFFFFFF0, v36  }
0x24b: {  	v3 =	vor.u32 v3, v4  }
0x24c: {  	v4 =	vperm.xlane v3, v0;
	_ =	sdelay $0x1  }
0x24d: {  	v3 =	vperm.xlane v3, v2;
	v4 =	vadd.s32 v1, v4;
	_ =	sdelay $0x1  }
0x24e: {  	v3 =	vadd.s32 v1, v3;
	_ =	sdelay $0x2  }
0x24f: {  	[tilespmem:s4], [sflag:$0x4] =	stream.indirect_vreg.gather [hbm4b:s1+s3], $0x80, v4, vm0, $0xb8;
	[tilespmem:$0x10100] =	vst v63  }
0x250: {  	_ = 	snop  }
0x251: {  	[tilespmem:s14], [sflag:$0x4] =	stream.indirect_vreg.gather [hbm4b:s1+s3], $0x80, v3, vm0, $0xb8;
	[tilespmem:$0x10100] =	vst v63  }
0x252: {  	v3 =	vld [tilespmem:$0xD0];
	_ =	sdelay $0x4  }
0x253: {  	v37 =	vshll.u32 v3, $0x1  }
0x254: {  	v3 =	vand.u32 $0x7, v3;
	v4 =	vand.u32 $0xFFFFFFF0, v37  }
0x255: {  	v3 =	vor.u32 v3, v4  }
0x256: {  	v4 =	vperm.xlane v3, v0;
	_ =	sdelay $0x1  }
0x257: {  	v3 =	vperm.xlane v3, v2;
	v4 =	vadd.s32 v1, v4;
	_ =	sdelay $0x1  }
0x258: {  	v3 =	vadd.s32 v1, v3;
	_ =	sdelay $0x2  }
0x259: {  	[tilespmem:s7], [sflag:$0x4] =	stream.indirect_vreg.gather [hbm4b:s1+s3], $0x80, v4, vm0, $0xb8;
	[tilespmem:$0x10100] =	vst v63  }
0x25a: {  	_ = 	snop  }
0x25b: {  	[tilespmem:s19], [sflag:$0x4] =	stream.indirect_vreg.gather [hbm4b:s1+s3], $0x80, v3, vm0, $0xb8;
	[tilespmem:$0x10100] =	vst v63  }
0x25c: {  	v3 =	vld [tilespmem:$0xE0];
	_ =	sdelay $0x4  }
0x25d: {  	v38 =	vshll.u32 v3, $0x1  }
0x25e: {  	v3 =	vand.u32 $0x7, v3;
	v4 =	vand.u32 $0xFFFFFFF0, v38  }
0x25f: {  	v3 =	vor.u32 v3, v4  }
0x260: {  	v4 =	vperm.xlane v3, v0;
	_ =	sdelay $0x1  }
0x261: {  	v3 =	vperm.xlane v3, v2;
	v4 =	vadd.s32 v1, v4;
	_ =	sdelay $0x1  }
0x262: {  	v3 =	vadd.s32 v1, v3;
	_ =	sdelay $0x2  }
0x263: {  	[tilespmem:s8], [sflag:$0x4] =	stream.indirect_vreg.gather [hbm4b:s1+s3], $0x80, v4, vm0, $0xb8;
	[tilespmem:$0x10100] =	vst v63  }
0x264: {  	_ = 	snop  }
0x265: {  	[tilespmem:s20], [sflag:$0x4] =	stream.indirect_vreg.gather [hbm4b:s1+s3], $0x80, v3, vm0, $0xb8;
	[tilespmem:$0x10100] =	vst v63  }
0x266: {  	v3 =	vld [tilespmem:$0xF0];
	_ =	sdelay $0x4  }
0x267: {  	v39 =	vshll.u32 v3, $0x1  }
0x268: {  	v3 =	vand.u32 $0x7, v3;
	v4 =	vand.u32 $0xFFFFFFF0, v39  }
0x269: {  	v3 =	vor.u32 v3, v4  }
0x26a: {  	v4 =	vperm.xlane v3, v0;
	_ =	sdelay $0x1  }
0x26b: {  	v3 =	vperm.xlane v3, v2;
	v4 =	vadd.s32 v1, v4;
	_ =	sdelay $0x1  }
0x26c: {  	v3 =	vadd.s32 v1, v3;
	_ =	sdelay $0x1  }
0x26d: {  	s12 =	simm.s32 $0xF100  }
0x26e: {  	[tilespmem:s12], [sflag:$0x4] =	stream.indirect_vreg.gather [hbm4b:s1+s3], $0x80, v4, vm0, $0xb8;
	[tilespmem:$0x10100] =	vst v63  }
0x26f: {  	s21 =	simm.s32 $0xF900  }
0x270: {  	[tilespmem:s21], [sflag:$0x4] =	stream.indirect_vreg.gather [hbm4b:s1+s3], $0x80, v3, vm0, $0xb8;
	[tilespmem:$0x10100] =	vst v63  }
0x271: {  	s18 =	rddreg [dreg:$0xf]  }
0x272: {  	[tilespmem:s3], [sflag:$0x1] =	stream.linear.gather [hbm4b:s18+s3], $0x80, $0x38;
	[tilespmem:$0x10100] =	vst v63  }
0x273: {  	_ =	swait.ge [sflag:s15], $0x8000  }
0x274: {  	[sflag:s15] =	ssyncset.done $0x0  }
0x275: {  	s21 =	rddreg [dreg:$0x10];
	[sflag:s15] =	ssyncadd.s32 $0xFFFF8000  }
0x276: {  	[hbm4b:s21+s3] =	stream.linear.scatter [tilespmem:s25], [sflag:$0x6], $0x8000, $0x38;
	[tilespmem:$0x10100] =	vst v63  }
0x277: {  	_ =	swait.ge [sflag:s16], $0x8000  }
0x278: {  	[sflag:s16] =	ssyncset.done $0x0  }
0x279: {  	[sflag:s16] =	ssyncadd.s32 $0xFFFF8000  }
0x27a: {  	_ =	swait.ge [sflag:s5], $0x80  }
0x27b: {  	[sflag:s5] =	ssyncset.done $0x0  }
0x27c: {  	[sflag:s5] =	ssyncadd.s32 $0xFFFFFF80  }
0x27d: {  	v3 =	vld [tilespmem:$0x0];
	_ =	sdelay $0x4  }
0x27e: {  	v40 =	vshll.u32 v3, $0x1  }
0x27f: {  	v3 =	vand.u32 $0x7, v3;
	v4 =	vand.u32 $0xFFFFFFF0, v40  }
0x280: {  	v3 =	vor.u32 v3, v4  }
0x281: {  	v4 =	vperm.xlane v3, v0;
	_ =	sdelay $0x1  }
0x282: {  	v3 =	vperm.xlane v3, v2;
	v4 =	vadd.s32 v1, v4;
	_ =	sdelay $0x1  }
0x283: {  	v3 =	vadd.s32 v1, v3;
	_ =	sdelay $0x2  }
0x284: {  	[tilespmem:s6], [sflag:$0x3] =	stream.indirect_vreg.gather [hbm4b:s1+s3], $0x80, v4, vm0, $0xb8;
	[tilespmem:$0x10100] =	vst v63  }
0x285: {  	s21 =	simm.s32 $0x900  }
0x286: {  	[tilespmem:s21], [sflag:$0x3] =	stream.indirect_vreg.gather [hbm4b:s1+s3], $0x80, v3, vm0, $0xb8;
	[tilespmem:$0x10100] =	vst v63  }
0x287: {  	v3 =	vld [tilespmem:$0x10];
	_ =	sdelay $0x4  }
0x288: {  	v41 =	vshll.u32 v3, $0x1  }
0x289: {  	v3 =	vand.u32 $0x7, v3;
	v4 =	vand.u32 $0xFFFFFFF0, v41  }
0x28a: {  	v3 =	vor.u32 v3, v4  }
0x28b: {  	v4 =	vperm.xlane v3, v0;
	_ =	sdelay $0x1  }
0x28c: {  	v3 =	vperm.xlane v3, v2;
	v4 =	vadd.s32 v1, v4;
	_ =	sdelay $0x1  }
0x28d: {  	v3 =	vadd.s32 v1, v3;
	_ =	sdelay $0x1  }
0x28e: {  	s28 =	simm.s32 $0x1100  }
0x28f: {  	[tilespmem:s28], [sflag:$0x3] =	stream.indirect_vreg.gather [hbm4b:s1+s3], $0x80, v4, vm0, $0xb8;
	[tilespmem:$0x10100] =	vst v63  }
0x290: {  	s28 =	simm.s32 $0x1900  }
0x291: {  	[tilespmem:s28], [sflag:$0x3] =	stream.indirect_vreg.gather [hbm4b:s1+s3], $0x80, v3, vm0, $0xb8;
	[tilespmem:$0x10100] =	vst v63  }
0x292: {  	v3 =	vld [tilespmem:$0x20];
	_ =	sdelay $0x4  }
0x293: {  	v42 =	vshll.u32 v3, $0x1  }
0x294: {  	v3 =	vand.u32 $0x7, v3;
	v4 =	vand.u32 $0xFFFFFFF0, v42  }
0x295: {  	v3 =	vor.u32 v3, v4  }
0x296: {  	v4 =	vperm.xlane v3, v0;
	_ =	sdelay $0x1  }
0x297: {  	v3 =	vperm.xlane v3, v2;
	v4 =	vadd.s32 v1, v4;
	_ =	sdelay $0x1  }
0x298: {  	v3 =	vadd.s32 v1, v3;
	_ =	sdelay $0x1  }
0x299: {  	s28 =	simm.s32 $0x2100  }
0x29a: {  	[tilespmem:s28], [sflag:$0x3] =	stream.indirect_vreg.gather [hbm4b:s1+s3], $0x80, v4, vm0, $0xb8;
	[tilespmem:$0x10100] =	vst v63  }
0x29b: {  	s28 =	simm.s32 $0x2900  }
0x29c: {  	[tilespmem:s28], [sflag:$0x3] =	stream.indirect_vreg.gather [hbm4b:s1+s3], $0x80, v3, vm0, $0xb8;
	[tilespmem:$0x10100] =	vst v63  }
0x29d: {  	v3 =	vld [tilespmem:$0x30];
	_ =	sdelay $0x4  }
0x29e: {  	v43 =	vshll.u32 v3, $0x1  }
0x29f: {  	v3 =	vand.u32 $0x7, v3;
	v4 =	vand.u32 $0xFFFFFFF0, v43  }
0x2a0: {  	v3 =	vor.u32 v3, v4  }
0x2a1: {  	v4 =	vperm.xlane v3, v0;
	_ =	sdelay $0x1  }
0x2a2: {  	v3 =	vperm.xlane v3, v2;
	v4 =	vadd.s32 v1, v4;
	_ =	sdelay $0x1  }
0x2a3: {  	v3 =	vadd.s32 v1, v3;
	_ =	sdelay $0x1  }
0x2a4: {  	s28 =	simm.s32 $0x3100  }
0x2a5: {  	[tilespmem:s28], [sflag:$0x3] =	stream.indirect_vreg.gather [hbm4b:s1+s3], $0x80, v4, vm0, $0xb8;
	[tilespmem:$0x10100] =	vst v63  }
0x2a6: {  	s28 =	simm.s32 $0x3900  }
0x2a7: {  	[tilespmem:s28], [sflag:$0x3] =	stream.indirect_vreg.gather [hbm4b:s1+s3], $0x80, v3, vm0, $0xb8;
	[tilespmem:$0x10100] =	vst v63  }
0x2a8: {  	v3 =	vld [tilespmem:$0x40];
	_ =	sdelay $0x4  }
0x2a9: {  	v44 =	vshll.u32 v3, $0x1  }
0x2aa: {  	v3 =	vand.u32 $0x7, v3;
	v4 =	vand.u32 $0xFFFFFFF0, v44  }
0x2ab: {  	v3 =	vor.u32 v3, v4  }
0x2ac: {  	v4 =	vperm.xlane v3, v0;
	_ =	sdelay $0x1  }
0x2ad: {  	v3 =	vperm.xlane v3, v2;
	v4 =	vadd.s32 v1, v4;
	_ =	sdelay $0x1  }
0x2ae: {  	v3 =	vadd.s32 v1, v3;
	_ =	sdelay $0x1  }
0x2af: {  	s30 =	simm.s32 $0x4100  }
0x2b0: {  	[tilespmem:s30], [sflag:$0x3] =	stream.indirect_vreg.gather [hbm4b:s1+s3], $0x80, v4, vm0, $0xb8;
	[tilespmem:$0x10100] =	vst v63  }
0x2b1: {  	s31 =	simm.s32 $0x4900  }
0x2b2: {  	[tilespmem:s31], [sflag:$0x3] =	stream.indirect_vreg.gather [hbm4b:s1+s3], $0x80, v3, vm0, $0xb8;
	[tilespmem:$0x10100] =	vst v63  }
0x2b3: {  	v3 =	vld [tilespmem:$0x50];
	_ =	sdelay $0x4  }
0x2b4: {  	v45 =	vshll.u32 v3, $0x1  }
0x2b5: {  	v3 =	vand.u32 $0x7, v3;
	v4 =	vand.u32 $0xFFFFFFF0, v45  }
0x2b6: {  	v3 =	vor.u32 v3, v4  }
0x2b7: {  	v4 =	vperm.xlane v3, v0;
	_ =	sdelay $0x1  }
0x2b8: {  	v3 =	vperm.xlane v3, v2;
	v4 =	vadd.s32 v1, v4;
	_ =	sdelay $0x1  }
0x2b9: {  	v3 =	vadd.s32 v1, v3;
	_ =	sdelay $0x1  }
0x2ba: {  	s28 =	simm.s32 $0x5100  }
0x2bb: {  	[tilespmem:s28], [sflag:$0x3] =	stream.indirect_vreg.gather [hbm4b:s1+s3], $0x80, v4, vm0, $0xb8;
	[tilespmem:$0x10100] =	vst v63  }
0x2bc: {  	s28 =	simm.s32 $0x5900  }
0x2bd: {  	[tilespmem:s28], [sflag:$0x3] =	stream.indirect_vreg.gather [hbm4b:s1+s3], $0x80, v3, vm0, $0xb8;
	[tilespmem:$0x10100] =	vst v63  }
0x2be: {  	v3 =	vld [tilespmem:$0x60];
	_ =	sdelay $0x4  }
0x2bf: {  	v46 =	vshll.u32 v3, $0x1  }
0x2c0: {  	v3 =	vand.u32 $0x7, v3;
	v4 =	vand.u32 $0xFFFFFFF0, v46  }
0x2c1: {  	v3 =	vor.u32 v3, v4  }
0x2c2: {  	v4 =	vperm.xlane v3, v0;
	_ =	sdelay $0x1  }
0x2c3: {  	v3 =	vperm.xlane v3, v2;
	v4 =	vadd.s32 v1, v4;
	_ =	sdelay $0x1  }
0x2c4: {  	v3 =	vadd.s32 v1, v3;
	_ =	sdelay $0x1  }
0x2c5: {  	s28 =	simm.s32 $0x6100  }
0x2c6: {  	[tilespmem:s28], [sflag:$0x3] =	stream.indirect_vreg.gather [hbm4b:s1+s3], $0x80, v4, vm0, $0xb8;
	[tilespmem:$0x10100] =	vst v63  }
0x2c7: {  	s28 =	simm.s32 $0x6900  }
0x2c8: {  	[tilespmem:s28], [sflag:$0x3] =	stream.indirect_vreg.gather [hbm4b:s1+s3], $0x80, v3, vm0, $0xb8;
	[tilespmem:$0x10100] =	vst v63  }
0x2c9: {  	v3 =	vld [tilespmem:$0x70];
	_ =	sdelay $0x4  }
0x2ca: {  	v47 =	vshll.u32 v3, $0x1  }
0x2cb: {  	v3 =	vand.u32 $0x7, v3;
	v4 =	vand.u32 $0xFFFFFFF0, v47  }
0x2cc: {  	v3 =	vor.u32 v3, v4  }
0x2cd: {  	v4 =	vperm.xlane v3, v0;
	_ =	sdelay $0x1  }
0x2ce: {  	v3 =	vperm.xlane v3, v2;
	v4 =	vadd.s32 v1, v4;
	_ =	sdelay $0x1  }
0x2cf: {  	v3 =	vadd.s32 v1, v3;
	_ =	sdelay $0x1  }
0x2d0: {  	s28 =	simm.s32 $0x7100  }
0x2d1: {  	[tilespmem:s28], [sflag:$0x3] =	stream.indirect_vreg.gather [hbm4b:s1+s3], $0x80, v4, vm0, $0xb8;
	[tilespmem:$0x10100] =	vst v63  }
0x2d2: {  	s28 =	simm.s32 $0x7900  }
0x2d3: {  	[tilespmem:s28], [sflag:$0x3] =	stream.indirect_vreg.gather [hbm4b:s1+s3], $0x80, v3, vm0, $0xb8;
	[tilespmem:$0x10100] =	vst v63  }
0x2d4: {  	s22 =	simm.s32 $0x80;
	s18 =	rddreg [dreg:$0x11]  }
0x2d5: {  	[tilespmem:s22], [sflag:$0x2] =	stream.linear.gather [hbm4b:s18+s3], $0x80, $0x38;
	[tilespmem:$0x10100] =	vst v63  }
0x2d6: {  	_ =	swait.ge [sflag:s23], $0x8000  }
0x2d7: {  	[sflag:s23] =	ssyncset.done $0x0  }
0x2d8: {  	s22 =	rddreg [dreg:$0x12];
	[sflag:s23] =	ssyncadd.s32 $0xFFFF8000  }
0x2d9: {  	[hbm4b:s22+s3] =	stream.linear.scatter [tilespmem:s6], [sflag:$0x5], $0x8000, $0x38;
	[tilespmem:$0x10100] =	vst v63  }
0x2da: {  	_ =	swait.ge [sflag:s17], $0x8000  }
0x2db: {  	[sflag:s17] =	ssyncset.done $0x0  }
0x2dc: {  	[sflag:s17] =	ssyncadd.s32 $0xFFFF8000  }
0x2dd: {  	_ =	swait.ge [sflag:s24], $0x80  }
0x2de: {  	[sflag:s24] =	ssyncset.done $0x0  }
0x2df: {  	[sflag:s24] =	ssyncadd.s32 $0xFFFFFF80  }
0x2e0: {  	v3 =	vld [tilespmem:$0x80];
	_ =	sdelay $0x4  }
0x2e1: {  	v48 =	vshll.u32 v3, $0x1  }
0x2e2: {  	v3 =	vand.u32 $0x7, v3;
	v4 =	vand.u32 $0xFFFFFFF0, v48  }
0x2e3: {  	v3 =	vor.u32 v3, v4  }
0x2e4: {  	v4 =	vperm.xlane v3, v0;
	_ =	sdelay $0x1  }
0x2e5: {  	v3 =	vperm.xlane v3, v2;
	v4 =	vadd.s32 v1, v4;
	_ =	sdelay $0x1  }
0x2e6: {  	v3 =	vadd.s32 v1, v3;
	_ =	sdelay $0x2  }
0x2e7: {  	[tilespmem:s25], [sflag:$0x4] =	stream.indirect_vreg.gather [hbm4b:s1+s3], $0x80, v4, vm0, $0xb8;
	[tilespmem:$0x10100] =	vst v63  }
0x2e8: {  	s10 =	simm.s32 $0x8900  }
0x2e9: {  	[tilespmem:s10], [sflag:$0x4] =	stream.indirect_vreg.gather [hbm4b:s1+s3], $0x80, v3, vm0, $0xb8;
	[tilespmem:$0x10100] =	vst v63  }
0x2ea: {  	v3 =	vld [tilespmem:$0x90];
	_ =	sdelay $0x4  }
0x2eb: {  	v49 =	vshll.u32 v3, $0x1  }
0x2ec: {  	v3 =	vand.u32 $0x7, v3;
	v4 =	vand.u32 $0xFFFFFFF0, v49  }
0x2ed: {  	v3 =	vor.u32 v3, v4  }
0x2ee: {  	v4 =	vperm.xlane v3, v0;
	_ =	sdelay $0x1  }
0x2ef: {  	v3 =	vperm.xlane v3, v2;
	v4 =	vadd.s32 v1, v4;
	_ =	sdelay $0x1  }
0x2f0: {  	v3 =	vadd.s32 v1, v3;
	_ =	sdelay $0x1  }
0x2f1: {  	s9 =	simm.s32 $0x9100  }
0x2f2: {  	[tilespmem:s9], [sflag:$0x4] =	stream.indirect_vreg.gather [hbm4b:s1+s3], $0x80, v4, vm0, $0xb8;
	[tilespmem:$0x10100] =	vst v63  }
0x2f3: {  	s29 =	simm.s32 $0x9900  }
0x2f4: {  	[tilespmem:s29], [sflag:$0x4] =	stream.indirect_vreg.gather [hbm4b:s1+s3], $0x80, v3, vm0, $0xb8;
	[tilespmem:$0x10100] =	vst v63  }
0x2f5: {  	v3 =	vld [tilespmem:$0xA0];
	_ =	sdelay $0x4  }
0x2f6: {  	v50 =	vshll.u32 v3, $0x1  }
0x2f7: {  	v3 =	vand.u32 $0x7, v3;
	v4 =	vand.u32 $0xFFFFFFF0, v50  }
0x2f8: {  	v3 =	vor.u32 v3, v4  }
0x2f9: {  	v4 =	vperm.xlane v3, v0;
	_ =	sdelay $0x1  }
0x2fa: {  	v3 =	vperm.xlane v3, v2;
	v4 =	vadd.s32 v1, v4;
	_ =	sdelay $0x1  }
0x2fb: {  	v3 =	vadd.s32 v1, v3;
	_ =	sdelay $0x1  }
0x2fc: {  	s26 =	simm.s32 $0xA100  }
0x2fd: {  	[tilespmem:s26], [sflag:$0x4] =	stream.indirect_vreg.gather [hbm4b:s1+s3], $0x80, v4, vm0, $0xb8;
	[tilespmem:$0x10100] =	vst v63  }
0x2fe: {  	s0 =	simm.s32 $0xA900  }
0x2ff: {  	[tilespmem:s0], [sflag:$0x4] =	stream.indirect_vreg.gather [hbm4b:s1+s3], $0x80, v3, vm0, $0xb8;
	[tilespmem:$0x10100] =	vst v63  }
0x300: {  	v3 =	vld [tilespmem:$0xB0];
	_ =	sdelay $0x4  }
0x301: {  	v51 =	vshll.u32 v3, $0x1  }
0x302: {  	v3 =	vand.u32 $0x7, v3;
	v4 =	vand.u32 $0xFFFFFFF0, v51  }
0x303: {  	v3 =	vor.u32 v3, v4  }
0x304: {  	v4 =	vperm.xlane v3, v0;
	_ =	sdelay $0x1  }
0x305: {  	v3 =	vperm.xlane v3, v2;
	v4 =	vadd.s32 v1, v4;
	_ =	sdelay $0x1  }
0x306: {  	v3 =	vadd.s32 v1, v3;
	_ =	sdelay $0x1  }
0x307: {  	s2 =	simm.s32 $0xB100  }
0x308: {  	[tilespmem:s2], [sflag:$0x4] =	stream.indirect_vreg.gather [hbm4b:s1+s3], $0x80, v4, vm0, $0xb8;
	[tilespmem:$0x10100] =	vst v63  }
0x309: {  	s11 =	simm.s32 $0xB900  }
0x30a: {  	[tilespmem:s11], [sflag:$0x4] =	stream.indirect_vreg.gather [hbm4b:s1+s3], $0x80, v3, vm0, $0xb8;
	[tilespmem:$0x10100] =	vst v63  }
0x30b: {  	v3 =	vld [tilespmem:$0xC0];
	_ =	sdelay $0x4  }
0x30c: {  	v52 =	vshll.u32 v3, $0x1  }
0x30d: {  	v3 =	vand.u32 $0x7, v3;
	v4 =	vand.u32 $0xFFFFFFF0, v52  }
0x30e: {  	v3 =	vor.u32 v3, v4  }
0x30f: {  	v4 =	vperm.xlane v3, v0;
	_ =	sdelay $0x1  }
0x310: {  	v3 =	vperm.xlane v3, v2;
	v4 =	vadd.s32 v1, v4;
	_ =	sdelay $0x1  }
0x311: {  	v3 =	vadd.s32 v1, v3;
	_ =	sdelay $0x1  }
0x312: {  	s4 =	simm.s32 $0xC100  }
0x313: {  	[tilespmem:s4], [sflag:$0x4] =	stream.indirect_vreg.gather [hbm4b:s1+s3], $0x80, v4, vm0, $0xb8;
	[tilespmem:$0x10100] =	vst v63  }
0x314: {  	s13 =	simm.s32 $0xC900  }
0x315: {  	[tilespmem:s13], [sflag:$0x4] =	stream.indirect_vreg.gather [hbm4b:s1+s3], $0x80, v3, vm0, $0xb8;
	[tilespmem:$0x10100] =	vst v63  }
0x316: {  	v3 =	vld [tilespmem:$0xD0];
	_ =	sdelay $0x4  }
0x317: {  	v53 =	vshll.u32 v3, $0x1  }
0x318: {  	v3 =	vand.u32 $0x7, v3;
	v4 =	vand.u32 $0xFFFFFFF0, v53  }
0x319: {  	v3 =	vor.u32 v3, v4  }
0x31a: {  	v4 =	vperm.xlane v3, v0;
	_ =	sdelay $0x1  }
0x31b: {  	v3 =	vperm.xlane v3, v2;
	v4 =	vadd.s32 v1, v4;
	_ =	sdelay $0x1  }
0x31c: {  	v3 =	vadd.s32 v1, v3;
	_ =	sdelay $0x1  }
0x31d: {  	s7 =	simm.s32 $0xD100  }
0x31e: {  	[tilespmem:s7], [sflag:$0x4] =	stream.indirect_vreg.gather [hbm4b:s1+s3], $0x80, v4, vm0, $0xb8;
	[tilespmem:$0x10100] =	vst v63  }
0x31f: {  	s14 =	simm.s32 $0xD900  }
0x320: {  	[tilespmem:s14], [sflag:$0x4] =	stream.indirect_vreg.gather [hbm4b:s1+s3], $0x80, v3, vm0, $0xb8;
	[tilespmem:$0x10100] =	vst v63  }
0x321: {  	v3 =	vld [tilespmem:$0xE0];
	_ =	sdelay $0x4  }
0x322: {  	v54 =	vshll.u32 v3, $0x1  }
0x323: {  	v3 =	vand.u32 $0x7, v3;
	v4 =	vand.u32 $0xFFFFFFF0, v54  }
0x324: {  	v3 =	vor.u32 v3, v4  }
0x325: {  	v4 =	vperm.xlane v3, v0;
	_ =	sdelay $0x1  }
0x326: {  	v3 =	vperm.xlane v3, v2;
	v4 =	vadd.s32 v1, v4;
	_ =	sdelay $0x1  }
0x327: {  	v3 =	vadd.s32 v1, v3;
	_ =	sdelay $0x1  }
0x328: {  	s8 =	simm.s32 $0xE100  }
0x329: {  	[tilespmem:s8], [sflag:$0x4] =	stream.indirect_vreg.gather [hbm4b:s1+s3], $0x80, v4, vm0, $0xb8;
	[tilespmem:$0x10100] =	vst v63  }
0x32a: {  	s19 =	simm.s32 $0xE900  }
0x32b: {  	[tilespmem:s19], [sflag:$0x4] =	stream.indirect_vreg.gather [hbm4b:s1+s3], $0x80, v3, vm0, $0xb8;
	[tilespmem:$0x10100] =	vst v63  }
0x32c: {  	v3 =	vld [tilespmem:$0xF0];
	_ =	sdelay $0x4  }
0x32d: {  	v55 =	vshll.u32 v3, $0x1  }
0x32e: {  	v3 =	vand.u32 $0x7, v3;
	v4 =	vand.u32 $0xFFFFFFF0, v55  }
0x32f: {  	v3 =	vor.u32 v3, v4  }
0x330: {  	v4 =	vperm.xlane v3, v0;
	_ =	sdelay $0x1  }
0x331: {  	v3 =	vperm.xlane v3, v2;
	v4 =	vadd.s32 v1, v4;
	_ =	sdelay $0x1  }
0x332: {  	v3 =	vadd.s32 v1, v3;
	_ =	sdelay $0x1  }
0x333: {  	s12 =	simm.s32 $0xF100  }
0x334: {  	[tilespmem:s12], [sflag:$0x4] =	stream.indirect_vreg.gather [hbm4b:s1+s3], $0x80, v4, vm0, $0xb8;
	[tilespmem:$0x10100] =	vst v63  }
0x335: {  	s20 =	simm.s32 $0xF900  }
0x336: {  	[tilespmem:s20], [sflag:$0x4] =	stream.indirect_vreg.gather [hbm4b:s1+s3], $0x80, v3, vm0, $0xb8;
	[tilespmem:$0x10100] =	vst v63  }
0x337: {  	s0 =	rddreg [dreg:$0x13]  }
0x338: {  	[tilespmem:s3], [sflag:$0x1] =	stream.linear.gather [hbm4b:s0+s3], $0x80, $0x38;
	[tilespmem:$0x10100] =	vst v63  }
0x339: {  	_ =	swait.ge [sflag:s15], $0x8000  }
0x33a: {  	[sflag:s15] =	ssyncset.done $0x0  }
0x33b: {  	s0 =	rddreg [dreg:$0x14];
	[sflag:s15] =	ssyncadd.s32 $0xFFFF8000  }
0x33c: {  	[hbm4b:s0+s3] =	stream.linear.scatter [tilespmem:s25], [sflag:$0x6], $0x8000, $0x38;
	[tilespmem:$0x10100] =	vst v63  }
0x33d: {  	_ =	swait.ge [sflag:s16], $0x8000  }
0x33e: {  	[sflag:s16] =	ssyncset.done $0x0  }
0x33f: {  	[sflag:s16] =	ssyncadd.s32 $0xFFFF8000  }
0x340: {  	_ =	swait.ge [sflag:s5], $0x80  }
0x341: {  	[sflag:s5] =	ssyncset.done $0x0  }
0x342: {  	[sflag:s5] =	ssyncadd.s32 $0xFFFFFF80  }
0x343: {  	v3 =	vld [tilespmem:$0x0];
	_ =	sdelay $0x4  }
0x344: {  	v56 =	vshll.u32 v3, $0x1  }
0x345: {  	v3 =	vand.u32 $0x7, v3;
	v4 =	vand.u32 $0xFFFFFFF0, v56  }
0x346: {  	v3 =	vor.u32 v3, v4  }
0x347: {  	v4 =	vperm.xlane v3, v0;
	_ =	sdelay $0x1  }
0x348: {  	v3 =	vperm.xlane v3, v2;
	v4 =	vadd.s32 v1, v4;
	_ =	sdelay $0x1  }
0x349: {  	v3 =	vadd.s32 v1, v3;
	_ =	sdelay $0x2  }
0x34a: {  	[tilespmem:s6], [sflag:$0x3] =	stream.indirect_vreg.gather [hbm4b:s1+s3], $0x80, v4, vm0, $0xb8;
	[tilespmem:$0x10100] =	vst v63  }
0x34b: {  	s18 =	simm.s32 $0x900  }
0x34c: {  	[tilespmem:s18], [sflag:$0x3] =	stream.indirect_vreg.gather [hbm4b:s1+s3], $0x80, v3, vm0, $0xb8;
	[tilespmem:$0x10100] =	vst v63  }
0x34d: {  	v3 =	vld [tilespmem:$0x10];
	_ =	sdelay $0x4  }
0x34e: {  	v57 =	vshll.u32 v3, $0x1  }
0x34f: {  	v3 =	vand.u32 $0x7, v3;
	v4 =	vand.u32 $0xFFFFFFF0, v57  }
0x350: {  	v3 =	vor.u32 v3, v4  }
0x351: {  	v4 =	vperm.xlane v3, v0;
	_ =	sdelay $0x1  }
0x352: {  	v3 =	vperm.xlane v3, v2;
	v4 =	vadd.s32 v1, v4;
	_ =	sdelay $0x1  }
0x353: {  	v3 =	vadd.s32 v1, v3;
	_ =	sdelay $0x1  }
0x354: {  	s21 =	simm.s32 $0x1100  }
0x355: {  	[tilespmem:s21], [sflag:$0x3] =	stream.indirect_vreg.gather [hbm4b:s1+s3], $0x80, v4, vm0, $0xb8;
	[tilespmem:$0x10100] =	vst v63  }
0x356: {  	s20 =	simm.s32 $0x1900  }
0x357: {  	[tilespmem:s20], [sflag:$0x3] =	stream.indirect_vreg.gather [hbm4b:s1+s3], $0x80, v3, vm0, $0xb8;
	[tilespmem:$0x10100] =	vst v63  }
0x358: {  	v3 =	vld [tilespmem:$0x20];
	_ =	sdelay $0x4  }
0x359: {  	v58 =	vshll.u32 v3, $0x1  }
0x35a: {  	v3 =	vand.u32 $0x7, v3;
	v4 =	vand.u32 $0xFFFFFFF0, v58  }
0x35b: {  	v3 =	vor.u32 v3, v4  }
0x35c: {  	v4 =	vperm.xlane v3, v0;
	_ =	sdelay $0x1  }
0x35d: {  	v3 =	vperm.xlane v3, v2;
	v4 =	vadd.s32 v1, v4;
	_ =	sdelay $0x1  }
0x35e: {  	v3 =	vadd.s32 v1, v3;
	_ =	sdelay $0x1  }
0x35f: {  	s0 =	simm.s32 $0x2100  }
0x360: {  	[tilespmem:s0], [sflag:$0x3] =	stream.indirect_vreg.gather [hbm4b:s1+s3], $0x80, v4, vm0, $0xb8;
	[tilespmem:$0x10100] =	vst v63  }
0x361: {  	s20 =	simm.s32 $0x2900  }
0x362: {  	[tilespmem:s20], [sflag:$0x3] =	stream.indirect_vreg.gather [hbm4b:s1+s3], $0x80, v3, vm0, $0xb8;
	[tilespmem:$0x10100] =	vst v63  }
0x363: {  	v3 =	vld [tilespmem:$0x30];
	_ =	sdelay $0x4  }
0x364: {  	v59 =	vshll.u32 v3, $0x1  }
0x365: {  	v3 =	vand.u32 $0x7, v3;
	v4 =	vand.u32 $0xFFFFFFF0, v59  }
0x366: {  	v3 =	vor.u32 v3, v4  }
0x367: {  	v4 =	vperm.xlane v3, v0;
	_ =	sdelay $0x1  }
0x368: {  	v3 =	vperm.xlane v3, v2;
	v4 =	vadd.s32 v1, v4;
	_ =	sdelay $0x1  }
0x369: {  	v3 =	vadd.s32 v1, v3;
	_ =	sdelay $0x1  }
0x36a: {  	s18 =	simm.s32 $0x3100  }
0x36b: {  	[tilespmem:s18], [sflag:$0x3] =	stream.indirect_vreg.gather [hbm4b:s1+s3], $0x80, v4, vm0, $0xb8;
	[tilespmem:$0x10100] =	vst v63  }
0x36c: {  	s20 =	simm.s32 $0x3900  }
0x36d: {  	[tilespmem:s20], [sflag:$0x3] =	stream.indirect_vreg.gather [hbm4b:s1+s3], $0x80, v3, vm0, $0xb8;
	[tilespmem:$0x10100] =	vst v63  }
0x36e: {  	v3 =	vld [tilespmem:$0x40];
	_ =	sdelay $0x4  }
0x36f: {  	v60 =	vshll.u32 v3, $0x1  }
0x370: {  	v3 =	vand.u32 $0x7, v3;
	v4 =	vand.u32 $0xFFFFFFF0, v60  }
0x371: {  	v3 =	vor.u32 v3, v4  }
0x372: {  	v4 =	vperm.xlane v3, v0;
	_ =	sdelay $0x1  }
0x373: {  	v3 =	vperm.xlane v3, v2;
	v4 =	vadd.s32 v1, v4;
	_ =	sdelay $0x1  }
0x374: {  	v3 =	vadd.s32 v1, v3;
	_ =	sdelay $0x1  }
0x375: {  	s30 =	simm.s32 $0x4100  }
0x376: {  	[tilespmem:s30], [sflag:$0x3] =	stream.indirect_vreg.gather [hbm4b:s1+s3], $0x80, v4, vm0, $0xb8;
	[tilespmem:$0x10100] =	vst v63  }
0x377: {  	s31 =	simm.s32 $0x4900  }
0x378: {  	[tilespmem:s31], [sflag:$0x3] =	stream.indirect_vreg.gather [hbm4b:s1+s3], $0x80, v3, vm0, $0xb8;
	[tilespmem:$0x10100] =	vst v63  }
0x379: {  	v3 =	vld [tilespmem:$0x50];
	_ =	sdelay $0x4  }
0x37a: {  	v61 =	vshll.u32 v3, $0x1  }
0x37b: {  	v3 =	vand.u32 $0x7, v3;
	v4 =	vand.u32 $0xFFFFFFF0, v61  }
0x37c: {  	v3 =	vor.u32 v3, v4  }
0x37d: {  	v4 =	vperm.xlane v3, v0;
	_ =	sdelay $0x1  }
0x37e: {  	v3 =	vperm.xlane v3, v2;
	v4 =	vadd.s32 v1, v4;
	_ =	sdelay $0x1  }
0x37f: {  	v3 =	vadd.s32 v1, v3;
	_ =	sdelay $0x1  }
0x380: {  	s0 =	simm.s32 $0x5100  }
0x381: {  	[tilespmem:s0], [sflag:$0x3] =	stream.indirect_vreg.gather [hbm4b:s1+s3], $0x80, v4, vm0, $0xb8;
	[tilespmem:$0x10100] =	vst v63  }
0x382: {  	s18 =	simm.s32 $0x5900  }
0x383: {  	[tilespmem:s18], [sflag:$0x3] =	stream.indirect_vreg.gather [hbm4b:s1+s3], $0x80, v3, vm0, $0xb8;
	[tilespmem:$0x10100] =	vst v63  }
0x384: {  	v3 =	vld [tilespmem:$0x60];
	_ =	sdelay $0x4  }
0x385: {  	v62 =	vshll.u32 v3, $0x1  }
0x386: {  	v3 =	vand.u32 $0x7, v3;
	v4 =	vand.u32 $0xFFFFFFF0, v62  }
0x387: {  	v3 =	vor.u32 v3, v4  }
0x388: {  	v4 =	vperm.xlane v3, v0;
	_ =	sdelay $0x1  }
0x389: {  	v3 =	vperm.xlane v3, v2;
	v4 =	vadd.s32 v1, v4;
	_ =	sdelay $0x1  }
0x38a: {  	v3 =	vadd.s32 v1, v3;
	_ =	sdelay $0x1  }
0x38b: {  	s0 =	simm.s32 $0x6100  }
0x38c: {  	[tilespmem:s0], [sflag:$0x3] =	stream.indirect_vreg.gather [hbm4b:s1+s3], $0x80, v4, vm0, $0xb8;
	[tilespmem:$0x10100] =	vst v63  }
0x38d: {  	s18 =	simm.s32 $0x6900  }
0x38e: {  	[tilespmem:s18], [sflag:$0x3] =	stream.indirect_vreg.gather [hbm4b:s1+s3], $0x80, v3, vm0, $0xb8;
	[tilespmem:$0x10100] =	vst v63  }
0x38f: {  	v3 =	vld [tilespmem:$0x70];
	_ =	sdelay $0x4  }
0x390: {  	v63 =	vshll.u32 v3, $0x1  }
0x391: {  	v3 =	vand.u32 $0x7, v3;
	v4 =	vand.u32 $0xFFFFFFF0, v63  }
0x392: {  	v3 =	vor.u32 v3, v4  }
0x393: {  	v4 =	vperm.xlane v3, v0;
	_ =	sdelay $0x1  }
0x394: {  	v3 =	vperm.xlane v3, v2;
	v4 =	vadd.s32 v1, v4;
	_ =	sdelay $0x1  }
0x395: {  	v3 =	vadd.s32 v1, v3;
	_ =	sdelay $0x1  }
0x396: {  	s18 =	simm.s32 $0x7100  }
0x397: {  	[tilespmem:s18], [sflag:$0x3] =	stream.indirect_vreg.gather [hbm4b:s1+s3], $0x80, v4, vm0, $0xb8;
	[tilespmem:$0x10100] =	vst v63  }
0x398: {  	s0 =	simm.s32 $0x7900  }
0x399: {  	[tilespmem:s0], [sflag:$0x3] =	stream.indirect_vreg.gather [hbm4b:s1+s3], $0x80, v3, vm0, $0xb8;
	[tilespmem:$0x10100] =	vst v63  }
0x39a: {  	s28 =	simm.s32 $0x80;
	s18 =	rddreg [dreg:$0x15]  }
0x39b: {  	[tilespmem:s28], [sflag:$0x2] =	stream.linear.gather [hbm4b:s18+s3], $0x80, $0x38;
	[tilespmem:$0x10100] =	vst v63  }
0x39c: {  	_ =	swait.ge [sflag:s23], $0x8000  }
0x39d: {  	[sflag:s23] =	ssyncset.done $0x0  }
0x39e: {  	s0 =	rddreg [dreg:$0x16];
	[sflag:s23] =	ssyncadd.s32 $0xFFFF8000  }
0x39f: {  	[hbm4b:s0+s3] =	stream.linear.scatter [tilespmem:s6], [sflag:$0x5], $0x8000, $0x38;
	[tilespmem:$0x10100] =	vst v63  }
0x3a0: {  	_ =	swait.ge [sflag:s17], $0x8000  }
0x3a1: {  	[sflag:s17] =	ssyncset.done $0x0  }
0x3a2: {  	[sflag:s17] =	ssyncadd.s32 $0xFFFF8000  }
0x3a3: {  	_ =	swait.ge [sflag:s24], $0x80  }
0x3a4: {  	[sflag:s24] =	ssyncset.done $0x0  }
0x3a5: {  	[sflag:s24] =	ssyncadd.s32 $0xFFFFFF80  }
0x3a6: {  	v3 =	vld [tilespmem:$0x80];
	_ =	sdelay $0x4  }
0x3a7: {  	v8 =	vshll.u32 v3, $0x1  }
0x3a8: {  	v3 =	vand.u32 $0x7, v3;
	v4 =	vand.u32 $0xFFFFFFF0, v8  }
0x3a9: {  	v3 =	vor.u32 v3, v4  }
0x3aa: {  	v4 =	vperm.xlane v3, v0;
	_ =	sdelay $0x1  }
0x3ab: {  	v3 =	vperm.xlane v3, v2;
	v4 =	vadd.s32 v1, v4;
	_ =	sdelay $0x1  }
0x3ac: {  	v3 =	vadd.s32 v1, v3;
	_ =	sdelay $0x2  }
0x3ad: {  	[tilespmem:s25], [sflag:$0x4] =	stream.indirect_vreg.gather [hbm4b:s1+s3], $0x80, v4, vm0, $0xb8;
	[tilespmem:$0x10100] =	vst v63  }
0x3ae: {  	s10 =	simm.s32 $0x8900  }
0x3af: {  	[tilespmem:s10], [sflag:$0x4] =	stream.indirect_vreg.gather [hbm4b:s1+s3], $0x80, v3, vm0, $0xb8;
	[tilespmem:$0x10100] =	vst v63  }
0x3b0: {  	v3 =	vld [tilespmem:$0x90];
	_ =	sdelay $0x4  }
0x3b1: {  	v9 =	vshll.u32 v3, $0x1  }
0x3b2: {  	v3 =	vand.u32 $0x7, v3;
	v4 =	vand.u32 $0xFFFFFFF0, v9  }
0x3b3: {  	v3 =	vor.u32 v3, v4  }
0x3b4: {  	v4 =	vperm.xlane v3, v0;
	_ =	sdelay $0x1  }
0x3b5: {  	v3 =	vperm.xlane v3, v2;
	v4 =	vadd.s32 v1, v4;
	_ =	sdelay $0x1  }
0x3b6: {  	v3 =	vadd.s32 v1, v3;
	_ =	sdelay $0x1  }
0x3b7: {  	s9 =	simm.s32 $0x9100  }
0x3b8: {  	[tilespmem:s9], [sflag:$0x4] =	stream.indirect_vreg.gather [hbm4b:s1+s3], $0x80, v4, vm0, $0xb8;
	[tilespmem:$0x10100] =	vst v63  }
0x3b9: {  	s29 =	simm.s32 $0x9900  }
0x3ba: {  	[tilespmem:s29], [sflag:$0x4] =	stream.indirect_vreg.gather [hbm4b:s1+s3], $0x80, v3, vm0, $0xb8;
	[tilespmem:$0x10100] =	vst v63  }
0x3bb: {  	v3 =	vld [tilespmem:$0xA0];
	_ =	sdelay $0x4  }
0x3bc: {  	v10 =	vshll.u32 v3, $0x1  }
0x3bd: {  	v3 =	vand.u32 $0x7, v3;
	v4 =	vand.u32 $0xFFFFFFF0, v10  }
0x3be: {  	v3 =	vor.u32 v3, v4  }
0x3bf: {  	v4 =	vperm.xlane v3, v0;
	_ =	sdelay $0x1  }
0x3c0: {  	v3 =	vperm.xlane v3, v2;
	v4 =	vadd.s32 v1, v4;
	_ =	sdelay $0x1  }
0x3c1: {  	v3 =	vadd.s32 v1, v3;
	_ =	sdelay $0x1  }
0x3c2: {  	s22 =	simm.s32 $0xA100  }
0x3c3: {  	[tilespmem:s22], [sflag:$0x4] =	stream.indirect_vreg.gather [hbm4b:s1+s3], $0x80, v4, vm0, $0xb8;
	[tilespmem:$0x10100] =	vst v63  }
0x3c4: {  	s18 =	simm.s32 $0xA900  }
0x3c5: {  	[tilespmem:s18], [sflag:$0x4] =	stream.indirect_vreg.gather [hbm4b:s1+s3], $0x80, v3, vm0, $0xb8;
	[tilespmem:$0x10100] =	vst v63  }
0x3c6: {  	v3 =	vld [tilespmem:$0xB0];
	_ =	sdelay $0x4  }
0x3c7: {  	v11 =	vshll.u32 v3, $0x1  }
0x3c8: {  	v3 =	vand.u32 $0x7, v3;
	v4 =	vand.u32 $0xFFFFFFF0, v11  }
0x3c9: {  	v3 =	vor.u32 v3, v4  }
0x3ca: {  	v4 =	vperm.xlane v3, v0;
	_ =	sdelay $0x1  }
0x3cb: {  	v3 =	vperm.xlane v3, v2;
	v4 =	vadd.s32 v1, v4;
	_ =	sdelay $0x1  }
0x3cc: {  	v3 =	vadd.s32 v1, v3;
	_ =	sdelay $0x1  }
0x3cd: {  	s2 =	simm.s32 $0xB100  }
0x3ce: {  	[tilespmem:s2], [sflag:$0x4] =	stream.indirect_vreg.gather [hbm4b:s1+s3], $0x80, v4, vm0, $0xb8;
	[tilespmem:$0x10100] =	vst v63  }
0x3cf: {  	s26 =	simm.s32 $0xB900  }
0x3d0: {  	[tilespmem:s26], [sflag:$0x4] =	stream.indirect_vreg.gather [hbm4b:s1+s3], $0x80, v3, vm0, $0xb8;
	[tilespmem:$0x10100] =	vst v63  }
0x3d1: {  	v3 =	vld [tilespmem:$0xC0];
	_ =	sdelay $0x4  }
0x3d2: {  	v12 =	vshll.u32 v3, $0x1  }
0x3d3: {  	v3 =	vand.u32 $0x7, v3;
	v4 =	vand.u32 $0xFFFFFFF0, v12  }
0x3d4: {  	v3 =	vor.u32 v3, v4  }
0x3d5: {  	v4 =	vperm.xlane v3, v0;
	_ =	sdelay $0x1  }
0x3d6: {  	v3 =	vperm.xlane v3, v2;
	v4 =	vadd.s32 v1, v4;
	_ =	sdelay $0x1  }
0x3d7: {  	v3 =	vadd.s32 v1, v3;
	_ =	sdelay $0x1  }
0x3d8: {  	s4 =	simm.s32 $0xC100  }
0x3d9: {  	[tilespmem:s4], [sflag:$0x4] =	stream.indirect_vreg.gather [hbm4b:s1+s3], $0x80, v4, vm0, $0xb8;
	[tilespmem:$0x10100] =	vst v63  }
0x3da: {  	s13 =	simm.s32 $0xC900  }
0x3db: {  	[tilespmem:s13], [sflag:$0x4] =	stream.indirect_vreg.gather [hbm4b:s1+s3], $0x80, v3, vm0, $0xb8;
	[tilespmem:$0x10100] =	vst v63  }
0x3dc: {  	v3 =	vld [tilespmem:$0xD0];
	_ =	sdelay $0x4  }
0x3dd: {  	v13 =	vshll.u32 v3, $0x1  }
0x3de: {  	v3 =	vand.u32 $0x7, v3;
	v4 =	vand.u32 $0xFFFFFFF0, v13  }
0x3df: {  	v3 =	vor.u32 v3, v4  }
0x3e0: {  	v4 =	vperm.xlane v3, v0;
	_ =	sdelay $0x1  }
0x3e1: {  	v3 =	vperm.xlane v3, v2;
	v4 =	vadd.s32 v1, v4;
	_ =	sdelay $0x1  }
0x3e2: {  	v3 =	vadd.s32 v1, v3;
	_ =	sdelay $0x1  }
0x3e3: {  	s7 =	simm.s32 $0xD100  }
0x3e4: {  	[tilespmem:s7], [sflag:$0x4] =	stream.indirect_vreg.gather [hbm4b:s1+s3], $0x80, v4, vm0, $0xb8;
	[tilespmem:$0x10100] =	vst v63  }
0x3e5: {  	s14 =	simm.s32 $0xD900  }
0x3e6: {  	[tilespmem:s14], [sflag:$0x4] =	stream.indirect_vreg.gather [hbm4b:s1+s3], $0x80, v3, vm0, $0xb8;
	[tilespmem:$0x10100] =	vst v63  }
0x3e7: {  	v3 =	vld [tilespmem:$0xE0];
	_ =	sdelay $0x4  }
0x3e8: {  	v14 =	vshll.u32 v3, $0x1  }
0x3e9: {  	v3 =	vand.u32 $0x7, v3;
	v4 =	vand.u32 $0xFFFFFFF0, v14  }
0x3ea: {  	v3 =	vor.u32 v3, v4  }
0x3eb: {  	v4 =	vperm.xlane v3, v0;
	_ =	sdelay $0x1  }
0x3ec: {  	v3 =	vperm.xlane v3, v2;
	v4 =	vadd.s32 v1, v4;
	_ =	sdelay $0x1  }
0x3ed: {  	v3 =	vadd.s32 v1, v3;
	_ =	sdelay $0x1  }
0x3ee: {  	s8 =	simm.s32 $0xE100  }
0x3ef: {  	[tilespmem:s8], [sflag:$0x4] =	stream.indirect_vreg.gather [hbm4b:s1+s3], $0x80, v4, vm0, $0xb8;
	[tilespmem:$0x10100] =	vst v63  }
0x3f0: {  	s11 =	simm.s32 $0xE900  }
0x3f1: {  	[tilespmem:s11], [sflag:$0x4] =	stream.indirect_vreg.gather [hbm4b:s1+s3], $0x80, v3, vm0, $0xb8;
	[tilespmem:$0x10100] =	vst v63  }
0x3f2: {  	v3 =	vld [tilespmem:$0xF0];
	_ =	sdelay $0x4  }
0x3f3: {  	v15 =	vshll.u32 v3, $0x1  }
0x3f4: {  	v3 =	vand.u32 $0x7, v3;
	v4 =	vand.u32 $0xFFFFFFF0, v15  }
0x3f5: {  	v3 =	vor.u32 v3, v4  }
0x3f6: {  	v4 =	vperm.xlane v3, v0;
	_ =	sdelay $0x1  }
0x3f7: {  	v3 =	vperm.xlane v3, v2;
	v4 =	vadd.s32 v1, v4;
	_ =	sdelay $0x1  }
0x3f8: {  	v3 =	vadd.s32 v1, v3;
	_ =	sdelay $0x1  }
0x3f9: {  	s12 =	simm.s32 $0xF100  }
0x3fa: {  	[tilespmem:s12], [sflag:$0x4] =	stream.indirect_vreg.gather [hbm4b:s1+s3], $0x80, v4, vm0, $0xb8;
	[tilespmem:$0x10100] =	vst v63  }
0x3fb: {  	s19 =	simm.s32 $0xF900  }
0x3fc: {  	[tilespmem:s19], [sflag:$0x4] =	stream.indirect_vreg.gather [hbm4b:s1+s3], $0x80, v3, vm0, $0xb8;
	[tilespmem:$0x10100] =	vst v63  }
0x3fd: {  	s18 =	rddreg [dreg:$0x17]  }
0x3fe: {  	[tilespmem:s3], [sflag:$0x1] =	stream.linear.gather [hbm4b:s18+s3], $0x80, $0x38;
	[tilespmem:$0x10100] =	vst v63  }
0x3ff: {  	_ =	swait.ge [sflag:s15], $0x8000  }
0x400: {  	[sflag:s15] =	ssyncset.done $0x0  }
0x401: {  	s18 =	rddreg [dreg:$0x18];
	[sflag:s15] =	ssyncadd.s32 $0xFFFF8000  }
0x402: {  	[hbm4b:s18+s3] =	stream.linear.scatter [tilespmem:s25], [sflag:$0x6], $0x8000, $0x38;
	[tilespmem:$0x10100] =	vst v63  }
0x403: {  	_ =	swait.ge [sflag:s16], $0x8000  }
0x404: {  	[sflag:s16] =	ssyncset.done $0x0  }
0x405: {  	[sflag:s16] =	ssyncadd.s32 $0xFFFF8000  }
0x406: {  	_ =	swait.ge [sflag:s5], $0x80  }
0x407: {  	[sflag:s5] =	ssyncset.done $0x0  }
0x408: {  	[sflag:s5] =	ssyncadd.s32 $0xFFFFFF80  }
0x409: {  	v3 =	vld [tilespmem:$0x0];
	_ =	sdelay $0x4  }
0x40a: {  	v16 =	vshll.u32 v3, $0x1  }
0x40b: {  	v3 =	vand.u32 $0x7, v3;
	v4 =	vand.u32 $0xFFFFFFF0, v16  }
0x40c: {  	v3 =	vor.u32 v3, v4  }
0x40d: {  	v4 =	vperm.xlane v3, v0;
	_ =	sdelay $0x1  }
0x40e: {  	v3 =	vperm.xlane v3, v2;
	v4 =	vadd.s32 v1, v4;
	_ =	sdelay $0x1  }
0x40f: {  	v3 =	vadd.s32 v1, v3;
	_ =	sdelay $0x2  }
0x410: {  	[tilespmem:s6], [sflag:$0x3] =	stream.indirect_vreg.gather [hbm4b:s1+s3], $0x80, v4, vm0, $0xb8;
	[tilespmem:$0x10100] =	vst v63  }
0x411: {  	s18 =	simm.s32 $0x900  }
0x412: {  	[tilespmem:s18], [sflag:$0x3] =	stream.indirect_vreg.gather [hbm4b:s1+s3], $0x80, v3, vm0, $0xb8;
	[tilespmem:$0x10100] =	vst v63  }
0x413: {  	v3 =	vld [tilespmem:$0x10];
	_ =	sdelay $0x4  }
0x414: {  	v17 =	vshll.u32 v3, $0x1  }
0x415: {  	v3 =	vand.u32 $0x7, v3;
	v4 =	vand.u32 $0xFFFFFFF0, v17  }
0x416: {  	v3 =	vor.u32 v3, v4  }
0x417: {  	v4 =	vperm.xlane v3, v0;
	_ =	sdelay $0x1  }
0x418: {  	v3 =	vperm.xlane v3, v2;
	v4 =	vadd.s32 v1, v4;
	_ =	sdelay $0x1  }
0x419: {  	v3 =	vadd.s32 v1, v3;
	_ =	sdelay $0x1  }
0x41a: {  	s21 =	simm.s32 $0x1100  }
0x41b: {  	[tilespmem:s21], [sflag:$0x3] =	stream.indirect_vreg.gather [hbm4b:s1+s3], $0x80, v4, vm0, $0xb8;
	[tilespmem:$0x10100] =	vst v63  }
0x41c: {  	s18 =	simm.s32 $0x1900  }
0x41d: {  	[tilespmem:s18], [sflag:$0x3] =	stream.indirect_vreg.gather [hbm4b:s1+s3], $0x80, v3, vm0, $0xb8;
	[tilespmem:$0x10100] =	vst v63  }
0x41e: {  	v3 =	vld [tilespmem:$0x20];
	_ =	sdelay $0x4  }
0x41f: {  	v18 =	vshll.u32 v3, $0x1  }
0x420: {  	v3 =	vand.u32 $0x7, v3;
	v4 =	vand.u32 $0xFFFFFFF0, v18  }
0x421: {  	v3 =	vor.u32 v3, v4  }
0x422: {  	v4 =	vperm.xlane v3, v0;
	_ =	sdelay $0x1  }
0x423: {  	v3 =	vperm.xlane v3, v2;
	v4 =	vadd.s32 v1, v4;
	_ =	sdelay $0x1  }
0x424: {  	v3 =	vadd.s32 v1, v3;
	_ =	sdelay $0x1  }
0x425: {  	s18 =	simm.s32 $0x2100  }
0x426: {  	[tilespmem:s18], [sflag:$0x3] =	stream.indirect_vreg.gather [hbm4b:s1+s3], $0x80, v4, vm0, $0xb8;
	[tilespmem:$0x10100] =	vst v63  }
0x427: {  	s18 =	simm.s32 $0x2900  }
0x428: {  	[tilespmem:s18], [sflag:$0x3] =	stream.indirect_vreg.gather [hbm4b:s1+s3], $0x80, v3, vm0, $0xb8;
	[tilespmem:$0x10100] =	vst v63  }
0x429: {  	v3 =	vld [tilespmem:$0x30];
	_ =	sdelay $0x4  }
0x42a: {  	v19 =	vshll.u32 v3, $0x1  }
0x42b: {  	v3 =	vand.u32 $0x7, v3;
	v4 =	vand.u32 $0xFFFFFFF0, v19  }
0x42c: {  	v3 =	vor.u32 v3, v4  }
0x42d: {  	v4 =	vperm.xlane v3, v0;
	_ =	sdelay $0x1  }
0x42e: {  	v3 =	vperm.xlane v3, v2;
	v4 =	vadd.s32 v1, v4;
	_ =	sdelay $0x1  }
0x42f: {  	v3 =	vadd.s32 v1, v3;
	_ =	sdelay $0x1  }
0x430: {  	s18 =	simm.s32 $0x3100  }
0x431: {  	[tilespmem:s18], [sflag:$0x3] =	stream.indirect_vreg.gather [hbm4b:s1+s3], $0x80, v4, vm0, $0xb8;
	[tilespmem:$0x10100] =	vst v63  }
0x432: {  	s20 =	simm.s32 $0x3900  }
0x433: {  	[tilespmem:s20], [sflag:$0x3] =	stream.indirect_vreg.gather [hbm4b:s1+s3], $0x80, v3, vm0, $0xb8;
	[tilespmem:$0x10100] =	vst v63  }
0x434: {  	v3 =	vld [tilespmem:$0x40];
	_ =	sdelay $0x4  }
0x435: {  	v20 =	vshll.u32 v3, $0x1  }
0x436: {  	v3 =	vand.u32 $0x7, v3;
	v4 =	vand.u32 $0xFFFFFFF0, v20  }
0x437: {  	v3 =	vor.u32 v3, v4  }
0x438: {  	v4 =	vperm.xlane v3, v0;
	_ =	sdelay $0x1  }
0x439: {  	v3 =	vperm.xlane v3, v2;
	v4 =	vadd.s32 v1, v4;
	_ =	sdelay $0x1  }
0x43a: {  	v3 =	vadd.s32 v1, v3;
	_ =	sdelay $0x1  }
0x43b: {  	s30 =	simm.s32 $0x4100  }
0x43c: {  	[tilespmem:s30], [sflag:$0x3] =	stream.indirect_vreg.gather [hbm4b:s1+s3], $0x80, v4, vm0, $0xb8;
	[tilespmem:$0x10100] =	vst v63  }
0x43d: {  	s31 =	simm.s32 $0x4900  }
0x43e: {  	[tilespmem:s31], [sflag:$0x3] =	stream.indirect_vreg.gather [hbm4b:s1+s3], $0x80, v3, vm0, $0xb8;
	[tilespmem:$0x10100] =	vst v63  }
0x43f: {  	v3 =	vld [tilespmem:$0x50];
	_ =	sdelay $0x4  }
0x440: {  	v21 =	vshll.u32 v3, $0x1  }
0x441: {  	v3 =	vand.u32 $0x7, v3;
	v4 =	vand.u32 $0xFFFFFFF0, v21  }
0x442: {  	v3 =	vor.u32 v3, v4  }
0x443: {  	v4 =	vperm.xlane v3, v0;
	_ =	sdelay $0x1  }
0x444: {  	v3 =	vperm.xlane v3, v2;
	v4 =	vadd.s32 v1, v4;
	_ =	sdelay $0x1  }
0x445: {  	v3 =	vadd.s32 v1, v3;
	_ =	sdelay $0x1  }
0x446: {  	s31 =	simm.s32 $0x5100  }
0x447: {  	[tilespmem:s31], [sflag:$0x3] =	stream.indirect_vreg.gather [hbm4b:s1+s3], $0x80, v4, vm0, $0xb8;
	[tilespmem:$0x10100] =	vst v63  }
0x448: {  	s31 =	simm.s32 $0x5900  }
0x449: {  	[tilespmem:s31], [sflag:$0x3] =	stream.indirect_vreg.gather [hbm4b:s1+s3], $0x80, v3, vm0, $0xb8;
	[tilespmem:$0x10100] =	vst v63  }
0x44a: {  	v3 =	vld [tilespmem:$0x60];
	_ =	sdelay $0x4  }
0x44b: {  	v22 =	vshll.u32 v3, $0x1  }
0x44c: {  	v3 =	vand.u32 $0x7, v3;
	v4 =	vand.u32 $0xFFFFFFF0, v22  }
0x44d: {  	v3 =	vor.u32 v3, v4  }
0x44e: {  	v4 =	vperm.xlane v3, v0;
	_ =	sdelay $0x1  }
0x44f: {  	v3 =	vperm.xlane v3, v2;
	v4 =	vadd.s32 v1, v4;
	_ =	sdelay $0x1  }
0x450: {  	v3 =	vadd.s32 v1, v3;
	_ =	sdelay $0x1  }
0x451: {  	s31 =	simm.s32 $0x6100  }
0x452: {  	[tilespmem:s31], [sflag:$0x3] =	stream.indirect_vreg.gather [hbm4b:s1+s3], $0x80, v4, vm0, $0xb8;
	[tilespmem:$0x10100] =	vst v63  }
0x453: {  	s31 =	simm.s32 $0x6900  }
0x454: {  	[tilespmem:s31], [sflag:$0x3] =	stream.indirect_vreg.gather [hbm4b:s1+s3], $0x80, v3, vm0, $0xb8;
	[tilespmem:$0x10100] =	vst v63  }
0x455: {  	v3 =	vld [tilespmem:$0x70];
	_ =	sdelay $0x4  }
0x456: {  	v23 =	vshll.u32 v3, $0x1  }
0x457: {  	v3 =	vand.u32 $0x7, v3;
	v4 =	vand.u32 $0xFFFFFFF0, v23  }
0x458: {  	v3 =	vor.u32 v3, v4  }
0x459: {  	v4 =	vperm.xlane v3, v0;
	_ =	sdelay $0x1  }
0x45a: {  	v3 =	vperm.xlane v3, v2;
	v4 =	vadd.s32 v1, v4;
	_ =	sdelay $0x1  }
0x45b: {  	v3 =	vadd.s32 v1, v3;
	_ =	sdelay $0x1  }
0x45c: {  	s31 =	simm.s32 $0x7100  }
0x45d: {  	[tilespmem:s31], [sflag:$0x3] =	stream.indirect_vreg.gather [hbm4b:s1+s3], $0x80, v4, vm0, $0xb8;
	[tilespmem:$0x10100] =	vst v63  }
0x45e: {  	s31 =	simm.s32 $0x7900  }
0x45f: {  	[tilespmem:s31], [sflag:$0x3] =	stream.indirect_vreg.gather [hbm4b:s1+s3], $0x80, v3, vm0, $0xb8;
	[tilespmem:$0x10100] =	vst v63  }
0x460: {  	s28 =	simm.s32 $0x80;
	s18 =	rddreg [dreg:$0x19]  }
0x461: {  	[tilespmem:s28], [sflag:$0x2] =	stream.linear.gather [hbm4b:s18+s3], $0x80, $0x38;
	[tilespmem:$0x10100] =	vst v63  }
0x462: {  	_ =	swait.ge [sflag:s23], $0x8000  }
0x463: {  	[sflag:s23] =	ssyncset.done $0x0  }
0x464: {  	s31 =	rddreg [dreg:$0x1a];
	[sflag:s23] =	ssyncadd.s32 $0xFFFF8000  }
0x465: {  	[hbm4b:s31+s3] =	stream.linear.scatter [tilespmem:s6], [sflag:$0x5], $0x8000, $0x38;
	[tilespmem:$0x10100] =	vst v63  }
0x466: {  	_ =	swait.ge [sflag:s17], $0x8000  }
0x467: {  	[sflag:s17] =	ssyncset.done $0x0  }
0x468: {  	[sflag:s17] =	ssyncadd.s32 $0xFFFF8000  }
0x469: {  	_ =	swait.ge [sflag:s24], $0x80  }
0x46a: {  	[sflag:s24] =	ssyncset.done $0x0  }
0x46b: {  	[sflag:s24] =	ssyncadd.s32 $0xFFFFFF80  }
0x46c: {  	v3 =	vld [tilespmem:$0x80];
	_ =	sdelay $0x4  }
0x46d: {  	v24 =	vshll.u32 v3, $0x1  }
0x46e: {  	v3 =	vand.u32 $0x7, v3;
	v4 =	vand.u32 $0xFFFFFFF0, v24  }
0x46f: {  	v3 =	vor.u32 v3, v4  }
0x470: {  	v4 =	vperm.xlane v3, v0;
	_ =	sdelay $0x1  }
0x471: {  	v3 =	vperm.xlane v3, v2;
	v4 =	vadd.s32 v1, v4;
	_ =	sdelay $0x1  }
0x472: {  	v3 =	vadd.s32 v1, v3;
	_ =	sdelay $0x2  }
0x473: {  	[tilespmem:s25], [sflag:$0x4] =	stream.indirect_vreg.gather [hbm4b:s1+s3], $0x80, v4, vm0, $0xb8;
	[tilespmem:$0x10100] =	vst v63  }
0x474: {  	s10 =	simm.s32 $0x8900  }
0x475: {  	[tilespmem:s10], [sflag:$0x4] =	stream.indirect_vreg.gather [hbm4b:s1+s3], $0x80, v3, vm0, $0xb8;
	[tilespmem:$0x10100] =	vst v63  }
0x476: {  	v3 =	vld [tilespmem:$0x90];
	_ =	sdelay $0x4  }
0x477: {  	v25 =	vshll.u32 v3, $0x1  }
0x478: {  	v3 =	vand.u32 $0x7, v3;
	v4 =	vand.u32 $0xFFFFFFF0, v25  }
0x479: {  	v3 =	vor.u32 v3, v4  }
0x47a: {  	v4 =	vperm.xlane v3, v0;
	_ =	sdelay $0x1  }
0x47b: {  	v3 =	vperm.xlane v3, v2;
	v4 =	vadd.s32 v1, v4;
	_ =	sdelay $0x1  }
0x47c: {  	v3 =	vadd.s32 v1, v3;
	_ =	sdelay $0x1  }
0x47d: {  	s9 =	simm.s32 $0x9100  }
0x47e: {  	[tilespmem:s9], [sflag:$0x4] =	stream.indirect_vreg.gather [hbm4b:s1+s3], $0x80, v4, vm0, $0xb8;
	[tilespmem:$0x10100] =	vst v63  }
0x47f: {  	s29 =	simm.s32 $0x9900  }
0x480: {  	[tilespmem:s29], [sflag:$0x4] =	stream.indirect_vreg.gather [hbm4b:s1+s3], $0x80, v3, vm0, $0xb8;
	[tilespmem:$0x10100] =	vst v63  }
0x481: {  	v3 =	vld [tilespmem:$0xA0];
	_ =	sdelay $0x4  }
0x482: {  	v26 =	vshll.u32 v3, $0x1  }
0x483: {  	v3 =	vand.u32 $0x7, v3;
	v4 =	vand.u32 $0xFFFFFFF0, v26  }
0x484: {  	v3 =	vor.u32 v3, v4  }
0x485: {  	v4 =	vperm.xlane v3, v0;
	_ =	sdelay $0x1  }
0x486: {  	v3 =	vperm.xlane v3, v2;
	v4 =	vadd.s32 v1, v4;
	_ =	sdelay $0x1  }
0x487: {  	v3 =	vadd.s32 v1, v3;
	_ =	sdelay $0x1  }
0x488: {  	s22 =	simm.s32 $0xA100  }
0x489: {  	[tilespmem:s22], [sflag:$0x4] =	stream.indirect_vreg.gather [hbm4b:s1+s3], $0x80, v4, vm0, $0xb8;
	[tilespmem:$0x10100] =	vst v63  }
0x48a: {  	s0 =	simm.s32 $0xA900  }
0x48b: {  	[tilespmem:s0], [sflag:$0x4] =	stream.indirect_vreg.gather [hbm4b:s1+s3], $0x80, v3, vm0, $0xb8;
	[tilespmem:$0x10100] =	vst v63  }
0x48c: {  	v3 =	vld [tilespmem:$0xB0];
	_ =	sdelay $0x4  }
0x48d: {  	v27 =	vshll.u32 v3, $0x1  }
0x48e: {  	v3 =	vand.u32 $0x7, v3;
	v4 =	vand.u32 $0xFFFFFFF0, v27  }
0x48f: {  	v3 =	vor.u32 v3, v4  }
0x490: {  	v4 =	vperm.xlane v3, v0;
	_ =	sdelay $0x1  }
0x491: {  	v3 =	vperm.xlane v3, v2;
	v4 =	vadd.s32 v1, v4;
	_ =	sdelay $0x1  }
0x492: {  	v3 =	vadd.s32 v1, v3;
	_ =	sdelay $0x1  }
0x493: {  	s2 =	simm.s32 $0xB100  }
0x494: {  	[tilespmem:s2], [sflag:$0x4] =	stream.indirect_vreg.gather [hbm4b:s1+s3], $0x80, v4, vm0, $0xb8;
	[tilespmem:$0x10100] =	vst v63  }
0x495: {  	s26 =	simm.s32 $0xB900  }
0x496: {  	[tilespmem:s26], [sflag:$0x4] =	stream.indirect_vreg.gather [hbm4b:s1+s3], $0x80, v3, vm0, $0xb8;
	[tilespmem:$0x10100] =	vst v63  }
0x497: {  	v3 =	vld [tilespmem:$0xC0];
	_ =	sdelay $0x4  }
0x498: {  	v28 =	vshll.u32 v3, $0x1  }
0x499: {  	v3 =	vand.u32 $0x7, v3;
	v4 =	vand.u32 $0xFFFFFFF0, v28  }
0x49a: {  	v3 =	vor.u32 v3, v4  }
0x49b: {  	v4 =	vperm.xlane v3, v0;
	_ =	sdelay $0x1  }
0x49c: {  	v3 =	vperm.xlane v3, v2;
	v4 =	vadd.s32 v1, v4;
	_ =	sdelay $0x1  }
0x49d: {  	v3 =	vadd.s32 v1, v3;
	_ =	sdelay $0x1  }
0x49e: {  	s4 =	simm.s32 $0xC100  }
0x49f: {  	[tilespmem:s4], [sflag:$0x4] =	stream.indirect_vreg.gather [hbm4b:s1+s3], $0x80, v4, vm0, $0xb8;
	[tilespmem:$0x10100] =	vst v63  }
0x4a0: {  	s13 =	simm.s32 $0xC900  }
0x4a1: {  	[tilespmem:s13], [sflag:$0x4] =	stream.indirect_vreg.gather [hbm4b:s1+s3], $0x80, v3, vm0, $0xb8;
	[tilespmem:$0x10100] =	vst v63  }
0x4a2: {  	v3 =	vld [tilespmem:$0xD0];
	_ =	sdelay $0x4  }
0x4a3: {  	v29 =	vshll.u32 v3, $0x1  }
0x4a4: {  	v3 =	vand.u32 $0x7, v3;
	v4 =	vand.u32 $0xFFFFFFF0, v29  }
0x4a5: {  	v3 =	vor.u32 v3, v4  }
0x4a6: {  	v4 =	vperm.xlane v3, v0;
	_ =	sdelay $0x1  }
0x4a7: {  	v3 =	vperm.xlane v3, v2;
	v4 =	vadd.s32 v1, v4;
	_ =	sdelay $0x1  }
0x4a8: {  	v3 =	vadd.s32 v1, v3;
	_ =	sdelay $0x1  }
0x4a9: {  	s7 =	simm.s32 $0xD100  }
0x4aa: {  	[tilespmem:s7], [sflag:$0x4] =	stream.indirect_vreg.gather [hbm4b:s1+s3], $0x80, v4, vm0, $0xb8;
	[tilespmem:$0x10100] =	vst v63  }
0x4ab: {  	s14 =	simm.s32 $0xD900  }
0x4ac: {  	[tilespmem:s14], [sflag:$0x4] =	stream.indirect_vreg.gather [hbm4b:s1+s3], $0x80, v3, vm0, $0xb8;
	[tilespmem:$0x10100] =	vst v63  }
0x4ad: {  	v3 =	vld [tilespmem:$0xE0];
	_ =	sdelay $0x4  }
0x4ae: {  	v30 =	vshll.u32 v3, $0x1  }
0x4af: {  	v3 =	vand.u32 $0x7, v3;
	v4 =	vand.u32 $0xFFFFFFF0, v30  }
0x4b0: {  	v3 =	vor.u32 v3, v4  }
0x4b1: {  	v4 =	vperm.xlane v3, v0;
	_ =	sdelay $0x1  }
0x4b2: {  	v3 =	vperm.xlane v3, v2;
	v4 =	vadd.s32 v1, v4;
	_ =	sdelay $0x1  }
0x4b3: {  	v3 =	vadd.s32 v1, v3;
	_ =	sdelay $0x1  }
0x4b4: {  	s8 =	simm.s32 $0xE100  }
0x4b5: {  	[tilespmem:s8], [sflag:$0x4] =	stream.indirect_vreg.gather [hbm4b:s1+s3], $0x80, v4, vm0, $0xb8;
	[tilespmem:$0x10100] =	vst v63  }
0x4b6: {  	s11 =	simm.s32 $0xE900  }
0x4b7: {  	[tilespmem:s11], [sflag:$0x4] =	stream.indirect_vreg.gather [hbm4b:s1+s3], $0x80, v3, vm0, $0xb8;
	[tilespmem:$0x10100] =	vst v63  }
0x4b8: {  	v3 =	vld [tilespmem:$0xF0];
	_ =	sdelay $0x4  }
0x4b9: {  	v31 =	vshll.u32 v3, $0x1  }
0x4ba: {  	v3 =	vand.u32 $0x7, v3;
	v4 =	vand.u32 $0xFFFFFFF0, v31  }
0x4bb: {  	v3 =	vor.u32 v3, v4  }
0x4bc: {  	v4 =	vperm.xlane v3, v0;
	_ =	sdelay $0x1  }
0x4bd: {  	v3 =	vperm.xlane v3, v2;
	v4 =	vadd.s32 v1, v4;
	_ =	sdelay $0x1  }
0x4be: {  	v3 =	vadd.s32 v1, v3;
	_ =	sdelay $0x1  }
0x4bf: {  	s12 =	simm.s32 $0xF100  }
0x4c0: {  	[tilespmem:s12], [sflag:$0x4] =	stream.indirect_vreg.gather [hbm4b:s1+s3], $0x80, v4, vm0, $0xb8;
	[tilespmem:$0x10100] =	vst v63  }
0x4c1: {  	s19 =	simm.s32 $0xF900  }
0x4c2: {  	[tilespmem:s19], [sflag:$0x4] =	stream.indirect_vreg.gather [hbm4b:s1+s3], $0x80, v3, vm0, $0xb8;
	[tilespmem:$0x10100] =	vst v63  }
0x4c3: {  	s14 =	rddreg [dreg:$0x1b]  }
0x4c4: {  	[tilespmem:s3], [sflag:$0x1] =	stream.linear.gather [hbm4b:s14+s3], $0x80, $0x38;
	[tilespmem:$0x10100] =	vst v63  }
0x4c5: {  	_ =	swait.ge [sflag:s15], $0x8000  }
0x4c6: {  	[sflag:s15] =	ssyncset.done $0x0  }
0x4c7: {  	s14 =	rddreg [dreg:$0x1c];
	[sflag:s15] =	ssyncadd.s32 $0xFFFF8000  }
0x4c8: {  	[hbm4b:s14+s3] =	stream.linear.scatter [tilespmem:s25], [sflag:$0x6], $0x8000, $0x38;
	[tilespmem:$0x10100] =	vst v63  }
0x4c9: {  	_ =	swait.ge [sflag:s16], $0x8000  }
0x4ca: {  	[sflag:s16] =	ssyncset.done $0x0  }
0x4cb: {  	[sflag:s16] =	ssyncadd.s32 $0xFFFF8000  }
0x4cc: {  	_ =	swait.ge [sflag:s5], $0x80  }
0x4cd: {  	[sflag:s5] =	ssyncset.done $0x0  }
0x4ce: {  	[sflag:s5] =	ssyncadd.s32 $0xFFFFFF80  }
0x4cf: {  	v3 =	vld [tilespmem:$0x0];
	_ =	sdelay $0x4  }
0x4d0: {  	v32 =	vshll.u32 v3, $0x1  }
0x4d1: {  	v3 =	vand.u32 $0x7, v3;
	v4 =	vand.u32 $0xFFFFFFF0, v32  }
0x4d2: {  	v3 =	vor.u32 v3, v4  }
0x4d3: {  	v4 =	vperm.xlane v3, v0;
	_ =	sdelay $0x1  }
0x4d4: {  	v3 =	vperm.xlane v3, v2;
	v4 =	vadd.s32 v1, v4;
	_ =	sdelay $0x1  }
0x4d5: {  	v3 =	vadd.s32 v1, v3;
	_ =	sdelay $0x2  }
0x4d6: {  	[tilespmem:s6], [sflag:$0x3] =	stream.indirect_vreg.gather [hbm4b:s1+s3], $0x80, v4, vm0, $0xb8;
	[tilespmem:$0x10100] =	vst v63  }
0x4d7: {  	s18 =	simm.s32 $0x900  }
0x4d8: {  	[tilespmem:s18], [sflag:$0x3] =	stream.indirect_vreg.gather [hbm4b:s1+s3], $0x80, v3, vm0, $0xb8;
	[tilespmem:$0x10100] =	vst v63  }
0x4d9: {  	v3 =	vld [tilespmem:$0x10];
	_ =	sdelay $0x4  }
0x4da: {  	v33 =	vshll.u32 v3, $0x1  }
0x4db: {  	v3 =	vand.u32 $0x7, v3;
	v4 =	vand.u32 $0xFFFFFFF0, v33  }
0x4dc: {  	v3 =	vor.u32 v3, v4  }
0x4dd: {  	v4 =	vperm.xlane v3, v0;
	_ =	sdelay $0x1  }
0x4de: {  	v3 =	vperm.xlane v3, v2;
	v4 =	vadd.s32 v1, v4;
	_ =	sdelay $0x1  }
0x4df: {  	v3 =	vadd.s32 v1, v3;
	_ =	sdelay $0x1  }
0x4e0: {  	s21 =	simm.s32 $0x1100  }
0x4e1: {  	[tilespmem:s21], [sflag:$0x3] =	stream.indirect_vreg.gather [hbm4b:s1+s3], $0x80, v4, vm0, $0xb8;
	[tilespmem:$0x10100] =	vst v63  }
0x4e2: {  	s19 =	simm.s32 $0x1900  }
0x4e3: {  	[tilespmem:s19], [sflag:$0x3] =	stream.indirect_vreg.gather [hbm4b:s1+s3], $0x80, v3, vm0, $0xb8;
	[tilespmem:$0x10100] =	vst v63  }
0x4e4: {  	v3 =	vld [tilespmem:$0x20];
	_ =	sdelay $0x4  }
0x4e5: {  	v34 =	vshll.u32 v3, $0x1  }
0x4e6: {  	v3 =	vand.u32 $0x7, v3;
	v4 =	vand.u32 $0xFFFFFFF0, v34  }
0x4e7: {  	v3 =	vor.u32 v3, v4  }
0x4e8: {  	v4 =	vperm.xlane v3, v0;
	_ =	sdelay $0x1  }
0x4e9: {  	v3 =	vperm.xlane v3, v2;
	v4 =	vadd.s32 v1, v4;
	_ =	sdelay $0x1  }
0x4ea: {  	v3 =	vadd.s32 v1, v3;
	_ =	sdelay $0x1  }
0x4eb: {  	s21 =	simm.s32 $0x2100  }
0x4ec: {  	[tilespmem:s21], [sflag:$0x3] =	stream.indirect_vreg.gather [hbm4b:s1+s3], $0x80, v4, vm0, $0xb8;
	[tilespmem:$0x10100] =	vst v63  }
0x4ed: {  	s19 =	simm.s32 $0x2900  }
0x4ee: {  	[tilespmem:s19], [sflag:$0x3] =	stream.indirect_vreg.gather [hbm4b:s1+s3], $0x80, v3, vm0, $0xb8;
	[tilespmem:$0x10100] =	vst v63  }
0x4ef: {  	v3 =	vld [tilespmem:$0x30];
	_ =	sdelay $0x4  }
0x4f0: {  	v35 =	vshll.u32 v3, $0x1  }
0x4f1: {  	v3 =	vand.u32 $0x7, v3;
	v4 =	vand.u32 $0xFFFFFFF0, v35  }
0x4f2: {  	v3 =	vor.u32 v3, v4  }
0x4f3: {  	v4 =	vperm.xlane v3, v0;
	_ =	sdelay $0x1  }
0x4f4: {  	v3 =	vperm.xlane v3, v2;
	v4 =	vadd.s32 v1, v4;
	_ =	sdelay $0x1  }
0x4f5: {  	v3 =	vadd.s32 v1, v3;
	_ =	sdelay $0x1  }
0x4f6: {  	s21 =	simm.s32 $0x3100  }
0x4f7: {  	[tilespmem:s21], [sflag:$0x3] =	stream.indirect_vreg.gather [hbm4b:s1+s3], $0x80, v4, vm0, $0xb8;
	[tilespmem:$0x10100] =	vst v63  }
0x4f8: {  	s20 =	simm.s32 $0x3900  }
0x4f9: {  	[tilespmem:s20], [sflag:$0x3] =	stream.indirect_vreg.gather [hbm4b:s1+s3], $0x80, v3, vm0, $0xb8;
	[tilespmem:$0x10100] =	vst v63  }
0x4fa: {  	v3 =	vld [tilespmem:$0x40];
	_ =	sdelay $0x4  }
0x4fb: {  	v36 =	vshll.u32 v3, $0x1  }
0x4fc: {  	v3 =	vand.u32 $0x7, v3;
	v4 =	vand.u32 $0xFFFFFFF0, v36  }
0x4fd: {  	v3 =	vor.u32 v3, v4  }
0x4fe: {  	v4 =	vperm.xlane v3, v0;
	_ =	sdelay $0x1  }
0x4ff: {  	v3 =	vperm.xlane v3, v2;
	v4 =	vadd.s32 v1, v4;
	_ =	sdelay $0x1  }
0x500: {  	v3 =	vadd.s32 v1, v3;
	_ =	sdelay $0x1  }
0x501: {  	s30 =	simm.s32 $0x4100  }
0x502: {  	[tilespmem:s30], [sflag:$0x3] =	stream.indirect_vreg.gather [hbm4b:s1+s3], $0x80, v4, vm0, $0xb8;
	[tilespmem:$0x10100] =	vst v63  }
0x503: {  	s30 =	simm.s32 $0x4900  }
0x504: {  	[tilespmem:s30], [sflag:$0x3] =	stream.indirect_vreg.gather [hbm4b:s1+s3], $0x80, v3, vm0, $0xb8;
	[tilespmem:$0x10100] =	vst v63  }
0x505: {  	v3 =	vld [tilespmem:$0x50];
	_ =	sdelay $0x4  }
0x506: {  	v37 =	vshll.u32 v3, $0x1  }
0x507: {  	v3 =	vand.u32 $0x7, v3;
	v4 =	vand.u32 $0xFFFFFFF0, v37  }
0x508: {  	v3 =	vor.u32 v3, v4  }
0x509: {  	v4 =	vperm.xlane v3, v0;
	_ =	sdelay $0x1  }
0x50a: {  	v3 =	vperm.xlane v3, v2;
	v4 =	vadd.s32 v1, v4;
	_ =	sdelay $0x1  }
0x50b: {  	v3 =	vadd.s32 v1, v3;
	_ =	sdelay $0x1  }
0x50c: {  	s21 =	simm.s32 $0x5100  }
0x50d: {  	[tilespmem:s21], [sflag:$0x3] =	stream.indirect_vreg.gather [hbm4b:s1+s3], $0x80, v4, vm0, $0xb8;
	[tilespmem:$0x10100] =	vst v63  }
0x50e: {  	s30 =	simm.s32 $0x5900  }
0x50f: {  	[tilespmem:s30], [sflag:$0x3] =	stream.indirect_vreg.gather [hbm4b:s1+s3], $0x80, v3, vm0, $0xb8;
	[tilespmem:$0x10100] =	vst v63  }
0x510: {  	v3 =	vld [tilespmem:$0x60];
	_ =	sdelay $0x4  }
0x511: {  	v38 =	vshll.u32 v3, $0x1  }
0x512: {  	v3 =	vand.u32 $0x7, v3;
	v4 =	vand.u32 $0xFFFFFFF0, v38  }
0x513: {  	v3 =	vor.u32 v3, v4  }
0x514: {  	v4 =	vperm.xlane v3, v0;
	_ =	sdelay $0x1  }
0x515: {  	v3 =	vperm.xlane v3, v2;
	v4 =	vadd.s32 v1, v4;
	_ =	sdelay $0x1  }
0x516: {  	v3 =	vadd.s32 v1, v3;
	_ =	sdelay $0x1  }
0x517: {  	s21 =	simm.s32 $0x6100  }
0x518: {  	[tilespmem:s21], [sflag:$0x3] =	stream.indirect_vreg.gather [hbm4b:s1+s3], $0x80, v4, vm0, $0xb8;
	[tilespmem:$0x10100] =	vst v63  }
0x519: {  	s30 =	simm.s32 $0x6900  }
0x51a: {  	[tilespmem:s30], [sflag:$0x3] =	stream.indirect_vreg.gather [hbm4b:s1+s3], $0x80, v3, vm0, $0xb8;
	[tilespmem:$0x10100] =	vst v63  }
0x51b: {  	v3 =	vld [tilespmem:$0x70];
	_ =	sdelay $0x4  }
0x51c: {  	v39 =	vshll.u32 v3, $0x1  }
0x51d: {  	v3 =	vand.u32 $0x7, v3;
	v4 =	vand.u32 $0xFFFFFFF0, v39  }
0x51e: {  	v3 =	vor.u32 v3, v4  }
0x51f: {  	v4 =	vperm.xlane v3, v0;
	_ =	sdelay $0x1  }
0x520: {  	v3 =	vperm.xlane v3, v2;
	v4 =	vadd.s32 v1, v4;
	_ =	sdelay $0x1  }
0x521: {  	v3 =	vadd.s32 v1, v3;
	_ =	sdelay $0x1  }
0x522: {  	s21 =	simm.s32 $0x7100  }
0x523: {  	[tilespmem:s21], [sflag:$0x3] =	stream.indirect_vreg.gather [hbm4b:s1+s3], $0x80, v4, vm0, $0xb8;
	[tilespmem:$0x10100] =	vst v63  }
0x524: {  	s30 =	simm.s32 $0x7900  }
0x525: {  	[tilespmem:s30], [sflag:$0x3] =	stream.indirect_vreg.gather [hbm4b:s1+s3], $0x80, v3, vm0, $0xb8;
	[tilespmem:$0x10100] =	vst v63  }
0x526: {  	s28 =	simm.s32 $0x80;
	s18 =	rddreg [dreg:$0x1d]  }
0x527: {  	[tilespmem:s28], [sflag:$0x2] =	stream.linear.gather [hbm4b:s18+s3], $0x80, $0x38;
	[tilespmem:$0x10100] =	vst v63  }
0x528: {  	_ =	swait.ge [sflag:s23], $0x8000  }
0x529: {  	[sflag:s23] =	ssyncset.done $0x0  }
0x52a: {  	s30 =	rddreg [dreg:$0x1e];
	[sflag:s23] =	ssyncadd.s32 $0xFFFF8000  }
0x52b: {  	[hbm4b:s30+s3] =	stream.linear.scatter [tilespmem:s6], [sflag:$0x5], $0x8000, $0x38;
	[tilespmem:$0x10100] =	vst v63  }
0x52c: {  	_ =	swait.ge [sflag:s17], $0x8000  }
0x52d: {  	[sflag:s17] =	ssyncset.done $0x0  }
0x52e: {  	[sflag:s17] =	ssyncadd.s32 $0xFFFF8000  }
0x52f: {  	_ =	swait.ge [sflag:s24], $0x80  }
0x530: {  	[sflag:s24] =	ssyncset.done $0x0  }
0x531: {  	[sflag:s24] =	ssyncadd.s32 $0xFFFFFF80  }
0x532: {  	v3 =	vld [tilespmem:$0x80];
	_ =	sdelay $0x4  }
0x533: {  	v40 =	vshll.u32 v3, $0x1  }
0x534: {  	v3 =	vand.u32 $0x7, v3;
	v4 =	vand.u32 $0xFFFFFFF0, v40  }
0x535: {  	v3 =	vor.u32 v3, v4  }
0x536: {  	v4 =	vperm.xlane v3, v0;
	_ =	sdelay $0x1  }
0x537: {  	v3 =	vperm.xlane v3, v2;
	v4 =	vadd.s32 v1, v4;
	_ =	sdelay $0x1  }
0x538: {  	v3 =	vadd.s32 v1, v3;
	_ =	sdelay $0x2  }
0x539: {  	[tilespmem:s25], [sflag:$0x4] =	stream.indirect_vreg.gather [hbm4b:s1+s3], $0x80, v4, vm0, $0xb8;
	[tilespmem:$0x10100] =	vst v63  }
0x53a: {  	s10 =	simm.s32 $0x8900  }
0x53b: {  	[tilespmem:s10], [sflag:$0x4] =	stream.indirect_vreg.gather [hbm4b:s1+s3], $0x80, v3, vm0, $0xb8;
	[tilespmem:$0x10100] =	vst v63  }
0x53c: {  	v3 =	vld [tilespmem:$0x90];
	_ =	sdelay $0x4  }
0x53d: {  	v41 =	vshll.u32 v3, $0x1  }
0x53e: {  	v3 =	vand.u32 $0x7, v3;
	v4 =	vand.u32 $0xFFFFFFF0, v41  }
0x53f: {  	v3 =	vor.u32 v3, v4  }
0x540: {  	v4 =	vperm.xlane v3, v0;
	_ =	sdelay $0x1  }
0x541: {  	v3 =	vperm.xlane v3, v2;
	v4 =	vadd.s32 v1, v4;
	_ =	sdelay $0x1  }
0x542: {  	v3 =	vadd.s32 v1, v3;
	_ =	sdelay $0x1  }
0x543: {  	s9 =	simm.s32 $0x9100  }
0x544: {  	[tilespmem:s9], [sflag:$0x4] =	stream.indirect_vreg.gather [hbm4b:s1+s3], $0x80, v4, vm0, $0xb8;
	[tilespmem:$0x10100] =	vst v63  }
0x545: {  	s31 =	simm.s32 $0x9900  }
0x546: {  	[tilespmem:s31], [sflag:$0x4] =	stream.indirect_vreg.gather [hbm4b:s1+s3], $0x80, v3, vm0, $0xb8;
	[tilespmem:$0x10100] =	vst v63  }
0x547: {  	v3 =	vld [tilespmem:$0xA0];
	_ =	sdelay $0x4  }
0x548: {  	v42 =	vshll.u32 v3, $0x1  }
0x549: {  	v3 =	vand.u32 $0x7, v3;
	v4 =	vand.u32 $0xFFFFFFF0, v42  }
0x54a: {  	v3 =	vor.u32 v3, v4  }
0x54b: {  	v4 =	vperm.xlane v3, v0;
	_ =	sdelay $0x1  }
0x54c: {  	v3 =	vperm.xlane v3, v2;
	v4 =	vadd.s32 v1, v4;
	_ =	sdelay $0x1  }
0x54d: {  	v3 =	vadd.s32 v1, v3;
	_ =	sdelay $0x1  }
0x54e: {  	s29 =	simm.s32 $0xA100  }
0x54f: {  	[tilespmem:s29], [sflag:$0x4] =	stream.indirect_vreg.gather [hbm4b:s1+s3], $0x80, v4, vm0, $0xb8;
	[tilespmem:$0x10100] =	vst v63  }
0x550: {  	s0 =	simm.s32 $0xA900  }
0x551: {  	[tilespmem:s0], [sflag:$0x4] =	stream.indirect_vreg.gather [hbm4b:s1+s3], $0x80, v3, vm0, $0xb8;
	[tilespmem:$0x10100] =	vst v63  }
0x552: {  	v3 =	vld [tilespmem:$0xB0];
	_ =	sdelay $0x4  }
0x553: {  	v43 =	vshll.u32 v3, $0x1  }
0x554: {  	v3 =	vand.u32 $0x7, v3;
	v4 =	vand.u32 $0xFFFFFFF0, v43  }
0x555: {  	v3 =	vor.u32 v3, v4  }
0x556: {  	v4 =	vperm.xlane v3, v0;
	_ =	sdelay $0x1  }
0x557: {  	v3 =	vperm.xlane v3, v2;
	v4 =	vadd.s32 v1, v4;
	_ =	sdelay $0x1  }
0x558: {  	v3 =	vadd.s32 v1, v3;
	_ =	sdelay $0x1  }
0x559: {  	s2 =	simm.s32 $0xB100  }
0x55a: {  	[tilespmem:s2], [sflag:$0x4] =	stream.indirect_vreg.gather [hbm4b:s1+s3], $0x80, v4, vm0, $0xb8;
	[tilespmem:$0x10100] =	vst v63  }
0x55b: {  	s22 =	simm.s32 $0xB900  }
0x55c: {  	[tilespmem:s22], [sflag:$0x4] =	stream.indirect_vreg.gather [hbm4b:s1+s3], $0x80, v3, vm0, $0xb8;
	[tilespmem:$0x10100] =	vst v63  }
0x55d: {  	v3 =	vld [tilespmem:$0xC0];
	_ =	sdelay $0x4  }
0x55e: {  	v44 =	vshll.u32 v3, $0x1  }
0x55f: {  	v3 =	vand.u32 $0x7, v3;
	v4 =	vand.u32 $0xFFFFFFF0, v44  }
0x560: {  	v3 =	vor.u32 v3, v4  }
0x561: {  	v4 =	vperm.xlane v3, v0;
	_ =	sdelay $0x1  }
0x562: {  	v3 =	vperm.xlane v3, v2;
	v4 =	vadd.s32 v1, v4;
	_ =	sdelay $0x1  }
0x563: {  	v3 =	vadd.s32 v1, v3;
	_ =	sdelay $0x1  }
0x564: {  	s4 =	simm.s32 $0xC100  }
0x565: {  	[tilespmem:s4], [sflag:$0x4] =	stream.indirect_vreg.gather [hbm4b:s1+s3], $0x80, v4, vm0, $0xb8;
	[tilespmem:$0x10100] =	vst v63  }
0x566: {  	s26 =	simm.s32 $0xC900  }
0x567: {  	[tilespmem:s26], [sflag:$0x4] =	stream.indirect_vreg.gather [hbm4b:s1+s3], $0x80, v3, vm0, $0xb8;
	[tilespmem:$0x10100] =	vst v63  }
0x568: {  	v3 =	vld [tilespmem:$0xD0];
	_ =	sdelay $0x4  }
0x569: {  	v45 =	vshll.u32 v3, $0x1  }
0x56a: {  	v3 =	vand.u32 $0x7, v3;
	v4 =	vand.u32 $0xFFFFFFF0, v45  }
0x56b: {  	v3 =	vor.u32 v3, v4  }
0x56c: {  	v4 =	vperm.xlane v3, v0;
	_ =	sdelay $0x1  }
0x56d: {  	v3 =	vperm.xlane v3, v2;
	v4 =	vadd.s32 v1, v4;
	_ =	sdelay $0x1  }
0x56e: {  	v3 =	vadd.s32 v1, v3;
	_ =	sdelay $0x1  }
0x56f: {  	s7 =	simm.s32 $0xD100  }
0x570: {  	[tilespmem:s7], [sflag:$0x4] =	stream.indirect_vreg.gather [hbm4b:s1+s3], $0x80, v4, vm0, $0xb8;
	[tilespmem:$0x10100] =	vst v63  }
0x571: {  	s13 =	simm.s32 $0xD900  }
0x572: {  	[tilespmem:s13], [sflag:$0x4] =	stream.indirect_vreg.gather [hbm4b:s1+s3], $0x80, v3, vm0, $0xb8;
	[tilespmem:$0x10100] =	vst v63  }
0x573: {  	v3 =	vld [tilespmem:$0xE0];
	_ =	sdelay $0x4  }
0x574: {  	v46 =	vshll.u32 v3, $0x1  }
0x575: {  	v3 =	vand.u32 $0x7, v3;
	v4 =	vand.u32 $0xFFFFFFF0, v46  }
0x576: {  	v3 =	vor.u32 v3, v4  }
0x577: {  	v4 =	vperm.xlane v3, v0;
	_ =	sdelay $0x1  }
0x578: {  	v3 =	vperm.xlane v3, v2;
	v4 =	vadd.s32 v1, v4;
	_ =	sdelay $0x1  }
0x579: {  	v3 =	vadd.s32 v1, v3;
	_ =	sdelay $0x1  }
0x57a: {  	s8 =	simm.s32 $0xE100  }
0x57b: {  	[tilespmem:s8], [sflag:$0x4] =	stream.indirect_vreg.gather [hbm4b:s1+s3], $0x80, v4, vm0, $0xb8;
	[tilespmem:$0x10100] =	vst v63  }
0x57c: {  	s11 =	simm.s32 $0xE900  }
0x57d: {  	[tilespmem:s11], [sflag:$0x4] =	stream.indirect_vreg.gather [hbm4b:s1+s3], $0x80, v3, vm0, $0xb8;
	[tilespmem:$0x10100] =	vst v63  }
0x57e: {  	v3 =	vld [tilespmem:$0xF0];
	_ =	sdelay $0x4  }
0x57f: {  	v47 =	vshll.u32 v3, $0x1  }
0x580: {  	v3 =	vand.u32 $0x7, v3;
	v4 =	vand.u32 $0xFFFFFFF0, v47  }
0x581: {  	v3 =	vor.u32 v3, v4  }
0x582: {  	v4 =	vperm.xlane v3, v0;
	_ =	sdelay $0x1  }
0x583: {  	v3 =	vperm.xlane v3, v2;
	v4 =	vadd.s32 v1, v4;
	_ =	sdelay $0x1  }
0x584: {  	v3 =	vadd.s32 v1, v3;
	_ =	sdelay $0x1  }
0x585: {  	s12 =	simm.s32 $0xF100  }
0x586: {  	[tilespmem:s12], [sflag:$0x4] =	stream.indirect_vreg.gather [hbm4b:s1+s3], $0x80, v4, vm0, $0xb8;
	[tilespmem:$0x10100] =	vst v63  }
0x587: {  	s13 =	simm.s32 $0xF900  }
0x588: {  	[tilespmem:s13], [sflag:$0x4] =	stream.indirect_vreg.gather [hbm4b:s1+s3], $0x80, v3, vm0, $0xb8;
	[tilespmem:$0x10100] =	vst v63  }
0x589: {  	s18 =	rddreg [dreg:$0x1f]  }
0x58a: {  	[tilespmem:s3], [sflag:$0x1] =	stream.linear.gather [hbm4b:s18+s3], $0x80, $0x38;
	[tilespmem:$0x10100] =	vst v63  }
0x58b: {  	_ =	swait.ge [sflag:s15], $0x8000  }
0x58c: {  	s13 =	sld [smem:$0x7FA]  }
0x58d: {  	[sflag:s15] =	ssyncset.done $0x0  }
0x58e: {  	[sflag:s15] =	ssyncadd.s32 $0xFFFF8000  }
0x58f: {  	[hbm4b:s13+s3] =	stream.linear.scatter [tilespmem:s25], [sflag:$0x6], $0x8000, $0x38;
	[tilespmem:$0x10100] =	vst v63  }
0x590: {  	_ =	swait.ge [sflag:s16], $0x8000  }
0x591: {  	[sflag:s16] =	ssyncset.done $0x0  }
0x592: {  	[sflag:s16] =	ssyncadd.s32 $0xFFFF8000  }
0x593: {  	_ =	swait.ge [sflag:s5], $0x80  }
0x594: {  	[sflag:s5] =	ssyncset.done $0x0  }
0x595: {  	[sflag:s5] =	ssyncadd.s32 $0xFFFFFF80  }
0x596: {  	v3 =	vld [tilespmem:$0x0];
	_ =	sdelay $0x4  }
0x597: {  	v48 =	vshll.u32 v3, $0x1  }
0x598: {  	v3 =	vand.u32 $0x7, v3;
	v4 =	vand.u32 $0xFFFFFFF0, v48  }
0x599: {  	v3 =	vor.u32 v3, v4  }
0x59a: {  	v4 =	vperm.xlane v3, v0;
	_ =	sdelay $0x1  }
0x59b: {  	v3 =	vperm.xlane v3, v2;
	v4 =	vadd.s32 v1, v4;
	_ =	sdelay $0x1  }
0x59c: {  	v3 =	vadd.s32 v1, v3;
	_ =	sdelay $0x2  }
0x59d: {  	[tilespmem:s6], [sflag:$0x3] =	stream.indirect_vreg.gather [hbm4b:s1+s3], $0x80, v4, vm0, $0xb8;
	[tilespmem:$0x10100] =	vst v63  }
0x59e: {  	s18 =	simm.s32 $0x900  }
0x59f: {  	[tilespmem:s18], [sflag:$0x3] =	stream.indirect_vreg.gather [hbm4b:s1+s3], $0x80, v3, vm0, $0xb8;
	[tilespmem:$0x10100] =	vst v63  }
0x5a0: {  	v3 =	vld [tilespmem:$0x10];
	_ =	sdelay $0x4  }
0x5a1: {  	v49 =	vshll.u32 v3, $0x1  }
0x5a2: {  	v3 =	vand.u32 $0x7, v3;
	v4 =	vand.u32 $0xFFFFFFF0, v49  }
0x5a3: {  	v3 =	vor.u32 v3, v4  }
0x5a4: {  	v4 =	vperm.xlane v3, v0;
	_ =	sdelay $0x1  }
0x5a5: {  	v3 =	vperm.xlane v3, v2;
	v4 =	vadd.s32 v1, v4;
	_ =	sdelay $0x1  }
0x5a6: {  	v3 =	vadd.s32 v1, v3;
	_ =	sdelay $0x1  }
0x5a7: {  	s14 =	simm.s32 $0x1100  }
0x5a8: {  	[tilespmem:s14], [sflag:$0x3] =	stream.indirect_vreg.gather [hbm4b:s1+s3], $0x80, v4, vm0, $0xb8;
	[tilespmem:$0x10100] =	vst v63  }
0x5a9: {  	s14 =	simm.s32 $0x1900  }
0x5aa: {  	[tilespmem:s14], [sflag:$0x3] =	stream.indirect_vreg.gather [hbm4b:s1+s3], $0x80, v3, vm0, $0xb8;
	[tilespmem:$0x10100] =	vst v63  }
0x5ab: {  	v3 =	vld [tilespmem:$0x20];
	_ =	sdelay $0x4  }
0x5ac: {  	v50 =	vshll.u32 v3, $0x1  }
0x5ad: {  	v3 =	vand.u32 $0x7, v3;
	v4 =	vand.u32 $0xFFFFFFF0, v50  }
0x5ae: {  	v3 =	vor.u32 v3, v4  }
0x5af: {  	v4 =	vperm.xlane v3, v0;
	_ =	sdelay $0x1  }
0x5b0: {  	v3 =	vperm.xlane v3, v2;
	v4 =	vadd.s32 v1, v4;
	_ =	sdelay $0x1  }
0x5b1: {  	v3 =	vadd.s32 v1, v3;
	_ =	sdelay $0x1  }
0x5b2: {  	s18 =	simm.s32 $0x2100  }
0x5b3: {  	[tilespmem:s18], [sflag:$0x3] =	stream.indirect_vreg.gather [hbm4b:s1+s3], $0x80, v4, vm0, $0xb8;
	[tilespmem:$0x10100] =	vst v63  }
0x5b4: {  	s14 =	simm.s32 $0x2900  }
0x5b5: {  	[tilespmem:s14], [sflag:$0x3] =	stream.indirect_vreg.gather [hbm4b:s1+s3], $0x80, v3, vm0, $0xb8;
	[tilespmem:$0x10100] =	vst v63  }
0x5b6: {  	v3 =	vld [tilespmem:$0x30];
	_ =	sdelay $0x4  }
0x5b7: {  	v51 =	vshll.u32 v3, $0x1  }
0x5b8: {  	v3 =	vand.u32 $0x7, v3;
	v4 =	vand.u32 $0xFFFFFFF0, v51  }
0x5b9: {  	v3 =	vor.u32 v3, v4  }
0x5ba: {  	v4 =	vperm.xlane v3, v0;
	_ =	sdelay $0x1  }
0x5bb: {  	v3 =	vperm.xlane v3, v2;
	v4 =	vadd.s32 v1, v4;
	_ =	sdelay $0x1  }
0x5bc: {  	v3 =	vadd.s32 v1, v3;
	_ =	sdelay $0x1  }
0x5bd: {  	s18 =	simm.s32 $0x3100  }
0x5be: {  	[tilespmem:s18], [sflag:$0x3] =	stream.indirect_vreg.gather [hbm4b:s1+s3], $0x80, v4, vm0, $0xb8;
	[tilespmem:$0x10100] =	vst v63  }
0x5bf: {  	s19 =	simm.s32 $0x3900  }
0x5c0: {  	[tilespmem:s19], [sflag:$0x3] =	stream.indirect_vreg.gather [hbm4b:s1+s3], $0x80, v3, vm0, $0xb8;
	[tilespmem:$0x10100] =	vst v63  }
0x5c1: {  	v3 =	vld [tilespmem:$0x40];
	_ =	sdelay $0x4  }
0x5c2: {  	v52 =	vshll.u32 v3, $0x1  }
0x5c3: {  	v3 =	vand.u32 $0x7, v3;
	v4 =	vand.u32 $0xFFFFFFF0, v52  }
0x5c4: {  	v3 =	vor.u32 v3, v4  }
0x5c5: {  	v4 =	vperm.xlane v3, v0;
	_ =	sdelay $0x1  }
0x5c6: {  	v3 =	vperm.xlane v3, v2;
	v4 =	vadd.s32 v1, v4;
	_ =	sdelay $0x1  }
0x5c7: {  	v3 =	vadd.s32 v1, v3;
	_ =	sdelay $0x1  }
0x5c8: {  	s20 =	simm.s32 $0x4100  }
0x5c9: {  	[tilespmem:s20], [sflag:$0x3] =	stream.indirect_vreg.gather [hbm4b:s1+s3], $0x80, v4, vm0, $0xb8;
	[tilespmem:$0x10100] =	vst v63  }
0x5ca: {  	s14 =	simm.s32 $0x4900  }
0x5cb: {  	[tilespmem:s14], [sflag:$0x3] =	stream.indirect_vreg.gather [hbm4b:s1+s3], $0x80, v3, vm0, $0xb8;
	[tilespmem:$0x10100] =	vst v63  }
0x5cc: {  	v3 =	vld [tilespmem:$0x50];
	_ =	sdelay $0x4  }
0x5cd: {  	v53 =	vshll.u32 v3, $0x1  }
0x5ce: {  	v3 =	vand.u32 $0x7, v3;
	v4 =	vand.u32 $0xFFFFFFF0, v53  }
0x5cf: {  	v3 =	vor.u32 v3, v4  }
0x5d0: {  	v4 =	vperm.xlane v3, v0;
	_ =	sdelay $0x1  }
0x5d1: {  	v3 =	vperm.xlane v3, v2;
	v4 =	vadd.s32 v1, v4;
	_ =	sdelay $0x1  }
0x5d2: {  	v3 =	vadd.s32 v1, v3;
	_ =	sdelay $0x1  }
0x5d3: {  	s18 =	simm.s32 $0x5100  }
0x5d4: {  	[tilespmem:s18], [sflag:$0x3] =	stream.indirect_vreg.gather [hbm4b:s1+s3], $0x80, v4, vm0, $0xb8;
	[tilespmem:$0x10100] =	vst v63  }
0x5d5: {  	s19 =	simm.s32 $0x5900  }
0x5d6: {  	[tilespmem:s19], [sflag:$0x3] =	stream.indirect_vreg.gather [hbm4b:s1+s3], $0x80, v3, vm0, $0xb8;
	[tilespmem:$0x10100] =	vst v63  }
0x5d7: {  	v3 =	vld [tilespmem:$0x60];
	_ =	sdelay $0x4  }
0x5d8: {  	v54 =	vshll.u32 v3, $0x1  }
0x5d9: {  	v3 =	vand.u32 $0x7, v3;
	v4 =	vand.u32 $0xFFFFFFF0, v54  }
0x5da: {  	v3 =	vor.u32 v3, v4  }
0x5db: {  	v4 =	vperm.xlane v3, v0;
	_ =	sdelay $0x1  }
0x5dc: {  	v3 =	vperm.xlane v3, v2;
	v4 =	vadd.s32 v1, v4;
	_ =	sdelay $0x1  }
0x5dd: {  	v3 =	vadd.s32 v1, v3;
	_ =	sdelay $0x1  }
0x5de: {  	s20 =	simm.s32 $0x6100  }
0x5df: {  	[tilespmem:s20], [sflag:$0x3] =	stream.indirect_vreg.gather [hbm4b:s1+s3], $0x80, v4, vm0, $0xb8;
	[tilespmem:$0x10100] =	vst v63  }
0x5e0: {  	s14 =	simm.s32 $0x6900  }
0x5e1: {  	[tilespmem:s14], [sflag:$0x3] =	stream.indirect_vreg.gather [hbm4b:s1+s3], $0x80, v3, vm0, $0xb8;
	[tilespmem:$0x10100] =	vst v63  }
0x5e2: {  	v3 =	vld [tilespmem:$0x70];
	_ =	sdelay $0x4  }
0x5e3: {  	v55 =	vshll.u32 v3, $0x1  }
0x5e4: {  	v3 =	vand.u32 $0x7, v3;
	v4 =	vand.u32 $0xFFFFFFF0, v55  }
0x5e5: {  	v3 =	vor.u32 v3, v4  }
0x5e6: {  	v4 =	vperm.xlane v3, v0;
	_ =	sdelay $0x1  }
0x5e7: {  	v3 =	vperm.xlane v3, v2;
	v4 =	vadd.s32 v1, v4;
	_ =	sdelay $0x1  }
0x5e8: {  	v3 =	vadd.s32 v1, v3;
	_ =	sdelay $0x1  }
0x5e9: {  	s18 =	simm.s32 $0x7100  }
0x5ea: {  	[tilespmem:s18], [sflag:$0x3] =	stream.indirect_vreg.gather [hbm4b:s1+s3], $0x80, v4, vm0, $0xb8;
	[tilespmem:$0x10100] =	vst v63  }
0x5eb: {  	s19 =	sld [smem:$0x7FB];
	s20 =	simm.s32 $0x7900  }
0x5ec: {  	[tilespmem:s20], [sflag:$0x3] =	stream.indirect_vreg.gather [hbm4b:s1+s3], $0x80, v3, vm0, $0xb8;
	[tilespmem:$0x10100] =	vst v63  }
0x5ed: {  	s21 =	simm.s32 $0x80  }
0x5ee: {  	[tilespmem:s21], [sflag:$0x2] =	stream.linear.gather [hbm4b:s19+s3], $0x80, $0x38;
	[tilespmem:$0x10100] =	vst v63  }
0x5ef: {  	_ =	swait.ge [sflag:s23], $0x8000  }
0x5f0: {  	s21 =	sld [smem:$0x7FC]  }
0x5f1: {  	[sflag:s23] =	ssyncset.done $0x0  }
0x5f2: {  	[sflag:s23] =	ssyncadd.s32 $0xFFFF8000  }
0x5f3: {  	[hbm4b:s21+s3] =	stream.linear.scatter [tilespmem:s6], [sflag:$0x5], $0x8000, $0x38;
	[tilespmem:$0x10100] =	vst v63  }
0x5f4: {  	_ =	swait.ge [sflag:s17], $0x8000  }
0x5f5: {  	[sflag:s17] =	ssyncset.done $0x0  }
0x5f6: {  	[sflag:s17] =	ssyncadd.s32 $0xFFFF8000  }
0x5f7: {  	_ =	swait.ge [sflag:s24], $0x80  }
0x5f8: {  	[sflag:s24] =	ssyncset.done $0x0  }
0x5f9: {  	[sflag:s24] =	ssyncadd.s32 $0xFFFFFF80  }
0x5fa: {  	v3 =	vld [tilespmem:$0x80];
	_ =	sdelay $0x4  }
0x5fb: {  	v56 =	vshll.u32 v3, $0x1  }
0x5fc: {  	v3 =	vand.u32 $0x7, v3;
	v4 =	vand.u32 $0xFFFFFFF0, v56  }
0x5fd: {  	v3 =	vor.u32 v3, v4  }
0x5fe: {  	v4 =	vperm.xlane v3, v0;
	_ =	sdelay $0x1  }
0x5ff: {  	v3 =	vperm.xlane v3, v2;
	v4 =	vadd.s32 v1, v4;
	_ =	sdelay $0x1  }
0x600: {  	v3 =	vadd.s32 v1, v3;
	_ =	sdelay $0x2  }
0x601: {  	[tilespmem:s25], [sflag:$0x4] =	stream.indirect_vreg.gather [hbm4b:s1+s3], $0x80, v4, vm0, $0xb8;
	[tilespmem:$0x10100] =	vst v63  }
0x602: {  	s28 =	simm.s32 $0x8900  }
0x603: {  	[tilespmem:s28], [sflag:$0x4] =	stream.indirect_vreg.gather [hbm4b:s1+s3], $0x80, v3, vm0, $0xb8;
	[tilespmem:$0x10100] =	vst v63  }
0x604: {  	v3 =	vld [tilespmem:$0x90];
	_ =	sdelay $0x4  }
0x605: {  	v57 =	vshll.u32 v3, $0x1  }
0x606: {  	v3 =	vand.u32 $0x7, v3;
	v4 =	vand.u32 $0xFFFFFFF0, v57  }
0x607: {  	v3 =	vor.u32 v3, v4  }
0x608: {  	v4 =	vperm.xlane v3, v0;
	_ =	sdelay $0x1  }
0x609: {  	v3 =	vperm.xlane v3, v2;
	v4 =	vadd.s32 v1, v4;
	_ =	sdelay $0x1  }
0x60a: {  	v3 =	vadd.s32 v1, v3;
	_ =	sdelay $0x1  }
0x60b: {  	s10 =	simm.s32 $0x9100  }
0x60c: {  	[tilespmem:s10], [sflag:$0x4] =	stream.indirect_vreg.gather [hbm4b:s1+s3], $0x80, v4, vm0, $0xb8;
	[tilespmem:$0x10100] =	vst v63  }
0x60d: {  	s31 =	simm.s32 $0x9900  }
0x60e: {  	[tilespmem:s31], [sflag:$0x4] =	stream.indirect_vreg.gather [hbm4b:s1+s3], $0x80, v3, vm0, $0xb8;
	[tilespmem:$0x10100] =	vst v63  }
0x60f: {  	v3 =	vld [tilespmem:$0xA0];
	_ =	sdelay $0x4  }
0x610: {  	v58 =	vshll.u32 v3, $0x1  }
0x611: {  	v3 =	vand.u32 $0x7, v3;
	v4 =	vand.u32 $0xFFFFFFF0, v58  }
0x612: {  	v3 =	vor.u32 v3, v4  }
0x613: {  	v4 =	vperm.xlane v3, v0;
	_ =	sdelay $0x1  }
0x614: {  	v3 =	vperm.xlane v3, v2;
	v4 =	vadd.s32 v1, v4;
	_ =	sdelay $0x1  }
0x615: {  	v3 =	vadd.s32 v1, v3;
	_ =	sdelay $0x1  }
0x616: {  	s29 =	simm.s32 $0xA100  }
0x617: {  	[tilespmem:s29], [sflag:$0x4] =	stream.indirect_vreg.gather [hbm4b:s1+s3], $0x80, v4, vm0, $0xb8;
	[tilespmem:$0x10100] =	vst v63  }
0x618: {  	s9 =	simm.s32 $0xA900  }
0x619: {  	[tilespmem:s9], [sflag:$0x4] =	stream.indirect_vreg.gather [hbm4b:s1+s3], $0x80, v3, vm0, $0xb8;
	[tilespmem:$0x10100] =	vst v63  }
0x61a: {  	v3 =	vld [tilespmem:$0xB0];
	_ =	sdelay $0x4  }
0x61b: {  	v59 =	vshll.u32 v3, $0x1  }
0x61c: {  	v3 =	vand.u32 $0x7, v3;
	v4 =	vand.u32 $0xFFFFFFF0, v59  }
0x61d: {  	v3 =	vor.u32 v3, v4  }
0x61e: {  	v4 =	vperm.xlane v3, v0;
	_ =	sdelay $0x1  }
0x61f: {  	v3 =	vperm.xlane v3, v2;
	v4 =	vadd.s32 v1, v4;
	_ =	sdelay $0x1  }
0x620: {  	v3 =	vadd.s32 v1, v3;
	_ =	sdelay $0x1  }
0x621: {  	s0 =	simm.s32 $0xB100  }
0x622: {  	[tilespmem:s0], [sflag:$0x4] =	stream.indirect_vreg.gather [hbm4b:s1+s3], $0x80, v4, vm0, $0xb8;
	[tilespmem:$0x10100] =	vst v63  }
0x623: {  	s22 =	simm.s32 $0xB900  }
0x624: {  	[tilespmem:s22], [sflag:$0x4] =	stream.indirect_vreg.gather [hbm4b:s1+s3], $0x80, v3, vm0, $0xb8;
	[tilespmem:$0x10100] =	vst v63  }
0x625: {  	v3 =	vld [tilespmem:$0xC0];
	_ =	sdelay $0x4  }
0x626: {  	v60 =	vshll.u32 v3, $0x1  }
0x627: {  	v3 =	vand.u32 $0x7, v3;
	v4 =	vand.u32 $0xFFFFFFF0, v60  }
0x628: {  	v3 =	vor.u32 v3, v4  }
0x629: {  	v4 =	vperm.xlane v3, v0;
	_ =	sdelay $0x1  }
0x62a: {  	v3 =	vperm.xlane v3, v2;
	v4 =	vadd.s32 v1, v4;
	_ =	sdelay $0x1  }
0x62b: {  	v3 =	vadd.s32 v1, v3;
	_ =	sdelay $0x1  }
0x62c: {  	s2 =	simm.s32 $0xC100  }
0x62d: {  	[tilespmem:s2], [sflag:$0x4] =	stream.indirect_vreg.gather [hbm4b:s1+s3], $0x80, v4, vm0, $0xb8;
	[tilespmem:$0x10100] =	vst v63  }
0x62e: {  	s26 =	simm.s32 $0xC900  }
0x62f: {  	[tilespmem:s26], [sflag:$0x4] =	stream.indirect_vreg.gather [hbm4b:s1+s3], $0x80, v3, vm0, $0xb8;
	[tilespmem:$0x10100] =	vst v63  }
0x630: {  	v3 =	vld [tilespmem:$0xD0];
	_ =	sdelay $0x4  }
0x631: {  	v61 =	vshll.u32 v3, $0x1  }
0x632: {  	v3 =	vand.u32 $0x7, v3;
	v4 =	vand.u32 $0xFFFFFFF0, v61  }
0x633: {  	v3 =	vor.u32 v3, v4  }
0x634: {  	v4 =	vperm.xlane v3, v0;
	_ =	sdelay $0x1  }
0x635: {  	v3 =	vperm.xlane v3, v2;
	v4 =	vadd.s32 v1, v4;
	_ =	sdelay $0x1  }
0x636: {  	v3 =	vadd.s32 v1, v3;
	_ =	sdelay $0x1  }
0x637: {  	s4 =	simm.s32 $0xD100  }
0x638: {  	[tilespmem:s4], [sflag:$0x4] =	stream.indirect_vreg.gather [hbm4b:s1+s3], $0x80, v4, vm0, $0xb8;
	[tilespmem:$0x10100] =	vst v63  }
0x639: {  	s30 =	simm.s32 $0xD900  }
0x63a: {  	[tilespmem:s30], [sflag:$0x4] =	stream.indirect_vreg.gather [hbm4b:s1+s3], $0x80, v3, vm0, $0xb8;
	[tilespmem:$0x10100] =	vst v63  }
0x63b: {  	v3 =	vld [tilespmem:$0xE0];
	_ =	sdelay $0x4  }
0x63c: {  	v62 =	vshll.u32 v3, $0x1  }
0x63d: {  	v3 =	vand.u32 $0x7, v3;
	v4 =	vand.u32 $0xFFFFFFF0, v62  }
0x63e: {  	v3 =	vor.u32 v3, v4  }
0x63f: {  	v4 =	vperm.xlane v3, v0;
	_ =	sdelay $0x1  }
0x640: {  	v3 =	vperm.xlane v3, v2;
	v4 =	vadd.s32 v1, v4;
	_ =	sdelay $0x1  }
0x641: {  	v3 =	vadd.s32 v1, v3;
	_ =	sdelay $0x1  }
0x642: {  	s7 =	simm.s32 $0xE100  }
0x643: {  	[tilespmem:s7], [sflag:$0x4] =	stream.indirect_vreg.gather [hbm4b:s1+s3], $0x80, v4, vm0, $0xb8;
	[tilespmem:$0x10100] =	vst v63  }
0x644: {  	s8 =	simm.s32 $0xE900  }
0x645: {  	[tilespmem:s8], [sflag:$0x4] =	stream.indirect_vreg.gather [hbm4b:s1+s3], $0x80, v3, vm0, $0xb8;
	[tilespmem:$0x10100] =	vst v63  }
0x646: {  	v3 =	vld [tilespmem:$0xF0];
	_ =	sdelay $0x4  }
0x647: {  	v63 =	vshll.u32 v3, $0x1  }
0x648: {  	v3 =	vand.u32 $0x7, v3;
	v4 =	vand.u32 $0xFFFFFFF0, v63  }
0x649: {  	v3 =	vor.u32 v3, v4  }
0x64a: {  	v4 =	vperm.xlane v3, v0;
	_ =	sdelay $0x1  }
0x64b: {  	v3 =	vperm.xlane v3, v2;
	v4 =	vadd.s32 v1, v4;
	_ =	sdelay $0x1  }
0x64c: {  	v3 =	vadd.s32 v1, v3;
	_ =	sdelay $0x1  }
0x64d: {  	s11 =	simm.s32 $0xF100  }
0x64e: {  	[tilespmem:s11], [sflag:$0x4] =	stream.indirect_vreg.gather [hbm4b:s1+s3], $0x80, v4, vm0, $0xb8;
	[tilespmem:$0x10100] =	vst v63  }
0x64f: {  	s12 =	simm.s32 $0xF900  }
0x650: {  	[tilespmem:s12], [sflag:$0x4] =	stream.indirect_vreg.gather [hbm4b:s1+s3], $0x80, v3, vm0, $0xb8;
	[tilespmem:$0x10100] =	vst v63  }
0x651: {  	s29 =	sld [smem:$0x7F9];
	_ =	swait.ge [sflag:s15], $0x8000  }
0x652: {  	s31 =	sld [smem:$0x7FD]  }
0x653: {  	[sflag:s15] =	ssyncset.done $0x0  }
0x654: {  	[sflag:s15] =	ssyncadd.s32 $0xFFFF8000  }
0x655: {  	[hbm4b:s31+s3] =	stream.linear.scatter [tilespmem:s25], [sflag:$0x6], $0x8000, $0x38;
	[tilespmem:$0x10100] =	vst v63  }
0x656: {  	p0 =	sne.s32 s29, $0x1;
	_ =	swait.ge [sflag:s16], $0x8000  }
.Ltmp0:
0x657: {  	[sflag:s16] =	ssyncset.done $0x0;
	(pc) =	sbr.rel @p0 .LBB2_1-.Ltmp0, $4  }
0x658: {  	[sflag:s16] =	ssyncadd.s32 $0xFFFF8000  }
0x659: {  	_ =	swait.ge [sflag:s17], $0x8000  }
0x65a: {  	[sflag:s17] =	ssyncset.done $0x0  }
0x65b: {  	s0 =	sadd.s32 $0xFFFFFFFF, s29;
	[sflag:s17] =	ssyncadd.s32 $0xFFFF8000  }
0x65c: {  	_ =	sfence.sel $0x180000  }
0x65d: {  	[bflag:$0x0] =	sbarrier.arrive $0xFFFF  }
0x65e: {  	_ =	strace $0x90000047  }
0x65f: {  	s0 =	stileid.u32;
	[bflag:$0x2] =	sbarrier.arrive $0xFFFF  }
0x660: {  	p0 =	sne.s32 s0, $0x0;
	s0 =	rddreg [dreg:$0x3]  }
0x661: {  	s0 =	sadd.s32 @!p0 $0x100000, s0  }
0x662: {  	[sflag:s0] =	ssyncadd.tile.s32 @!p0 $0x1;
	_ =	shalt  }
.Lfunc_end2:
_tile_overlayer_lowered:
.L_overlay_start_2:
0x663: {  	(tag) =	ssettag $0x2  }
0x664: {  	s0 =	rddreg [dreg:$0x0];
	s2 =	stileid.u32  }
0x665: {  	s1 =	rddreg [dreg:$0x1];
	p0 =	sne.s32 s2, $0x0  }
0x666: {  	s3 =	rddreg [dreg:$0x2];
	[bflag:$0x3] =	sbarrier.arrive $0xFFFF;
	s2 =	simm.s32 @!p0 $0x1C07  }
0x667: {  	[timem:s3], [sflag:s2] =	dma.local @!p0 [hbm:s0], s1  }
0x668: {  	s0 =	simm.s32 @!p0 $0x7  }
0x669: {  	_ =	swait.ge @!p0 [sflag:s0], s1  }
0x66a: {  	s1 =	ssub.s32 @!p0 $0x0, s1;
	[sflag:s0] =	ssyncset.done @!p0 $0x0  }
0x66b: {  	[sflag:s0] =	ssyncadd.s32 @!p0 s1  }
0x66c: {  	[bflag:$0x3] =	sbarrier.arrive $0xFFFF  }
0x66d: {  	_ =	shalt  }

</sc_bundles>
